<compile_context>
chip_gen: v7x
topology: tpu7x:2x2x1
jax: 0.10.2.dev20260603
libtpu: 0.0.44.dev20260713+nightly
codegen_flags: <defaults>
</compile_context>

<pallas_src>
import functools

import jax
import jax.numpy as jnp
from jax import lax
from jax.experimental import pallas as pl
from jax.experimental.pallas import tpu as pltpu
from jax.experimental.pallas import tpu_sc as plsc

B, N, NPOINT, NSAMPLE, CIN = 4, 8192, 2048, 32, 32
C0, C1, C2 = CIN + 3, 32, 64
CP = 40
POS = B * NPOINT
P = 1024
NPT = POS // P
M = POS * NSAMPLE
EPS = 1e-5


SR = 256
NT = (B * NPOINT) // SR
FC = 32
NFC = N // FC
CC = 4
NCC = NFC // CC
CAP = 128
ROWS_PER_W = (B * NPOINT) // 32
RBLK = 64
TPAD = 3e-5


def _thresh_kernel(q_ref, pt_ref, e_ref, c32t_ref, that_ref):
    q = q_ref[...]
    p = pt_ref[0]
    qn2 = jnp.sum(q * q, axis=1, keepdims=True)
    pn2 = jnp.sum(p * p, axis=0, keepdims=True)
    qp = jax.lax.dot_general(q, p, (((1,), (0,)), ((), ())),
                             preferred_element_type=jnp.float32)
    e_ref[...] = qn2 + pn2 - 2.0 * qp
    pq = jax.lax.dot_general(p, q, (((0,), (1,)), ((), ())),
                             preferred_element_type=jnp.float32)
    et = pn2.reshape(N, 1) + qn2.reshape(1, SR) - 2.0 * pq
    c32t = jnp.min(et.reshape(NFC, FC, SR), axis=1)
    w = jnp.min(c32t.reshape(NCC, CC, SR), axis=1)
    c32t_ref[...] = w
    m = None
    for _ in range(NSAMPLE):
        m = jnp.min(w, axis=0, keepdims=True)
        w = jnp.where(w <= m, jnp.inf, w)
    that_ref[...] = m


CCSZ = FC * CC
EBLK = 8


def _collect_kernel(e_hbm, c64_hbm, that_hbm,
                    outv_hbm, outi_hbm,
                    c64b, cvb, cib, survb, erows, tv):
    w = lax.axis_index("s") * 2 + lax.axis_index("c")
    row0 = w * ROWS_PER_W
    iota16 = lax.iota(jnp.int32, 16)
    inf16 = jnp.full((16,), jnp.inf, jnp.float32)
    zero16 = jnp.zeros((16,), jnp.int32)

    def blk_body(blk, _):
        r0 = row0 + blk * EBLK
        pltpu.sync_copy(c64_hbm.at[pl.ds(r0 * NCC, EBLK * NCC)], c64b)
        pltpu.sync_copy(that_hbm.at[pl.ds(r0, EBLK)], tv.at[pl.ds(0, EBLK)])
        pltpu.sync_copy(e_hbm.at[pl.ds(r0 * N, EBLK * N)], erows)

        def row_body(r, carry):
            def pre_body(v, c):
                cvb[pl.ds(r * CAP + v * 16, 16)] = inf16
                cib[pl.ds(r * CAP + v * 16, 16)] = zero16
                return c
            lax.fori_loop(0, CAP // 16, pre_body, jnp.int32(0))
            t16 = tv[pl.ds(r, 16)]
            ti = t16[0] + (TPAD + 1e-5 * jnp.abs(t16[0]))
            tiv = jnp.full((16,), ti, jnp.float32)

            def sv_body(v, nsurv):
                cm = c64b[pl.ds(r * NCC + v * 16, 16)]
                mask = cm <= tiv
                plsc.store_compressed(survb.at[pl.ds(nsurv, 16)],
                                      iota16 + v * 16, mask=mask)
                return nsurv + jnp.sum(mask.astype(jnp.int32))
            nsurv = lax.fori_loop(0, NCC // 16, sv_body, jnp.int32(0))

            def ch_body(si, ptr):
                ch16 = survb[pl.ds(si, 16)]
                ch = ch16[0]
                for half in range(CCSZ // 16):
                    d2v = erows[pl.ds(r * N + ch * CCSZ + half * 16, 16)]
                    mask = d2v <= tiv
                    pidv = ch * CCSZ + iota16 + half * 16
                    plsc.store_compressed(cvb.at[pl.ds(r * CAP + ptr, 16)],
                                          d2v, mask=mask)
                    plsc.store_compressed(cib.at[pl.ds(r * CAP + ptr, 16)],
                                          pidv, mask=mask)
                    ptr = jnp.minimum(ptr + jnp.sum(mask.astype(jnp.int32)),
                                      CAP - 16)
                return ptr

            lax.fori_loop(0, nsurv, ch_body, jnp.int32(0))
            return carry

        lax.fori_loop(0, EBLK, row_body, jnp.int32(0))
        pltpu.sync_copy(cvb, outv_hbm.at[pl.ds(r0 * CAP, EBLK * CAP)])
        pltpu.sync_copy(cib, outi_hbm.at[pl.ds(r0 * CAP, EBLK * CAP)])
        return _

    lax.fori_loop(0, ROWS_PER_W // EBLK, blk_body, jnp.int32(0))


SR3 = 1024


def _select_kernel(cv_ref, ci_ref, idx_ref):
    e = cv_ref[...]
    ids = ci_ref[...]
    iota = lax.broadcasted_iota(jnp.int32, (SR3, CAP), 1)
    big = jnp.int32(2 ** 30)
    cols = []
    for _ in range(NSAMPLE):
        m = jnp.min(e, axis=1, keepdims=True)
        cand = jnp.where(e == m, iota, big)
        am = jnp.min(cand, axis=1, keepdims=True)
        hit = iota == am
        pid = jnp.min(jnp.where(hit, ids, big), axis=1, keepdims=True)
        cols.append(pid)
        e = jnp.where(hit, jnp.inf, e)
    idx_ref[...] = jnp.concatenate(cols, axis=1)


def _mlp_kernel(gt_ref, w1_ref, g1_ref, be1_ref, w2_ref,
                outm_ref, s2o_ref, q2o_ref,
                s1_ref, q1_ref, s2_ref, q2_ref):
    p = pl.program_id(0)
    t = pl.program_id(1)
    j = pl.program_id(2)

    g = gt_ref[0]
    y1 = jax.lax.dot_general(w1_ref[...], g, (((1,), (0,)), ((), ())),
                             preferred_element_type=jnp.float32)

    first = jnp.logical_and(p == 0, jnp.logical_and(t == 0, j == 0))

    @pl.when(first)
    def _init1():
        s1_ref[...] = jnp.zeros_like(s1_ref)
        q1_ref[...] = jnp.zeros_like(q1_ref)

    @pl.when(p == 0)
    def _phase0():
        part = y1.reshape(C1, P // 128, 128)
        s1_ref[...] += part.sum(axis=1)
        q1_ref[...] += (part * part).sum(axis=1)

    @pl.when(p == 1)
    def _phase1():
        @pl.when(jnp.logical_and(t == 0, j == 0))
        def _init2():
            s2_ref[...] = jnp.zeros_like(s2_ref)
            q2_ref[...] = jnp.zeros_like(q2_ref)

        sum1 = jnp.sum(s1_ref[...], axis=1, keepdims=True)
        sq1 = jnp.sum(q1_ref[...], axis=1, keepdims=True)
        m1 = sum1 * (1.0 / M)
        v1 = sq1 * (1.0 / M) - m1 * m1
        r1 = jax.lax.rsqrt(v1 + EPS) * g1_ref[...]
        h1 = jnp.maximum((y1 - m1) * r1 + be1_ref[...], 0.0)

        y2 = jax.lax.dot_general(w2_ref[...], h1, (((1,), (0,)), ((), ())),
                                 preferred_element_type=jnp.float32)

        part2 = y2.reshape(C2, P // 128, 128)
        s2_ref[...] += part2.sum(axis=1)
        q2_ref[...] += (part2 * part2).sum(axis=1)

        @pl.when(j == 0)
        def _mx0():
            outm_ref[...] = y2

        @pl.when(j > 0)
        def _mx():
            outm_ref[...] = jnp.maximum(outm_ref[...], y2)

        s2o_ref[...] = s2_ref[...]
        q2o_ref[...] = q2_ref[...]


def _finalize_kernel(x_ref, s2_ref, q2_ref, g2_ref, be2_ref, o_ref):
    sum2 = jnp.sum(s2_ref[...], axis=1, keepdims=True)
    sq2 = jnp.sum(q2_ref[...], axis=1, keepdims=True)
    m2 = sum2 * (1.0 / M)
    v2 = sq2 * (1.0 / M) - m2 * m2
    r2 = jax.lax.rsqrt(v2 + EPS) * g2_ref[...]
    o_ref[...] = jnp.maximum((x_ref[...] - m2) * r2 + be2_ref[...], 0.0)


@functools.partial(jax.jit, static_argnames=())
def kernel(xyz, features, W1, b1, g1, be1, W2, b2, g2, be2):
    keys = jax.random.split(jax.random.key(42), B)
    fps_idx = jax.vmap(lambda k: jax.random.permutation(k, N)[:NPOINT])(keys)
    new_xyz = jnp.take_along_axis(xyz, fps_idx[:, :, None], axis=1)

    qflat = new_xyz.reshape(B * NPOINT, 3)
    pt = xyz.transpose(0, 2, 1)
    e, c32t, that = pl.pallas_call(
        _thresh_kernel,
        grid=(NT,),
        in_specs=[
            pl.BlockSpec((SR, 3), lambda t: (t, 0)),
            pl.BlockSpec((1, 3, N), lambda t: (t // (NPOINT // SR), 0, 0)),
        ],
        out_specs=[
            pl.BlockSpec((SR, N), lambda t: (t, 0)),
            pl.BlockSpec((NCC, SR), lambda t: (0, t)),
            pl.BlockSpec((1, SR), lambda t: (0, t)),
        ],
        out_shape=[
            jax.ShapeDtypeStruct((B * NPOINT, N), jnp.float32),
            jax.ShapeDtypeStruct((NCC, B * NPOINT), jnp.float32),
            jax.ShapeDtypeStruct((1, B * NPOINT), jnp.float32),
        ],
    )(qflat, pt)
    c32 = c32t.T

    collect = pl.kernel(
        _collect_kernel,
        out_type=[
            jax.ShapeDtypeStruct((B * NPOINT * CAP,), jnp.float32),
            jax.ShapeDtypeStruct((B * NPOINT * CAP,), jnp.int32),
        ],
        mesh=plsc.VectorSubcoreMesh(core_axis_name="c", subcore_axis_name="s"),
        compiler_params=pltpu.CompilerParams(needs_layout_passes=False),
        scratch_types=[
            pltpu.VMEM((EBLK * NCC,), jnp.float32),
            pltpu.VMEM((EBLK * CAP,), jnp.float32),
            pltpu.VMEM((EBLK * CAP,), jnp.int32),
            pltpu.VMEM((NCC + 16,), jnp.int32),
            pltpu.VMEM((EBLK * N,), jnp.float32),
            pltpu.VMEM((EBLK + 16,), jnp.float32),
        ],
    )
    cvf, cif = collect(e.reshape(-1), c32.reshape(-1), that.reshape(-1))
    cv = cvf.reshape(B * NPOINT, CAP)
    ci = cif.reshape(B * NPOINT, CAP)

    idx_flat = pl.pallas_call(
        _select_kernel,
        grid=((B * NPOINT) // SR3,),
        in_specs=[
            pl.BlockSpec((SR3, CAP), lambda t: (t, 0)),
            pl.BlockSpec((SR3, CAP), lambda t: (t, 0)),
        ],
        out_specs=pl.BlockSpec((SR3, NSAMPLE), lambda t: (t, 0)),
        out_shape=jax.ShapeDtypeStruct((B * NPOINT, NSAMPLE), jnp.int32),
    )(cv, ci)
    idx = idx_flat.reshape(B, NPOINT, NSAMPLE)

    gather = jax.vmap(lambda pts, i: pts[i])
    grouped_xyz = gather(xyz, idx) - new_xyz[:, :, None, :]
    grouped_feat = gather(features, idx)
    grouped = jnp.concatenate(
        [grouped_xyz, grouped_feat,
         jnp.zeros((B, NPOINT, NSAMPLE, CP - C0), jnp.float32)], axis=-1)
    gt = grouped.transpose(2, 3, 0, 1).reshape(NSAMPLE, CP, POS)

    w1p = jnp.concatenate([W1, jnp.zeros((C1, CP - C0), jnp.float32)], axis=1)

    outm, s2, q2 = pl.pallas_call(
        _mlp_kernel,
        grid=(2, NPT, NSAMPLE),
        in_specs=[
            pl.BlockSpec((1, CP, P), lambda p, t, j: (j, 0, t)),
            pl.BlockSpec((C1, CP), lambda p, t, j: (0, 0)),
            pl.BlockSpec((C1, 1), lambda p, t, j: (0, 0)),
            pl.BlockSpec((C1, 1), lambda p, t, j: (0, 0)),
            pl.BlockSpec((C2, C1), lambda p, t, j: (0, 0)),
        ],
        out_specs=[
            pl.BlockSpec((C2, P), lambda p, t, j: (0, t)),
            pl.BlockSpec((C2, 128), lambda p, t, j: (0, 0)),
            pl.BlockSpec((C2, 128), lambda p, t, j: (0, 0)),
        ],
        out_shape=[
            jax.ShapeDtypeStruct((C2, POS), jnp.float32),
            jax.ShapeDtypeStruct((C2, 128), jnp.float32),
            jax.ShapeDtypeStruct((C2, 128), jnp.float32),
        ],
        scratch_shapes=[
            pltpu.VMEM((C1, 128), jnp.float32),
            pltpu.VMEM((C1, 128), jnp.float32),
            pltpu.VMEM((C2, 128), jnp.float32),
            pltpu.VMEM((C2, 128), jnp.float32),
        ],
    )(gt, w1p, g1.reshape(C1, 1), be1.reshape(C1, 1), W2)

    outf = pl.pallas_call(
        _finalize_kernel,
        grid=(1,),
        in_specs=[
            pl.BlockSpec((C2, POS), lambda i: (0, 0)),
            pl.BlockSpec((C2, 128), lambda i: (0, 0)),
            pl.BlockSpec((C2, 128), lambda i: (0, 0)),
            pl.BlockSpec((C2, 1), lambda i: (0, 0)),
            pl.BlockSpec((C2, 1), lambda i: (0, 0)),
        ],
        out_specs=pl.BlockSpec((C2, POS), lambda i: (0, 0)),
        out_shape=jax.ShapeDtypeStruct((C2, POS), jnp.float32),
    )(outm, s2, q2, g2.reshape(C2, 1), be2.reshape(C2, 1))

    new_features = outf.T.reshape(B, NPOINT, C2)
    return new_xyz, new_features

# --- scband reference (transcript-rebuilt; emitter-appended) ---
"""Pipeline reference for scband-set-abstraction-1211180777511 (READ-ONLY COPY).

The authoritative reference and input builder live on the scoring server;
editing this copy changes nothing except your own understanding.
"""

import jax, jax.numpy as jnp
import numpy as np

B, N, NPOINT, NSAMPLE, CIN = 4, 8192, 2048, 32, 32
C0 = CIN + 3
C1, C2 = 32, 64


def setup_inputs(seed: int = 0) -> dict:
    key = jax.random.key(seed)
    ks = jax.random.split(key, 6)
    xyz = jax.random.normal(ks[0], (B, N, 3), dtype=jnp.float32)
    features = jax.random.normal(ks[1], (B, N, CIN), dtype=jnp.float32)
    W1 = jax.random.normal(ks[2], (C1, C0), dtype=jnp.float32) * (1.0 / np.sqrt(C0))
    b1 = jnp.zeros((C1,), dtype=jnp.float32)
    g1 = jnp.ones((C1,), dtype=jnp.float32)
    be1 = jnp.zeros((C1,), dtype=jnp.float32)
    W2 = jax.random.normal(ks[3], (C2, C1), dtype=jnp.float32) * (1.0 / np.sqrt(C1))
    b2 = jnp.zeros((C2,), dtype=jnp.float32)
    g2 = jnp.ones((C2,), dtype=jnp.float32)
    be2 = jnp.zeros((C2,), dtype=jnp.float32)
    return {"xyz": xyz, "features": features, "W1": W1, "b1": b1, "g1": g1,
            "be1": be1, "W2": W2, "b2": b2, "g2": g2, "be2": be2}


def _bn_relu(x, g, b):
    # BatchNorm1d in training mode: batch stats over (batch, spatial) dims.
    mean = jnp.mean(x, axis=(0, 2), keepdims=True)
    var = jnp.var(x, axis=(0, 2), keepdims=True)
    xh = (x - mean) / jnp.sqrt(var + 1e-5)
    return jax.nn.relu(xh * g[None, :, None] + b[None, :, None])


def reference(xyz, features, W1, b1, g1, be1, W2, b2, g2, be2):
    # random_sample: per-batch random permutation, take first npoint
    keys = jax.random.split(jax.random.key(42), B)
    fps_idx = jax.vmap(lambda k: jax.random.permutation(k, N)[:NPOINT])(keys)
    new_xyz = jnp.take_along_axis(xyz, fps_idx[:, :, None], axis=1)  # (B, S, 3)
    # squared pairwise distances (B, S, N)
    d2 = (jnp.sum(new_xyz ** 2, axis=-1)[:, :, None]
          + jnp.sum(xyz ** 2, axis=-1)[:, None, :]
          - 2.0 * jnp.einsum('bsc,bnc->bsn', new_xyz, xyz))
    # kNN: smallest-k -> top_k of negated distances
    _, idx = jax.lax.top_k(-d2, NSAMPLE)  # (B, S, k)
    gather = jax.vmap(lambda pts, i: pts[i])  # (N, C), (S, k) -> (S, k, C)
    grouped_xyz = gather(xyz, idx) - new_xyz[:, :, None, :]  # (B, S, k, 3)
    grouped_feat = gather(features, idx)  # (B, S, k, CIN)
    grouped = jnp.concatenate([grouped_xyz, grouped_feat], axis=-1)  # (B, S, k, C0)
    x = grouped.reshape(B * NPOINT, NSAMPLE, C0).transpose(0, 2, 1)  # (B*S, C0, k)
    x = _bn_relu(jnp.einsum('oc,bck->bok', W1, x) + b1[None, :, None], g1, be1)
    x = _bn_relu(jnp.einsum('oc,bck->bok', W2, x) + b2[None, :, None], g2, be2)
    new_features = jnp.max(x, axis=-1).reshape(B, NPOINT, C2)
    return new_xyz, new_features

if __name__ == "__main__":
    import jax
    _d = setup_inputs()
    print(jax.jit(kernel)(*tuple(_d.values())))

</pallas_src>

<mosaic_0001>
#map = affine_map<(d0, d1) -> (0)>
module attributes {stable_mosaic.version = 14 : i64} {
  func.func @_collect_kernel(%arg0: i32, %arg1: i32, %arg2: memref<67108864xf32, #tpu.memory_space<hbm>>, %arg3: memref<524288xf32, #tpu.memory_space<hbm>>, %arg4: memref<8192xf32, #tpu.memory_space<hbm>>, %arg5: memref<1048576xf32, #tpu.memory_space<hbm>>, %arg6: memref<1048576xi32, #tpu.memory_space<hbm>>, %arg7: memref<512xf32, #tpu.memory_space<vmem>>, %arg8: memref<1024xf32, #tpu.memory_space<vmem>>, %arg9: memref<1024xi32, #tpu.memory_space<vmem>>, %arg10: memref<80xi32, #tpu.memory_space<vmem>>, %arg11: memref<65536xf32, #tpu.memory_space<vmem>>, %arg12: memref<24xf32, #tpu.memory_space<vmem>>) attributes {dimension_semantics = [#tpu.dimension_semantics<core_parallel>, #tpu.dimension_semantics<subcore_parallel>], iteration_bounds = array<i64: 2, 16>, scalar_prefetch = 0 : i64, scratch_operands = 6 : i64, tpu.core_type = #tpu.core_type<sc_vector_subcore>, window_params = [{transform_indices = #map}, {transform_indices = #map}, {transform_indices = #map}, {transform_indices = #map}, {transform_indices = #map}]} {
    %mul3A = arith.constant 2 : i32
    %mul3A_0 = arith.muli %arg1, %mul3A : i32
    %add3A = arith.addi %mul3A_0, %arg0 : i32
    %mul3A_1 = arith.constant 256 : i32
    %mul3A_2 = arith.muli %add3A, %mul3A_1 : i32
    %iota3A = tpu.iota {dimensions = array<i32: 0>} : vector<16xi32>
    %broadcast_in_dim3A = arith.constant 0x7F800000 : f32
    %broadcast_in_dim3A_3 = vector.broadcast %broadcast_in_dim3A : f32 to vector<16xf32>
    %broadcast_in_dim3A_4 = arith.constant 0 : i32
    %broadcast_in_dim3A_5 = vector.broadcast %broadcast_in_dim3A_4 : i32 to vector<16xi32>
    %scan3A = arith.constant 0 : i32
    %scan3A_6 = arith.constant 0 : i32
    %scan3A_7 = arith.constant 32 : i32
    %scan3A_8 = arith.addi %scan3A_6, %scan3A_7 : i32
    %scan3A_9 = arith.constant 1 : i32
    scf.for %scan3A_11 = %scan3A_6 to %scan3A_8 step %scan3A_9  : i32 {
      %mul3A_12 = arith.constant 8 : i32
      %mul3A_13 = arith.muli %scan3A_11, %mul3A_12 : i32
      %add3A_14 = arith.addi %mul3A_2, %mul3A_13 : i32
      %mul3A_15 = arith.constant 64 : i32
      %mul3A_16 = arith.muli %add3A_14, %mul3A_15 : i32
      "tpu.region"() ({
        %run_scoped3A = tpu.sem_alloc : memref<!tpu.dma_semaphore, #tpu.memory_space<semaphore_mem>>
        %dma_start3A = tpu.memref_slice %arg3[%mul3A_16] : memref<524288xf32, #tpu.memory_space<hbm>> -> memref<512xf32, #tpu.memory_space<hbm>>
        %dma_start3A_29 = tpu.memref_slice %arg3[%mul3A_16] : memref<524288xf32, #tpu.memory_space<hbm>> -> memref<512xf32, #tpu.memory_space<hbm>>
        tpu.enqueue_dma source(%dma_start3A_29 : memref<512xf32, #tpu.memory_space<hbm>>) target(%arg7 : memref<512xf32, #tpu.memory_space<vmem>>) target_semaphore(%run_scoped3A : memref<!tpu.dma_semaphore, #tpu.memory_space<semaphore_mem>>)
        %dma_wait3A = tpu.memref_slice %arg3[%mul3A_16] : memref<524288xf32, #tpu.memory_space<hbm>> -> memref<512xf32, #tpu.memory_space<hbm>>
        %dma_wait3A_30 = tpu.memref_slice %arg3[%mul3A_16] : memref<524288xf32, #tpu.memory_space<hbm>> -> memref<512xf32, #tpu.memory_space<hbm>>
        tpu.wait_dma2 semaphore(%run_scoped3A : memref<!tpu.dma_semaphore, #tpu.memory_space<semaphore_mem>>) src(%dma_wait3A_30 : memref<512xf32, #tpu.memory_space<hbm>>) dst(%arg7 : memref<512xf32, #tpu.memory_space<vmem>>)
        tpu.yield
      }) : () -> ()
      "tpu.region"() ({
        %run_scoped3A = tpu.sem_alloc : memref<!tpu.dma_semaphore, #tpu.memory_space<semaphore_mem>>
        %dma_start3A = arith.constant 0 : i32
        %dma_start3A_29 = tpu.memref_slice %arg12[%dma_start3A] : memref<24xf32, #tpu.memory_space<vmem>> -> memref<8xf32, #tpu.memory_space<vmem>>
        %dma_start3A_30 = tpu.memref_slice %arg4[%add3A_14] : memref<8192xf32, #tpu.memory_space<hbm>> -> memref<8xf32, #tpu.memory_space<hbm>>
        %dma_start3A_31 = arith.constant 0 : i32
        %dma_start3A_32 = tpu.memref_slice %arg12[%dma_start3A_31] : memref<24xf32, #tpu.memory_space<vmem>> -> memref<8xf32, #tpu.memory_space<vmem>>
        %dma_start3A_33 = tpu.memref_slice %arg4[%add3A_14] : memref<8192xf32, #tpu.memory_space<hbm>> -> memref<8xf32, #tpu.memory_space<hbm>>
        tpu.enqueue_dma source(%dma_start3A_33 : memref<8xf32, #tpu.memory_space<hbm>>) target(%dma_start3A_32 : memref<8xf32, #tpu.memory_space<vmem>>) target_semaphore(%run_scoped3A : memref<!tpu.dma_semaphore, #tpu.memory_space<semaphore_mem>>)
        %dma_wait3A = arith.constant 0 : i32
        %dma_wait3A_34 = tpu.memref_slice %arg12[%dma_wait3A] : memref<24xf32, #tpu.memory_space<vmem>> -> memref<8xf32, #tpu.memory_space<vmem>>
        %dma_wait3A_35 = tpu.memref_slice %arg4[%add3A_14] : memref<8192xf32, #tpu.memory_space<hbm>> -> memref<8xf32, #tpu.memory_space<hbm>>
        %dma_wait3A_36 = arith.constant 0 : i32
        %dma_wait3A_37 = tpu.memref_slice %arg12[%dma_wait3A_36] : memref<24xf32, #tpu.memory_space<vmem>> -> memref<8xf32, #tpu.memory_space<vmem>>
        %dma_wait3A_38 = tpu.memref_slice %arg4[%add3A_14] : memref<8192xf32, #tpu.memory_space<hbm>> -> memref<8xf32, #tpu.memory_space<hbm>>
        tpu.wait_dma2 semaphore(%run_scoped3A : memref<!tpu.dma_semaphore, #tpu.memory_space<semaphore_mem>>) src(%dma_wait3A_38 : memref<8xf32, #tpu.memory_space<hbm>>) dst(%dma_wait3A_37 : memref<8xf32, #tpu.memory_space<vmem>>)
        tpu.yield
      }) : () -> ()
      %mul3A_17 = arith.constant 8192 : i32
      %mul3A_18 = arith.muli %add3A_14, %mul3A_17 : i32
      "tpu.region"() ({
        %run_scoped3A = tpu.sem_alloc : memref<!tpu.dma_semaphore, #tpu.memory_space<semaphore_mem>>
        %dma_start3A = tpu.memref_slice %arg2[%mul3A_18] : memref<67108864xf32, #tpu.memory_space<hbm>> -> memref<65536xf32, #tpu.memory_space<hbm>>
        %dma_start3A_29 = tpu.memref_slice %arg2[%mul3A_18] : memref<67108864xf32, #tpu.memory_space<hbm>> -> memref<65536xf32, #tpu.memory_space<hbm>>
        tpu.enqueue_dma source(%dma_start3A_29 : memref<65536xf32, #tpu.memory_space<hbm>>) target(%arg11 : memref<65536xf32, #tpu.memory_space<vmem>>) target_semaphore(%run_scoped3A : memref<!tpu.dma_semaphore, #tpu.memory_space<semaphore_mem>>)
        %dma_wait3A = tpu.memref_slice %arg2[%mul3A_18] : memref<67108864xf32, #tpu.memory_space<hbm>> -> memref<65536xf32, #tpu.memory_space<hbm>>
        %dma_wait3A_30 = tpu.memref_slice %arg2[%mul3A_18] : memref<67108864xf32, #tpu.memory_space<hbm>> -> memref<65536xf32, #tpu.memory_space<hbm>>
        tpu.wait_dma2 semaphore(%run_scoped3A : memref<!tpu.dma_semaphore, #tpu.memory_space<semaphore_mem>>) src(%dma_wait3A_30 : memref<65536xf32, #tpu.memory_space<hbm>>) dst(%arg11 : memref<65536xf32, #tpu.memory_space<vmem>>)
        tpu.yield
      }) : () -> ()
      %scan3A_19 = arith.constant 0 : i32
      %scan3A_20 = arith.constant 0 : i32
      %scan3A_21 = arith.constant 8 : i32
      %scan3A_22 = arith.addi %scan3A_20, %scan3A_21 : i32
      %scan3A_23 = arith.constant 1 : i32
      scf.for %scan3A_29 = %scan3A_20 to %scan3A_22 step %scan3A_23  : i32 {
        %scan3A_30 = arith.constant 0 : i32
        %scan3A_31 = arith.constant 0 : i32
        %scan3A_32 = arith.constant 8 : i32
        %scan3A_33 = arith.addi %scan3A_31, %scan3A_32 : i32
        %scan3A_34 = arith.constant 1 : i32
        scf.for %scan3A_63 = %scan3A_31 to %scan3A_33 step %scan3A_34  : i32 {
          %mul3A_64 = arith.constant 128 : i32
          %mul3A_65 = arith.muli %scan3A_29, %mul3A_64 : i32
          %mul3A_66 = arith.constant 16 : i32
          %mul3A_67 = arith.muli %scan3A_63, %mul3A_66 : i32
          %add3A_68 = arith.addi %mul3A_65, %mul3A_67 : i32
          %swap3A = arith.index_cast %add3A_68 : i32 to index
          %swap3A_69 = tpu.vector_load %arg8[%swap3A] {strides = array<i32>} : memref<1024xf32, #tpu.memory_space<vmem>>, vector<16xf32>,
          tpu.vector_store %arg8[%swap3A], %broadcast_in_dim3A_3 {strides = array<i32>} : memref<1024xf32, #tpu.memory_space<vmem>>, vector<16xf32>,
          %mul3A_70 = arith.constant 128 : i32
          %mul3A_71 = arith.muli %scan3A_29, %mul3A_70 : i32
          %mul3A_72 = arith.constant 16 : i32
          %mul3A_73 = arith.muli %scan3A_63, %mul3A_72 : i32
          %add3A_74 = arith.addi %mul3A_71, %mul3A_73 : i32
          %swap3A_75 = arith.index_cast %add3A_74 : i32 to index
          %swap3A_76 = tpu.vector_load %arg9[%swap3A_75] {strides = array<i32>} : memref<1024xi32, #tpu.memory_space<vmem>>, vector<16xi32>,
          tpu.vector_store %arg9[%swap3A_75], %broadcast_in_dim3A_5 {strides = array<i32>} : memref<1024xi32, #tpu.memory_space<vmem>>, vector<16xi32>,
        }
        %scan3A_35 = arith.constant 8 : i32
        %get3A = arith.index_cast %scan3A_29 : i32 to index
        %get3A_36 = tpu.vector_load %arg12[%get3A] {strides = array<i32>} : memref<24xf32, #tpu.memory_space<vmem>>, vector<16xf32>,
        %slice3A = vector.extract_strided_slice %get3A_36 {offsets = [0], sizes = [1], strides = [1]} : vector<16xf32> to vector<1xf32>
        %squeeze3A = vector.extract %slice3A[0] : f32 from vector<1xf32>
        %slice3A_37 = vector.extract_strided_slice %get3A_36 {offsets = [0], sizes = [1], strides = [1]} : vector<16xf32> to vector<1xf32>
        %squeeze3A_38 = vector.extract %slice3A_37[0] : f32 from vector<1xf32>
        %abs3A = math.absf %squeeze3A_38 : f32
        %mul3A_39 = arith.constant 9.99999974E-6 : f32
        %mul3A_40 = arith.mulf %mul3A_39, %abs3A : f32
        %add3A_41 = arith.constant 3.000000e-05 : f32
        %add3A_42 = arith.addf %add3A_41, %mul3A_40 : f32
        %add3A_43 = arith.addf %squeeze3A, %add3A_42 : f32
        %broadcast_in_dim3A_44 = vector.broadcast %add3A_43 : f32 to vector<16xf32>
        %scan3A_45 = arith.constant 0 : i32
        %scan3A_46 = arith.constant 0 : i32
        %scan3A_47 = arith.constant 4 : i32
        %scan3A_48 = arith.addi %scan3A_46, %scan3A_47 : i32
        %scan3A_49 = arith.constant 1 : i32
        %scan3A_50 = scf.for %scan3A_63 = %scan3A_46 to %scan3A_48 step %scan3A_49 iter_args(%scan3A_64 = %scan3A_45) -> (i32)  : i32 {
          %mul3A_65 = arith.constant 64 : i32
          %mul3A_66 = arith.muli %scan3A_29, %mul3A_65 : i32
          %mul3A_67 = arith.constant 16 : i32
          %mul3A_68 = arith.muli %scan3A_63, %mul3A_67 : i32
          %add3A_69 = arith.addi %mul3A_66, %mul3A_68 : i32
          %get3A_70 = arith.index_cast %add3A_69 : i32 to index
          %get3A_71 = tpu.vector_load %arg7[%get3A_70] {strides = array<i32>} : memref<512xf32, #tpu.memory_space<vmem>>, vector<16xf32>,
          %le3A = arith.cmpf ole, %get3A_71, %broadcast_in_dim3A_44 : vector<16xf32>
          %mul3A_72 = arith.constant 16 : i32
          %mul3A_73 = arith.muli %scan3A_63, %mul3A_72 : i32
          %add3A_74 = vector.broadcast %mul3A_73 : i32 to vector<16xi32>
          %add3A_75 = arith.addi %iota3A, %add3A_74 : vector<16xi32>
          %swap3A = arith.index_cast %scan3A_64 : i32 to index
          %swap3A_76 = tpu.vector_load %arg10[%swap3A] masked %le3A {strides = array<i32>} : memref<80xi32, #tpu.memory_space<vmem>>, vector<16xi32>, vector<16xi1>
          tpu.vector_store %arg10[%swap3A], %add3A_75 masked %le3A {strides = array<i32>} : memref<80xi32, #tpu.memory_space<vmem>>, vector<16xi32>, vector<16xi1>
          %convert_element_type3A = arith.extui %le3A : vector<16xi1> to vector<16xi32>
          %reduce_sum3A = arith.constant true
          %reduce_sum3A_77 = vector.broadcast %reduce_sum3A : i1 to vector<16xi1>
          %reduce_sum3A_78 = tpu.scan <sum>, %convert_element_type3A masked %reduce_sum3A_77 : vector<16xi32>, vector<16xi1> -> vector<16xi32>
          %reduce_sum3A_79 = vector.extract %reduce_sum3A_78[15] : i32 from vector<16xi32>
          %add3A_80 = arith.addi %scan3A_64, %reduce_sum3A_79 : i32
          scf.yield %add3A_80 : i32
        }
        %scan3A_51 = arith.constant 4 : i32
        %while3A = arith.constant 0 : i32
        %while3A_52 = arith.constant 0 : i32
        %while3A_53 = arith.subi %scan3A_50, %while3A : i32
        %while3A_54 = arith.addi %while3A, %while3A_53 : i32
        %while3A_55 = arith.constant 1 : i32
        %while3A_56 = arith.divsi %while3A_53, %while3A_55 : i32
        %while3A_57 = arith.muli %while3A_56, %while3A_55 : i32
        %while3A_58 = arith.addi %while3A, %while3A_57 : i32
        %while3A_59 = arith.constant 1 : i32
        %while3A_60 = scf.for %while3A_63 = %while3A to %while3A_58 step %while3A_59 iter_args(%while3A_64 = %while3A_52) -> (i32)  : i32 {
          %get3A_65 = arith.index_cast %while3A_63 : i32 to index
          %get3A_66 = tpu.vector_load %arg10[%get3A_65] {strides = array<i32>} : memref<80xi32, #tpu.memory_space<vmem>>, vector<16xi32>,
          %slice3A_67 = vector.extract_strided_slice %get3A_66 {offsets = [0], sizes = [1], strides = [1]} : vector<16xi32> to vector<1xi32>
          %squeeze3A_68 = vector.extract %slice3A_67[0] : i32 from vector<1xi32>
          %mul3A_69 = arith.constant 8192 : i32
          %mul3A_70 = arith.muli %scan3A_29, %mul3A_69 : i32
          %mul3A_71 = arith.constant 128 : i32
          %mul3A_72 = arith.muli %squeeze3A_68, %mul3A_71 : i32
          %add3A_73 = arith.addi %mul3A_70, %mul3A_72 : i32
          %add3A_74 = arith.constant 0 : i32
          %add3A_75 = arith.addi %add3A_73, %add3A_74 : i32
          %get3A_76 = arith.index_cast %add3A_75 : i32 to index
          %get3A_77 = tpu.vector_load %arg11[%get3A_76] {strides = array<i32>} : memref<65536xf32, #tpu.memory_space<vmem>>, vector<16xf32>,
          %le3A = arith.cmpf ole, %get3A_77, %broadcast_in_dim3A_44 : vector<16xf32>
          %mul3A_78 = arith.constant 128 : i32
          %mul3A_79 = arith.muli %squeeze3A_68, %mul3A_78 : i32
          %add3A_80 = vector.broadcast %mul3A_79 : i32 to vector<16xi32>
          %add3A_81 = arith.addi %add3A_80, %iota3A : vector<16xi32>
          %add3A_82 = arith.constant 0 : i32
          %add3A_83 = vector.broadcast %add3A_82 : i32 to vector<16xi32>
          %add3A_84 = arith.addi %add3A_81, %add3A_83 : vector<16xi32>
          %mul3A_85 = arith.constant 128 : i32
          %mul3A_86 = arith.muli %scan3A_29, %mul3A_85 : i32
          %add3A_87 = arith.addi %mul3A_86, %while3A_64 : i32
          %swap3A = arith.index_cast %add3A_87 : i32 to index
          %swap3A_88 = tpu.vector_load %arg8[%swap3A] masked %le3A {strides = array<i32>} : memref<1024xf32, #tpu.memory_space<vmem>>, vector<16xf32>, vector<16xi1>
          tpu.vector_store %arg8[%swap3A], %get3A_77 masked %le3A {strides = array<i32>} : memref<1024xf32, #tpu.memory_space<vmem>>, vector<16xf32>, vector<16xi1>
          %mul3A_89 = arith.constant 128 : i32
          %mul3A_90 = arith.muli %scan3A_29, %mul3A_89 : i32
          %add3A_91 = arith.addi %mul3A_90, %while3A_64 : i32
          %swap3A_92 = arith.index_cast %add3A_91 : i32 to index
          %swap3A_93 = tpu.vector_load %arg9[%swap3A_92] masked %le3A {strides = array<i32>} : memref<1024xi32, #tpu.memory_space<vmem>>, vector<16xi32>, vector<16xi1>
          tpu.vector_store %arg9[%swap3A_92], %add3A_84 masked %le3A {strides = array<i32>} : memref<1024xi32, #tpu.memory_space<vmem>>, vector<16xi32>, vector<16xi1>
          %convert_element_type3A = arith.extui %le3A : vector<16xi1> to vector<16xi32>
          %reduce_sum3A = arith.constant true
          %reduce_sum3A_94 = vector.broadcast %reduce_sum3A : i1 to vector<16xi1>
          %reduce_sum3A_95 = tpu.scan <sum>, %convert_element_type3A masked %reduce_sum3A_94 : vector<16xi32>, vector<16xi1> -> vector<16xi32>
          %reduce_sum3A_96 = vector.extract %reduce_sum3A_95[15] : i32 from vector<16xi32>
          %add3A_97 = arith.addi %while3A_64, %reduce_sum3A_96 : i32
          %min3A = arith.constant 112 : i32
          %min3A_98 = arith.minsi %add3A_97, %min3A : i32
          %mul3A_99 = arith.constant 8192 : i32
          %mul3A_100 = arith.muli %scan3A_29, %mul3A_99 : i32
          %mul3A_101 = arith.constant 128 : i32
          %mul3A_102 = arith.muli %squeeze3A_68, %mul3A_101 : i32
          %add3A_103 = arith.addi %mul3A_100, %mul3A_102 : i32
          %add3A_104 = arith.constant 16 : i32
          %add3A_105 = arith.addi %add3A_103, %add3A_104 : i32
          %get3A_106 = arith.index_cast %add3A_105 : i32 to index
          %get3A_107 = tpu.vector_load %arg11[%get3A_106] {strides = array<i32>} : memref<65536xf32, #tpu.memory_space<vmem>>, vector<16xf32>,
          %le3A_108 = arith.cmpf ole, %get3A_107, %broadcast_in_dim3A_44 : vector<16xf32>
          %mul3A_109 = arith.constant 128 : i32
          %mul3A_110 = arith.muli %squeeze3A_68, %mul3A_109 : i32
          %add3A_111 = vector.broadcast %mul3A_110 : i32 to vector<16xi32>
          %add3A_112 = arith.addi %add3A_111, %iota3A : vector<16xi32>
          %add3A_113 = arith.constant 16 : i32
          %add3A_114 = vector.broadcast %add3A_113 : i32 to vector<16xi32>
          %add3A_115 = arith.addi %add3A_112, %add3A_114 : vector<16xi32>
          %mul3A_116 = arith.constant 128 : i32
          %mul3A_117 = arith.muli %scan3A_29, %mul3A_116 : i32
          %add3A_118 = arith.addi %mul3A_117, %min3A_98 : i32
          %swap3A_119 = arith.index_cast %add3A_118 : i32 to index
          %swap3A_120 = tpu.vector_load %arg8[%swap3A_119] masked %le3A_108 {strides = array<i32>} : memref<1024xf32, #tpu.memory_space<vmem>>, vector<16xf32>, vector<16xi1>
          tpu.vector_store %arg8[%swap3A_119], %get3A_107 masked %le3A_108 {strides = array<i32>} : memref<1024xf32, #tpu.memory_space<vmem>>, vector<16xf32>, vector<16xi1>
          %mul3A_121 = arith.constant 128 : i32
          %mul3A_122 = arith.muli %scan3A_29, %mul3A_121 : i32
          %add3A_123 = arith.addi %mul3A_122, %min3A_98 : i32
          %swap3A_124 = arith.index_cast %add3A_123 : i32 to index
          %swap3A_125 = tpu.vector_load %arg9[%swap3A_124] masked %le3A_108 {strides = array<i32>} : memref<1024xi32, #tpu.memory_space<vmem>>, vector<16xi32>, vector<16xi1>
          tpu.vector_store %arg9[%swap3A_124], %add3A_115 masked %le3A_108 {strides = array<i32>} : memref<1024xi32, #tpu.memory_space<vmem>>, vector<16xi32>, vector<16xi1>
          %convert_element_type3A_126 = arith.extui %le3A_108 : vector<16xi1> to vector<16xi32>
          %reduce_sum3A_127 = arith.constant true
          %reduce_sum3A_128 = vector.broadcast %reduce_sum3A_127 : i1 to vector<16xi1>
          %reduce_sum3A_129 = tpu.scan <sum>, %convert_element_type3A_126 masked %reduce_sum3A_128 : vector<16xi32>, vector<16xi1> -> vector<16xi32>
          %reduce_sum3A_130 = vector.extract %reduce_sum3A_129[15] : i32 from vector<16xi32>
          %add3A_131 = arith.addi %min3A_98, %reduce_sum3A_130 : i32
          %min3A_132 = arith.constant 112 : i32
          %min3A_133 = arith.minsi %add3A_131, %min3A_132 : i32
          %mul3A_134 = arith.constant 8192 : i32
          %mul3A_135 = arith.muli %scan3A_29, %mul3A_134 : i32
          %mul3A_136 = arith.constant 128 : i32
          %mul3A_137 = arith.muli %squeeze3A_68, %mul3A_136 : i32
          %add3A_138 = arith.addi %mul3A_135, %mul3A_137 : i32
          %add3A_139 = arith.constant 32 : i32
          %add3A_140 = arith.addi %add3A_138, %add3A_139 : i32
          %get3A_141 = arith.index_cast %add3A_140 : i32 to index
          %get3A_142 = tpu.vector_load %arg11[%get3A_141] {strides = array<i32>} : memref<65536xf32, #tpu.memory_space<vmem>>, vector<16xf32>,
          %le3A_143 = arith.cmpf ole, %get3A_142, %broadcast_in_dim3A_44 : vector<16xf32>
          %mul3A_144 = arith.constant 128 : i32
          %mul3A_145 = arith.muli %squeeze3A_68, %mul3A_144 : i32
          %add3A_146 = vector.broadcast %mul3A_145 : i32 to vector<16xi32>
          %add3A_147 = arith.addi %add3A_146, %iota3A : vector<16xi32>
          %add3A_148 = arith.constant 32 : i32
          %add3A_149 = vector.broadcast %add3A_148 : i32 to vector<16xi32>
          %add3A_150 = arith.addi %add3A_147, %add3A_149 : vector<16xi32>
          %mul3A_151 = arith.constant 128 : i32
          %mul3A_152 = arith.muli %scan3A_29, %mul3A_151 : i32
          %add3A_153 = arith.addi %mul3A_152, %min3A_133 : i32
          %swap3A_154 = arith.index_cast %add3A_153 : i32 to index
          %swap3A_155 = tpu.vector_load %arg8[%swap3A_154] masked %le3A_143 {strides = array<i32>} : memref<1024xf32, #tpu.memory_space<vmem>>, vector<16xf32>, vector<16xi1>
          tpu.vector_store %arg8[%swap3A_154], %get3A_142 masked %le3A_143 {strides = array<i32>} : memref<1024xf32, #tpu.memory_space<vmem>>, vector<16xf32>, vector<16xi1>
          %mul3A_156 = arith.constant 128 : i32
          %mul3A_157 = arith.muli %scan3A_29, %mul3A_156 : i32
          %add3A_158 = arith.addi %mul3A_157, %min3A_133 : i32
          %swap3A_159 = arith.index_cast %add3A_158 : i32 to index
          %swap3A_160 = tpu.vector_load %arg9[%swap3A_159] masked %le3A_143 {strides = array<i32>} : memref<1024xi32, #tpu.memory_space<vmem>>, vector<16xi32>, vector<16xi1>
          tpu.vector_store %arg9[%swap3A_159], %add3A_150 masked %le3A_143 {strides = array<i32>} : memref<1024xi32, #tpu.memory_space<vmem>>, vector<16xi32>, vector<16xi1>
          %convert_element_type3A_161 = arith.extui %le3A_143 : vector<16xi1> to vector<16xi32>
          %reduce_sum3A_162 = arith.constant true
          %reduce_sum3A_163 = vector.broadcast %reduce_sum3A_162 : i1 to vector<16xi1>
          %reduce_sum3A_164 = tpu.scan <sum>, %convert_element_type3A_161 masked %reduce_sum3A_163 : vector<16xi32>, vector<16xi1> -> vector<16xi32>
          %reduce_sum3A_165 = vector.extract %reduce_sum3A_164[15] : i32 from vector<16xi32>
          %add3A_166 = arith.addi %min3A_133, %reduce_sum3A_165 : i32
          %min3A_167 = arith.constant 112 : i32
          %min3A_168 = arith.minsi %add3A_166, %min3A_167 : i32
          %mul3A_169 = arith.constant 8192 : i32
          %mul3A_170 = arith.muli %scan3A_29, %mul3A_169 : i32
          %mul3A_171 = arith.constant 128 : i32
          %mul3A_172 = arith.muli %squeeze3A_68, %mul3A_171 : i32
          %add3A_173 = arith.addi %mul3A_170, %mul3A_172 : i32
          %add3A_174 = arith.constant 48 : i32
          %add3A_175 = arith.addi %add3A_173, %add3A_174 : i32
          %get3A_176 = arith.index_cast %add3A_175 : i32 to index
          %get3A_177 = tpu.vector_load %arg11[%get3A_176] {strides = array<i32>} : memref<65536xf32, #tpu.memory_space<vmem>>, vector<16xf32>,
          %le3A_178 = arith.cmpf ole, %get3A_177, %broadcast_in_dim3A_44 : vector<16xf32>
          %mul3A_179 = arith.constant 128 : i32
          %mul3A_180 = arith.muli %squeeze3A_68, %mul3A_179 : i32
          %add3A_181 = vector.broadcast %mul3A_180 : i32 to vector<16xi32>
          %add3A_182 = arith.addi %add3A_181, %iota3A : vector<16xi32>
          %add3A_183 = arith.constant 48 : i32
          %add3A_184 = vector.broadcast %add3A_183 : i32 to vector<16xi32>
          %add3A_185 = arith.addi %add3A_182, %add3A_184 : vector<16xi32>
          %mul3A_186 = arith.constant 128 : i32
          %mul3A_187 = arith.muli %scan3A_29, %mul3A_186 : i32
          %add3A_188 = arith.addi %mul3A_187, %min3A_168 : i32
          %swap3A_189 = arith.index_cast %add3A_188 : i32 to index
          %swap3A_190 = tpu.vector_load %arg8[%swap3A_189] masked %le3A_178 {strides = array<i32>} : memref<1024xf32, #tpu.memory_space<vmem>>, vector<16xf32>, vector<16xi1>
          tpu.vector_store %arg8[%swap3A_189], %get3A_177 masked %le3A_178 {strides = array<i32>} : memref<1024xf32, #tpu.memory_space<vmem>>, vector<16xf32>, vector<16xi1>
          %mul3A_191 = arith.constant 128 : i32
          %mul3A_192 = arith.muli %scan3A_29, %mul3A_191 : i32
          %add3A_193 = arith.addi %mul3A_192, %min3A_168 : i32
          %swap3A_194 = arith.index_cast %add3A_193 : i32 to index
          %swap3A_195 = tpu.vector_load %arg9[%swap3A_194] masked %le3A_178 {strides = array<i32>} : memref<1024xi32, #tpu.memory_space<vmem>>, vector<16xi32>, vector<16xi1>
          tpu.vector_store %arg9[%swap3A_194], %add3A_185 masked %le3A_178 {strides = array<i32>} : memref<1024xi32, #tpu.memory_space<vmem>>, vector<16xi32>, vector<16xi1>
          %convert_element_type3A_196 = arith.extui %le3A_178 : vector<16xi1> to vector<16xi32>
          %reduce_sum3A_197 = arith.constant true
          %reduce_sum3A_198 = vector.broadcast %reduce_sum3A_197 : i1 to vector<16xi1>
          %reduce_sum3A_199 = tpu.scan <sum>, %convert_element_type3A_196 masked %reduce_sum3A_198 : vector<16xi32>, vector<16xi1> -> vector<16xi32>
          %reduce_sum3A_200 = vector.extract %reduce_sum3A_199[15] : i32 from vector<16xi32>
          %add3A_201 = arith.addi %min3A_168, %reduce_sum3A_200 : i32
          %min3A_202 = arith.constant 112 : i32
          %min3A_203 = arith.minsi %add3A_201, %min3A_202 : i32
          %mul3A_204 = arith.constant 8192 : i32
          %mul3A_205 = arith.muli %scan3A_29, %mul3A_204 : i32
          %mul3A_206 = arith.constant 128 : i32
          %mul3A_207 = arith.muli %squeeze3A_68, %mul3A_206 : i32
          %add3A_208 = arith.addi %mul3A_205, %mul3A_207 : i32
          %add3A_209 = arith.constant 64 : i32
          %add3A_210 = arith.addi %add3A_208, %add3A_209 : i32
          %get3A_211 = arith.index_cast %add3A_210 : i32 to index
          %get3A_212 = tpu.vector_load %arg11[%get3A_211] {strides = array<i32>} : memref<65536xf32, #tpu.memory_space<vmem>>, vector<16xf32>,
          %le3A_213 = arith.cmpf ole, %get3A_212, %broadcast_in_dim3A_44 : vector<16xf32>
          %mul3A_214 = arith.constant 128 : i32
          %mul3A_215 = arith.muli %squeeze3A_68, %mul3A_214 : i32
          %add3A_216 = vector.broadcast %mul3A_215 : i32 to vector<16xi32>
          %add3A_217 = arith.addi %add3A_216, %iota3A : vector<16xi32>
          %add3A_218 = arith.constant 64 : i32
          %add3A_219 = vector.broadcast %add3A_218 : i32 to vector<16xi32>
          %add3A_220 = arith.addi %add3A_217, %add3A_219 : vector<16xi32>
          %mul3A_221 = arith.constant 128 : i32
          %mul3A_222 = arith.muli %scan3A_29, %mul3A_221 : i32
          %add3A_223 = arith.addi %mul3A_222, %min3A_203 : i32
          %swap3A_224 = arith.index_cast %add3A_223 : i32 to index
          %swap3A_225 = tpu.vector_load %arg8[%swap3A_224] masked %le3A_213 {strides = array<i32>} : memref<1024xf32, #tpu.memory_space<vmem>>, vector<16xf32>, vector<16xi1>
          tpu.vector_store %arg8[%swap3A_224], %get3A_212 masked %le3A_213 {strides = array<i32>} : memref<1024xf32, #tpu.memory_space<vmem>>, vector<16xf32>, vector<16xi1>
          %mul3A_226 = arith.constant 128 : i32
          %mul3A_227 = arith.muli %scan3A_29, %mul3A_226 : i32
          %add3A_228 = arith.addi %mul3A_227, %min3A_203 : i32
          %swap3A_229 = arith.index_cast %add3A_228 : i32 to index
          %swap3A_230 = tpu.vector_load %arg9[%swap3A_229] masked %le3A_213 {strides = array<i32>} : memref<1024xi32, #tpu.memory_space<vmem>>, vector<16xi32>, vector<16xi1>
          tpu.vector_store %arg9[%swap3A_229], %add3A_220 masked %le3A_213 {strides = array<i32>} : memref<1024xi32, #tpu.memory_space<vmem>>, vector<16xi32>, vector<16xi1>
          %convert_element_type3A_231 = arith.extui %le3A_213 : vector<16xi1> to vector<16xi32>
          %reduce_sum3A_232 = arith.constant true
          %reduce_sum3A_233 = vector.broadcast %reduce_sum3A_232 : i1 to vector<16xi1>
          %reduce_sum3A_234 = tpu.scan <sum>, %convert_element_type3A_231 masked %reduce_sum3A_233 : vector<16xi32>, vector<16xi1> -> vector<16xi32>
          %reduce_sum3A_235 = vector.extract %reduce_sum3A_234[15] : i32 from vector<16xi32>
          %add3A_236 = arith.addi %min3A_203, %reduce_sum3A_235 : i32
          %min3A_237 = arith.constant 112 : i32
          %min3A_238 = arith.minsi %add3A_236, %min3A_237 : i32
          %mul3A_239 = arith.constant 8192 : i32
          %mul3A_240 = arith.muli %scan3A_29, %mul3A_239 : i32
          %mul3A_241 = arith.constant 128 : i32
          %mul3A_242 = arith.muli %squeeze3A_68, %mul3A_241 : i32
          %add3A_243 = arith.addi %mul3A_240, %mul3A_242 : i32
          %add3A_244 = arith.constant 80 : i32
          %add3A_245 = arith.addi %add3A_243, %add3A_244 : i32
          %get3A_246 = arith.index_cast %add3A_245 : i32 to index
          %get3A_247 = tpu.vector_load %arg11[%get3A_246] {strides = array<i32>} : memref<65536xf32, #tpu.memory_space<vmem>>, vector<16xf32>,
          %le3A_248 = arith.cmpf ole, %get3A_247, %broadcast_in_dim3A_44 : vector<16xf32>
          %mul3A_249 = arith.constant 128 : i32
          %mul3A_250 = arith.muli %squeeze3A_68, %mul3A_249 : i32
          %add3A_251 = vector.broadcast %mul3A_250 : i32 to vector<16xi32>
          %add3A_252 = arith.addi %add3A_251, %iota3A : vector<16xi32>
          %add3A_253 = arith.constant 80 : i32
          %add3A_254 = vector.broadcast %add3A_253 : i32 to vector<16xi32>
          %add3A_255 = arith.addi %add3A_252, %add3A_254 : vector<16xi32>
          %mul3A_256 = arith.constant 128 : i32
          %mul3A_257 = arith.muli %scan3A_29, %mul3A_256 : i32
          %add3A_258 = arith.addi %mul3A_257, %min3A_238 : i32
          %swap3A_259 = arith.index_cast %add3A_258 : i32 to index
          %swap3A_260 = tpu.vector_load %arg8[%swap3A_259] masked %le3A_248 {strides = array<i32>} : memref<1024xf32, #tpu.memory_space<vmem>>, vector<16xf32>, vector<16xi1>
          tpu.vector_store %arg8[%swap3A_259], %get3A_247 masked %le3A_248 {strides = array<i32>} : memref<1024xf32, #tpu.memory_space<vmem>>, vector<16xf32>, vector<16xi1>
          %mul3A_261 = arith.constant 128 : i32
          %mul3A_262 = arith.muli %scan3A_29, %mul3A_261 : i32
          %add3A_263 = arith.addi %mul3A_262, %min3A_238 : i32
          %swap3A_264 = arith.index_cast %add3A_263 : i32 to index
          %swap3A_265 = tpu.vector_load %arg9[%swap3A_264] masked %le3A_248 {strides = array<i32>} : memref<1024xi32, #tpu.memory_space<vmem>>, vector<16xi32>, vector<16xi1>
          tpu.vector_store %arg9[%swap3A_264], %add3A_255 masked %le3A_248 {strides = array<i32>} : memref<1024xi32, #tpu.memory_space<vmem>>, vector<16xi32>, vector<16xi1>
          %convert_element_type3A_266 = arith.extui %le3A_248 : vector<16xi1> to vector<16xi32>
          %reduce_sum3A_267 = arith.constant true
          %reduce_sum3A_268 = vector.broadcast %reduce_sum3A_267 : i1 to vector<16xi1>
          %reduce_sum3A_269 = tpu.scan <sum>, %convert_element_type3A_266 masked %reduce_sum3A_268 : vector<16xi32>, vector<16xi1> -> vector<16xi32>
          %reduce_sum3A_270 = vector.extract %reduce_sum3A_269[15] : i32 from vector<16xi32>
          %add3A_271 = arith.addi %min3A_238, %reduce_sum3A_270 : i32
          %min3A_272 = arith.constant 112 : i32
          %min3A_273 = arith.minsi %add3A_271, %min3A_272 : i32
          %mul3A_274 = arith.constant 8192 : i32
          %mul3A_275 = arith.muli %scan3A_29, %mul3A_274 : i32
          %mul3A_276 = arith.constant 128 : i32
          %mul3A_277 = arith.muli %squeeze3A_68, %mul3A_276 : i32
          %add3A_278 = arith.addi %mul3A_275, %mul3A_277 : i32
          %add3A_279 = arith.constant 96 : i32
          %add3A_280 = arith.addi %add3A_278, %add3A_279 : i32
          %get3A_281 = arith.index_cast %add3A_280 : i32 to index
          %get3A_282 = tpu.vector_load %arg11[%get3A_281] {strides = array<i32>} : memref<65536xf32, #tpu.memory_space<vmem>>, vector<16xf32>,
          %le3A_283 = arith.cmpf ole, %get3A_282, %broadcast_in_dim3A_44 : vector<16xf32>
          %mul3A_284 = arith.constant 128 : i32
          %mul3A_285 = arith.muli %squeeze3A_68, %mul3A_284 : i32
          %add3A_286 = vector.broadcast %mul3A_285 : i32 to vector<16xi32>
          %add3A_287 = arith.addi %add3A_286, %iota3A : vector<16xi32>
          %add3A_288 = arith.constant 96 : i32
          %add3A_289 = vector.broadcast %add3A_288 : i32 to vector<16xi32>
          %add3A_290 = arith.addi %add3A_287, %add3A_289 : vector<16xi32>
          %mul3A_291 = arith.constant 128 : i32
          %mul3A_292 = arith.muli %scan3A_29, %mul3A_291 : i32
          %add3A_293 = arith.addi %mul3A_292, %min3A_273 : i32
          %swap3A_294 = arith.index_cast %add3A_293 : i32 to index
          %swap3A_295 = tpu.vector_load %arg8[%swap3A_294] masked %le3A_283 {strides = array<i32>} : memref<1024xf32, #tpu.memory_space<vmem>>, vector<16xf32>, vector<16xi1>
          tpu.vector_store %arg8[%swap3A_294], %get3A_282 masked %le3A_283 {strides = array<i32>} : memref<1024xf32, #tpu.memory_space<vmem>>, vector<16xf32>, vector<16xi1>
          %mul3A_296 = arith.constant 128 : i32
          %mul3A_297 = arith.muli %scan3A_29, %mul3A_296 : i32
          %add3A_298 = arith.addi %mul3A_297, %min3A_273 : i32
          %swap3A_299 = arith.index_cast %add3A_298 : i32 to index
          %swap3A_300 = tpu.vector_load %arg9[%swap3A_299] masked %le3A_283 {strides = array<i32>} : memref<1024xi32, #tpu.memory_space<vmem>>, vector<16xi32>, vector<16xi1>
          tpu.vector_store %arg9[%swap3A_299], %add3A_290 masked %le3A_283 {strides = array<i32>} : memref<1024xi32, #tpu.memory_space<vmem>>, vector<16xi32>, vector<16xi1>
          %convert_element_type3A_301 = arith.extui %le3A_283 : vector<16xi1> to vector<16xi32>
          %reduce_sum3A_302 = arith.constant true
          %reduce_sum3A_303 = vector.broadcast %reduce_sum3A_302 : i1 to vector<16xi1>
          %reduce_sum3A_304 = tpu.scan <sum>, %convert_element_type3A_301 masked %reduce_sum3A_303 : vector<16xi32>, vector<16xi1> -> vector<16xi32>
          %reduce_sum3A_305 = vector.extract %reduce_sum3A_304[15] : i32 from vector<16xi32>
          %add3A_306 = arith.addi %min3A_273, %reduce_sum3A_305 : i32
          %min3A_307 = arith.constant 112 : i32
          %min3A_308 = arith.minsi %add3A_306, %min3A_307 : i32
          %mul3A_309 = arith.constant 8192 : i32
          %mul3A_310 = arith.muli %scan3A_29, %mul3A_309 : i32
          %mul3A_311 = arith.constant 128 : i32
          %mul3A_312 = arith.muli %squeeze3A_68, %mul3A_311 : i32
          %add3A_313 = arith.addi %mul3A_310, %mul3A_312 : i32
          %add3A_314 = arith.constant 112 : i32
          %add3A_315 = arith.addi %add3A_313, %add3A_314 : i32
          %get3A_316 = arith.index_cast %add3A_315 : i32 to index
          %get3A_317 = tpu.vector_load %arg11[%get3A_316] {strides = array<i32>} : memref<65536xf32, #tpu.memory_space<vmem>>, vector<16xf32>,
          %le3A_318 = arith.cmpf ole, %get3A_317, %broadcast_in_dim3A_44 : vector<16xf32>
          %mul3A_319 = arith.constant 128 : i32
          %mul3A_320 = arith.muli %squeeze3A_68, %mul3A_319 : i32
          %add3A_321 = vector.broadcast %mul3A_320 : i32 to vector<16xi32>
          %add3A_322 = arith.addi %add3A_321, %iota3A : vector<16xi32>
          %add3A_323 = arith.constant 112 : i32
          %add3A_324 = vector.broadcast %add3A_323 : i32 to vector<16xi32>
          %add3A_325 = arith.addi %add3A_322, %add3A_324 : vector<16xi32>
          %mul3A_326 = arith.constant 128 : i32
          %mul3A_327 = arith.muli %scan3A_29, %mul3A_326 : i32
          %add3A_328 = arith.addi %mul3A_327, %min3A_308 : i32
          %swap3A_329 = arith.index_cast %add3A_328 : i32 to index
          %swap3A_330 = tpu.vector_load %arg8[%swap3A_329] masked %le3A_318 {strides = array<i32>} : memref<1024xf32, #tpu.memory_space<vmem>>, vector<16xf32>, vector<16xi1>
          tpu.vector_store %arg8[%swap3A_329], %get3A_317 masked %le3A_318 {strides = array<i32>} : memref<1024xf32, #tpu.memory_space<vmem>>, vector<16xf32>, vector<16xi1>
          %mul3A_331 = arith.constant 128 : i32
          %mul3A_332 = arith.muli %scan3A_29, %mul3A_331 : i32
          %add3A_333 = arith.addi %mul3A_332, %min3A_308 : i32
          %swap3A_334 = arith.index_cast %add3A_333 : i32 to index
          %swap3A_335 = tpu.vector_load %arg9[%swap3A_334] masked %le3A_318 {strides = array<i32>} : memref<1024xi32, #tpu.memory_space<vmem>>, vector<16xi32>, vector<16xi1>
          tpu.vector_store %arg9[%swap3A_334], %add3A_325 masked %le3A_318 {strides = array<i32>} : memref<1024xi32, #tpu.memory_space<vmem>>, vector<16xi32>, vector<16xi1>
          %convert_element_type3A_336 = arith.extui %le3A_318 : vector<16xi1> to vector<16xi32>
          %reduce_sum3A_337 = arith.constant true
          %reduce_sum3A_338 = vector.broadcast %reduce_sum3A_337 : i1 to vector<16xi1>
          %reduce_sum3A_339 = tpu.scan <sum>, %convert_element_type3A_336 masked %reduce_sum3A_338 : vector<16xi32>, vector<16xi1> -> vector<16xi32>
          %reduce_sum3A_340 = vector.extract %reduce_sum3A_339[15] : i32 from vector<16xi32>
          %add3A_341 = arith.addi %min3A_308, %reduce_sum3A_340 : i32
          %min3A_342 = arith.constant 112 : i32
          %min3A_343 = arith.minsi %add3A_341, %min3A_342 : i32
          scf.yield %min3A_343 : i32
        }
        %while3A_61 = arith.constant 1 : i32
        %while3A_62 = scf.for %while3A_63 = %while3A_58 to %while3A_54 step %while3A_61 iter_args(%while3A_64 = %while3A_60) -> (i32)  : i32 {
          %get3A_65 = arith.index_cast %while3A_63 : i32 to index
          %get3A_66 = tpu.vector_load %arg10[%get3A_65] {strides = array<i32>} : memref<80xi32, #tpu.memory_space<vmem>>, vector<16xi32>,
          %slice3A_67 = vector.extract_strided_slice %get3A_66 {offsets = [0], sizes = [1], strides = [1]} : vector<16xi32> to vector<1xi32>
          %squeeze3A_68 = vector.extract %slice3A_67[0] : i32 from vector<1xi32>
          %mul3A_69 = arith.constant 8192 : i32
          %mul3A_70 = arith.muli %scan3A_29, %mul3A_69 : i32
          %mul3A_71 = arith.constant 128 : i32
          %mul3A_72 = arith.muli %squeeze3A_68, %mul3A_71 : i32
          %add3A_73 = arith.addi %mul3A_70, %mul3A_72 : i32
          %add3A_74 = arith.constant 0 : i32
          %add3A_75 = arith.addi %add3A_73, %add3A_74 : i32
          %get3A_76 = arith.index_cast %add3A_75 : i32 to index
          %get3A_77 = tpu.vector_load %arg11[%get3A_76] {strides = array<i32>} : memref<65536xf32, #tpu.memory_space<vmem>>, vector<16xf32>,
          %le3A = arith.cmpf ole, %get3A_77, %broadcast_in_dim3A_44 : vector<16xf32>
          %mul3A_78 = arith.constant 128 : i32
          %mul3A_79 = arith.muli %squeeze3A_68, %mul3A_78 : i32
          %add3A_80 = vector.broadcast %mul3A_79 : i32 to vector<16xi32>
          %add3A_81 = arith.addi %add3A_80, %iota3A : vector<16xi32>
          %add3A_82 = arith.constant 0 : i32
          %add3A_83 = vector.broadcast %add3A_82 : i32 to vector<16xi32>
          %add3A_84 = arith.addi %add3A_81, %add3A_83 : vector<16xi32>
          %mul3A_85 = arith.constant 128 : i32
          %mul3A_86 = arith.muli %scan3A_29, %mul3A_85 : i32
          %add3A_87 = arith.addi %mul3A_86, %while3A_64 : i32
          %swap3A = arith.index_cast %add3A_87 : i32 to index
          %swap3A_88 = tpu.vector_load %arg8[%swap3A] masked %le3A {strides = array<i32>} : memref<1024xf32, #tpu.memory_space<vmem>>, vector<16xf32>, vector<16xi1>
          tpu.vector_store %arg8[%swap3A], %get3A_77 masked %le3A {strides = array<i32>} : memref<1024xf32, #tpu.memory_space<vmem>>, vector<16xf32>, vector<16xi1>
          %mul3A_89 = arith.constant 128 : i32
          %mul3A_90 = arith.muli %scan3A_29, %mul3A_89 : i32
          %add3A_91 = arith.addi %mul3A_90, %while3A_64 : i32
          %swap3A_92 = arith.index_cast %add3A_91 : i32 to index
          %swap3A_93 = tpu.vector_load %arg9[%swap3A_92] masked %le3A {strides = array<i32>} : memref<1024xi32, #tpu.memory_space<vmem>>, vector<16xi32>, vector<16xi1>
          tpu.vector_store %arg9[%swap3A_92], %add3A_84 masked %le3A {strides = array<i32>} : memref<1024xi32, #tpu.memory_space<vmem>>, vector<16xi32>, vector<16xi1>
          %convert_element_type3A = arith.extui %le3A : vector<16xi1> to vector<16xi32>
          %reduce_sum3A = arith.constant true
          %reduce_sum3A_94 = vector.broadcast %reduce_sum3A : i1 to vector<16xi1>
          %reduce_sum3A_95 = tpu.scan <sum>, %convert_element_type3A masked %reduce_sum3A_94 : vector<16xi32>, vector<16xi1> -> vector<16xi32>
          %reduce_sum3A_96 = vector.extract %reduce_sum3A_95[15] : i32 from vector<16xi32>
          %add3A_97 = arith.addi %while3A_64, %reduce_sum3A_96 : i32
          %min3A = arith.constant 112 : i32
          %min3A_98 = arith.minsi %add3A_97, %min3A : i32
          %mul3A_99 = arith.constant 8192 : i32
          %mul3A_100 = arith.muli %scan3A_29, %mul3A_99 : i32
          %mul3A_101 = arith.constant 128 : i32
          %mul3A_102 = arith.muli %squeeze3A_68, %mul3A_101 : i32
          %add3A_103 = arith.addi %mul3A_100, %mul3A_102 : i32
          %add3A_104 = arith.constant 16 : i32
          %add3A_105 = arith.addi %add3A_103, %add3A_104 : i32
          %get3A_106 = arith.index_cast %add3A_105 : i32 to index
          %get3A_107 = tpu.vector_load %arg11[%get3A_106] {strides = array<i32>} : memref<65536xf32, #tpu.memory_space<vmem>>, vector<16xf32>,
          %le3A_108 = arith.cmpf ole, %get3A_107, %broadcast_in_dim3A_44 : vector<16xf32>
          %mul3A_109 = arith.constant 128 : i32
          %mul3A_110 = arith.muli %squeeze3A_68, %mul3A_109 : i32
          %add3A_111 = vector.broadcast %mul3A_110 : i32 to vector<16xi32>
          %add3A_112 = arith.addi %add3A_111, %iota3A : vector<16xi32>
          %add3A_113 = arith.constant 16 : i32
          %add3A_114 = vector.broadcast %add3A_113 : i32 to vector<16xi32>
          %add3A_115 = arith.addi %add3A_112, %add3A_114 : vector<16xi32>
          %mul3A_116 = arith.constant 128 : i32
          %mul3A_117 = arith.muli %scan3A_29, %mul3A_116 : i32
          %add3A_118 = arith.addi %mul3A_117, %min3A_98 : i32
          %swap3A_119 = arith.index_cast %add3A_118 : i32 to index
          %swap3A_120 = tpu.vector_load %arg8[%swap3A_119] masked %le3A_108 {strides = array<i32>} : memref<1024xf32, #tpu.memory_space<vmem>>, vector<16xf32>, vector<16xi1>
          tpu.vector_store %arg8[%swap3A_119], %get3A_107 masked %le3A_108 {strides = array<i32>} : memref<1024xf32, #tpu.memory_space<vmem>>, vector<16xf32>, vector<16xi1>
          %mul3A_121 = arith.constant 128 : i32
          %mul3A_122 = arith.muli %scan3A_29, %mul3A_121 : i32
          %add3A_123 = arith.addi %mul3A_122, %min3A_98 : i32
          %swap3A_124 = arith.index_cast %add3A_123 : i32 to index
          %swap3A_125 = tpu.vector_load %arg9[%swap3A_124] masked %le3A_108 {strides = array<i32>} : memref<1024xi32, #tpu.memory_space<vmem>>, vector<16xi32>, vector<16xi1>
          tpu.vector_store %arg9[%swap3A_124], %add3A_115 masked %le3A_108 {strides = array<i32>} : memref<1024xi32, #tpu.memory_space<vmem>>, vector<16xi32>, vector<16xi1>
          %convert_element_type3A_126 = arith.extui %le3A_108 : vector<16xi1> to vector<16xi32>
          %reduce_sum3A_127 = arith.constant true
          %reduce_sum3A_128 = vector.broadcast %reduce_sum3A_127 : i1 to vector<16xi1>
          %reduce_sum3A_129 = tpu.scan <sum>, %convert_element_type3A_126 masked %reduce_sum3A_128 : vector<16xi32>, vector<16xi1> -> vector<16xi32>
          %reduce_sum3A_130 = vector.extract %reduce_sum3A_129[15] : i32 from vector<16xi32>
          %add3A_131 = arith.addi %min3A_98, %reduce_sum3A_130 : i32
          %min3A_132 = arith.constant 112 : i32
          %min3A_133 = arith.minsi %add3A_131, %min3A_132 : i32
          %mul3A_134 = arith.constant 8192 : i32
          %mul3A_135 = arith.muli %scan3A_29, %mul3A_134 : i32
          %mul3A_136 = arith.constant 128 : i32
          %mul3A_137 = arith.muli %squeeze3A_68, %mul3A_136 : i32
          %add3A_138 = arith.addi %mul3A_135, %mul3A_137 : i32
          %add3A_139 = arith.constant 32 : i32
          %add3A_140 = arith.addi %add3A_138, %add3A_139 : i32
          %get3A_141 = arith.index_cast %add3A_140 : i32 to index
          %get3A_142 = tpu.vector_load %arg11[%get3A_141] {strides = array<i32>} : memref<65536xf32, #tpu.memory_space<vmem>>, vector<16xf32>,
          %le3A_143 = arith.cmpf ole, %get3A_142, %broadcast_in_dim3A_44 : vector<16xf32>
          %mul3A_144 = arith.constant 128 : i32
          %mul3A_145 = arith.muli %squeeze3A_68, %mul3A_144 : i32
          %add3A_146 = vector.broadcast %mul3A_145 : i32 to vector<16xi32>
          %add3A_147 = arith.addi %add3A_146, %iota3A : vector<16xi32>
          %add3A_148 = arith.constant 32 : i32
          %add3A_149 = vector.broadcast %add3A_148 : i32 to vector<16xi32>
          %add3A_150 = arith.addi %add3A_147, %add3A_149 : vector<16xi32>
          %mul3A_151 = arith.constant 128 : i32
          %mul3A_152 = arith.muli %scan3A_29, %mul3A_151 : i32
          %add3A_153 = arith.addi %mul3A_152, %min3A_133 : i32
          %swap3A_154 = arith.index_cast %add3A_153 : i32 to index
          %swap3A_155 = tpu.vector_load %arg8[%swap3A_154] masked %le3A_143 {strides = array<i32>} : memref<1024xf32, #tpu.memory_space<vmem>>, vector<16xf32>, vector<16xi1>
          tpu.vector_store %arg8[%swap3A_154], %get3A_142 masked %le3A_143 {strides = array<i32>} : memref<1024xf32, #tpu.memory_space<vmem>>, vector<16xf32>, vector<16xi1>
          %mul3A_156 = arith.constant 128 : i32
          %mul3A_157 = arith.muli %scan3A_29, %mul3A_156 : i32
          %add3A_158 = arith.addi %mul3A_157, %min3A_133 : i32
          %swap3A_159 = arith.index_cast %add3A_158 : i32 to index
          %swap3A_160 = tpu.vector_load %arg9[%swap3A_159] masked %le3A_143 {strides = array<i32>} : memref<1024xi32, #tpu.memory_space<vmem>>, vector<16xi32>, vector<16xi1>
          tpu.vector_store %arg9[%swap3A_159], %add3A_150 masked %le3A_143 {strides = array<i32>} : memref<1024xi32, #tpu.memory_space<vmem>>, vector<16xi32>, vector<16xi1>
          %convert_element_type3A_161 = arith.extui %le3A_143 : vector<16xi1> to vector<16xi32>
          %reduce_sum3A_162 = arith.constant true
          %reduce_sum3A_163 = vector.broadcast %reduce_sum3A_162 : i1 to vector<16xi1>
          %reduce_sum3A_164 = tpu.scan <sum>, %convert_element_type3A_161 masked %reduce_sum3A_163 : vector<16xi32>, vector<16xi1> -> vector<16xi32>
          %reduce_sum3A_165 = vector.extract %reduce_sum3A_164[15] : i32 from vector<16xi32>
          %add3A_166 = arith.addi %min3A_133, %reduce_sum3A_165 : i32
          %min3A_167 = arith.constant 112 : i32
          %min3A_168 = arith.minsi %add3A_166, %min3A_167 : i32
          %mul3A_169 = arith.constant 8192 : i32
          %mul3A_170 = arith.muli %scan3A_29, %mul3A_169 : i32
          %mul3A_171 = arith.constant 128 : i32
          %mul3A_172 = arith.muli %squeeze3A_68, %mul3A_171 : i32
          %add3A_173 = arith.addi %mul3A_170, %mul3A_172 : i32
          %add3A_174 = arith.constant 48 : i32
          %add3A_175 = arith.addi %add3A_173, %add3A_174 : i32
          %get3A_176 = arith.index_cast %add3A_175 : i32 to index
          %get3A_177 = tpu.vector_load %arg11[%get3A_176] {strides = array<i32>} : memref<65536xf32, #tpu.memory_space<vmem>>, vector<16xf32>,
          %le3A_178 = arith.cmpf ole, %get3A_177, %broadcast_in_dim3A_44 : vector<16xf32>
          %mul3A_179 = arith.constant 128 : i32
          %mul3A_180 = arith.muli %squeeze3A_68, %mul3A_179 : i32
          %add3A_181 = vector.broadcast %mul3A_180 : i32 to vector<16xi32>
          %add3A_182 = arith.addi %add3A_181, %iota3A : vector<16xi32>
          %add3A_183 = arith.constant 48 : i32
          %add3A_184 = vector.broadcast %add3A_183 : i32 to vector<16xi32>
          %add3A_185 = arith.addi %add3A_182, %add3A_184 : vector<16xi32>
          %mul3A_186 = arith.constant 128 : i32
          %mul3A_187 = arith.muli %scan3A_29, %mul3A_186 : i32
          %add3A_188 = arith.addi %mul3A_187, %min3A_168 : i32
          %swap3A_189 = arith.index_cast %add3A_188 : i32 to index
          %swap3A_190 = tpu.vector_load %arg8[%swap3A_189] masked %le3A_178 {strides = array<i32>} : memref<1024xf32, #tpu.memory_space<vmem>>, vector<16xf32>, vector<16xi1>
          tpu.vector_store %arg8[%swap3A_189], %get3A_177 masked %le3A_178 {strides = array<i32>} : memref<1024xf32, #tpu.memory_space<vmem>>, vector<16xf32>, vector<16xi1>
          %mul3A_191 = arith.constant 128 : i32
          %mul3A_192 = arith.muli %scan3A_29, %mul3A_191 : i32
          %add3A_193 = arith.addi %mul3A_192, %min3A_168 : i32
          %swap3A_194 = arith.index_cast %add3A_193 : i32 to index
          %swap3A_195 = tpu.vector_load %arg9[%swap3A_194] masked %le3A_178 {strides = array<i32>} : memref<1024xi32, #tpu.memory_space<vmem>>, vector<16xi32>, vector<16xi1>
          tpu.vector_store %arg9[%swap3A_194], %add3A_185 masked %le3A_178 {strides = array<i32>} : memref<1024xi32, #tpu.memory_space<vmem>>, vector<16xi32>, vector<16xi1>
          %convert_element_type3A_196 = arith.extui %le3A_178 : vector<16xi1> to vector<16xi32>
          %reduce_sum3A_197 = arith.constant true
          %reduce_sum3A_198 = vector.broadcast %reduce_sum3A_197 : i1 to vector<16xi1>
          %reduce_sum3A_199 = tpu.scan <sum>, %convert_element_type3A_196 masked %reduce_sum3A_198 : vector<16xi32>, vector<16xi1> -> vector<16xi32>
          %reduce_sum3A_200 = vector.extract %reduce_sum3A_199[15] : i32 from vector<16xi32>
          %add3A_201 = arith.addi %min3A_168, %reduce_sum3A_200 : i32
          %min3A_202 = arith.constant 112 : i32
          %min3A_203 = arith.minsi %add3A_201, %min3A_202 : i32
          %mul3A_204 = arith.constant 8192 : i32
          %mul3A_205 = arith.muli %scan3A_29, %mul3A_204 : i32
          %mul3A_206 = arith.constant 128 : i32
          %mul3A_207 = arith.muli %squeeze3A_68, %mul3A_206 : i32
          %add3A_208 = arith.addi %mul3A_205, %mul3A_207 : i32
          %add3A_209 = arith.constant 64 : i32
          %add3A_210 = arith.addi %add3A_208, %add3A_209 : i32
          %get3A_211 = arith.index_cast %add3A_210 : i32 to index
          %get3A_212 = tpu.vector_load %arg11[%get3A_211] {strides = array<i32>} : memref<65536xf32, #tpu.memory_space<vmem>>, vector<16xf32>,
          %le3A_213 = arith.cmpf ole, %get3A_212, %broadcast_in_dim3A_44 : vector<16xf32>
          %mul3A_214 = arith.constant 128 : i32
          %mul3A_215 = arith.muli %squeeze3A_68, %mul3A_214 : i32
          %add3A_216 = vector.broadcast %mul3A_215 : i32 to vector<16xi32>
          %add3A_217 = arith.addi %add3A_216, %iota3A : vector<16xi32>
          %add3A_218 = arith.constant 64 : i32
          %add3A_219 = vector.broadcast %add3A_218 : i32 to vector<16xi32>
          %add3A_220 = arith.addi %add3A_217, %add3A_219 : vector<16xi32>
          %mul3A_221 = arith.constant 128 : i32
          %mul3A_222 = arith.muli %scan3A_29, %mul3A_221 : i32
          %add3A_223 = arith.addi %mul3A_222, %min3A_203 : i32
          %swap3A_224 = arith.index_cast %add3A_223 : i32 to index
          %swap3A_225 = tpu.vector_load %arg8[%swap3A_224] masked %le3A_213 {strides = array<i32>} : memref<1024xf32, #tpu.memory_space<vmem>>, vector<16xf32>, vector<16xi1>
          tpu.vector_store %arg8[%swap3A_224], %get3A_212 masked %le3A_213 {strides = array<i32>} : memref<1024xf32, #tpu.memory_space<vmem>>, vector<16xf32>, vector<16xi1>
          %mul3A_226 = arith.constant 128 : i32
          %mul3A_227 = arith.muli %scan3A_29, %mul3A_226 : i32
          %add3A_228 = arith.addi %mul3A_227, %min3A_203 : i32
          %swap3A_229 = arith.index_cast %add3A_228 : i32 to index
          %swap3A_230 = tpu.vector_load %arg9[%swap3A_229] masked %le3A_213 {strides = array<i32>} : memref<1024xi32, #tpu.memory_space<vmem>>, vector<16xi32>, vector<16xi1>
          tpu.vector_store %arg9[%swap3A_229], %add3A_220 masked %le3A_213 {strides = array<i32>} : memref<1024xi32, #tpu.memory_space<vmem>>, vector<16xi32>, vector<16xi1>
          %convert_element_type3A_231 = arith.extui %le3A_213 : vector<16xi1> to vector<16xi32>
          %reduce_sum3A_232 = arith.constant true
          %reduce_sum3A_233 = vector.broadcast %reduce_sum3A_232 : i1 to vector<16xi1>
          %reduce_sum3A_234 = tpu.scan <sum>, %convert_element_type3A_231 masked %reduce_sum3A_233 : vector<16xi32>, vector<16xi1> -> vector<16xi32>
          %reduce_sum3A_235 = vector.extract %reduce_sum3A_234[15] : i32 from vector<16xi32>
          %add3A_236 = arith.addi %min3A_203, %reduce_sum3A_235 : i32
          %min3A_237 = arith.constant 112 : i32
          %min3A_238 = arith.minsi %add3A_236, %min3A_237 : i32
          %mul3A_239 = arith.constant 8192 : i32
          %mul3A_240 = arith.muli %scan3A_29, %mul3A_239 : i32
          %mul3A_241 = arith.constant 128 : i32
          %mul3A_242 = arith.muli %squeeze3A_68, %mul3A_241 : i32
          %add3A_243 = arith.addi %mul3A_240, %mul3A_242 : i32
          %add3A_244 = arith.constant 80 : i32
          %add3A_245 = arith.addi %add3A_243, %add3A_244 : i32
          %get3A_246 = arith.index_cast %add3A_245 : i32 to index
          %get3A_247 = tpu.vector_load %arg11[%get3A_246] {strides = array<i32>} : memref<65536xf32, #tpu.memory_space<vmem>>, vector<16xf32>,
          %le3A_248 = arith.cmpf ole, %get3A_247, %broadcast_in_dim3A_44 : vector<16xf32>
          %mul3A_249 = arith.constant 128 : i32
          %mul3A_250 = arith.muli %squeeze3A_68, %mul3A_249 : i32
          %add3A_251 = vector.broadcast %mul3A_250 : i32 to vector<16xi32>
          %add3A_252 = arith.addi %add3A_251, %iota3A : vector<16xi32>
          %add3A_253 = arith.constant 80 : i32
          %add3A_254 = vector.broadcast %add3A_253 : i32 to vector<16xi32>
          %add3A_255 = arith.addi %add3A_252, %add3A_254 : vector<16xi32>
          %mul3A_256 = arith.constant 128 : i32
          %mul3A_257 = arith.muli %scan3A_29, %mul3A_256 : i32
          %add3A_258 = arith.addi %mul3A_257, %min3A_238 : i32
          %swap3A_259 = arith.index_cast %add3A_258 : i32 to index
          %swap3A_260 = tpu.vector_load %arg8[%swap3A_259] masked %le3A_248 {strides = array<i32>} : memref<1024xf32, #tpu.memory_space<vmem>>, vector<16xf32>, vector<16xi1>
          tpu.vector_store %arg8[%swap3A_259], %get3A_247 masked %le3A_248 {strides = array<i32>} : memref<1024xf32, #tpu.memory_space<vmem>>, vector<16xf32>, vector<16xi1>
          %mul3A_261 = arith.constant 128 : i32
          %mul3A_262 = arith.muli %scan3A_29, %mul3A_261 : i32
          %add3A_263 = arith.addi %mul3A_262, %min3A_238 : i32
          %swap3A_264 = arith.index_cast %add3A_263 : i32 to index
          %swap3A_265 = tpu.vector_load %arg9[%swap3A_264] masked %le3A_248 {strides = array<i32>} : memref<1024xi32, #tpu.memory_space<vmem>>, vector<16xi32>, vector<16xi1>
          tpu.vector_store %arg9[%swap3A_264], %add3A_255 masked %le3A_248 {strides = array<i32>} : memref<1024xi32, #tpu.memory_space<vmem>>, vector<16xi32>, vector<16xi1>
          %convert_element_type3A_266 = arith.extui %le3A_248 : vector<16xi1> to vector<16xi32>
          %reduce_sum3A_267 = arith.constant true
          %reduce_sum3A_268 = vector.broadcast %reduce_sum3A_267 : i1 to vector<16xi1>
          %reduce_sum3A_269 = tpu.scan <sum>, %convert_element_type3A_266 masked %reduce_sum3A_268 : vector<16xi32>, vector<16xi1> -> vector<16xi32>
          %reduce_sum3A_270 = vector.extract %reduce_sum3A_269[15] : i32 from vector<16xi32>
          %add3A_271 = arith.addi %min3A_238, %reduce_sum3A_270 : i32
          %min3A_272 = arith.constant 112 : i32
          %min3A_273 = arith.minsi %add3A_271, %min3A_272 : i32
          %mul3A_274 = arith.constant 8192 : i32
          %mul3A_275 = arith.muli %scan3A_29, %mul3A_274 : i32
          %mul3A_276 = arith.constant 128 : i32
          %mul3A_277 = arith.muli %squeeze3A_68, %mul3A_276 : i32
          %add3A_278 = arith.addi %mul3A_275, %mul3A_277 : i32
          %add3A_279 = arith.constant 96 : i32
          %add3A_280 = arith.addi %add3A_278, %add3A_279 : i32
          %get3A_281 = arith.index_cast %add3A_280 : i32 to index
          %get3A_282 = tpu.vector_load %arg11[%get3A_281] {strides = array<i32>} : memref<65536xf32, #tpu.memory_space<vmem>>, vector<16xf32>,
          %le3A_283 = arith.cmpf ole, %get3A_282, %broadcast_in_dim3A_44 : vector<16xf32>
          %mul3A_284 = arith.constant 128 : i32
          %mul3A_285 = arith.muli %squeeze3A_68, %mul3A_284 : i32
          %add3A_286 = vector.broadcast %mul3A_285 : i32 to vector<16xi32>
          %add3A_287 = arith.addi %add3A_286, %iota3A : vector<16xi32>
          %add3A_288 = arith.constant 96 : i32
          %add3A_289 = vector.broadcast %add3A_288 : i32 to vector<16xi32>
          %add3A_290 = arith.addi %add3A_287, %add3A_289 : vector<16xi32>
          %mul3A_291 = arith.constant 128 : i32
          %mul3A_292 = arith.muli %scan3A_29, %mul3A_291 : i32
          %add3A_293 = arith.addi %mul3A_292, %min3A_273 : i32
          %swap3A_294 = arith.index_cast %add3A_293 : i32 to index
          %swap3A_295 = tpu.vector_load %arg8[%swap3A_294] masked %le3A_283 {strides = array<i32>} : memref<1024xf32, #tpu.memory_space<vmem>>, vector<16xf32>, vector<16xi1>
          tpu.vector_store %arg8[%swap3A_294], %get3A_282 masked %le3A_283 {strides = array<i32>} : memref<1024xf32, #tpu.memory_space<vmem>>, vector<16xf32>, vector<16xi1>
          %mul3A_296 = arith.constant 128 : i32
          %mul3A_297 = arith.muli %scan3A_29, %mul3A_296 : i32
          %add3A_298 = arith.addi %mul3A_297, %min3A_273 : i32
          %swap3A_299 = arith.index_cast %add3A_298 : i32 to index
          %swap3A_300 = tpu.vector_load %arg9[%swap3A_299] masked %le3A_283 {strides = array<i32>} : memref<1024xi32, #tpu.memory_space<vmem>>, vector<16xi32>, vector<16xi1>
          tpu.vector_store %arg9[%swap3A_299], %add3A_290 masked %le3A_283 {strides = array<i32>} : memref<1024xi32, #tpu.memory_space<vmem>>, vector<16xi32>, vector<16xi1>
          %convert_element_type3A_301 = arith.extui %le3A_283 : vector<16xi1> to vector<16xi32>
          %reduce_sum3A_302 = arith.constant true
          %reduce_sum3A_303 = vector.broadcast %reduce_sum3A_302 : i1 to vector<16xi1>
          %reduce_sum3A_304 = tpu.scan <sum>, %convert_element_type3A_301 masked %reduce_sum3A_303 : vector<16xi32>, vector<16xi1> -> vector<16xi32>
          %reduce_sum3A_305 = vector.extract %reduce_sum3A_304[15] : i32 from vector<16xi32>
          %add3A_306 = arith.addi %min3A_273, %reduce_sum3A_305 : i32
          %min3A_307 = arith.constant 112 : i32
          %min3A_308 = arith.minsi %add3A_306, %min3A_307 : i32
          %mul3A_309 = arith.constant 8192 : i32
          %mul3A_310 = arith.muli %scan3A_29, %mul3A_309 : i32
          %mul3A_311 = arith.constant 128 : i32
          %mul3A_312 = arith.muli %squeeze3A_68, %mul3A_311 : i32
          %add3A_313 = arith.addi %mul3A_310, %mul3A_312 : i32
          %add3A_314 = arith.constant 112 : i32
          %add3A_315 = arith.addi %add3A_313, %add3A_314 : i32
          %get3A_316 = arith.index_cast %add3A_315 : i32 to index
          %get3A_317 = tpu.vector_load %arg11[%get3A_316] {strides = array<i32>} : memref<65536xf32, #tpu.memory_space<vmem>>, vector<16xf32>,
          %le3A_318 = arith.cmpf ole, %get3A_317, %broadcast_in_dim3A_44 : vector<16xf32>
          %mul3A_319 = arith.constant 128 : i32
          %mul3A_320 = arith.muli %squeeze3A_68, %mul3A_319 : i32
          %add3A_321 = vector.broadcast %mul3A_320 : i32 to vector<16xi32>
          %add3A_322 = arith.addi %add3A_321, %iota3A : vector<16xi32>
          %add3A_323 = arith.constant 112 : i32
          %add3A_324 = vector.broadcast %add3A_323 : i32 to vector<16xi32>
          %add3A_325 = arith.addi %add3A_322, %add3A_324 : vector<16xi32>
          %mul3A_326 = arith.constant 128 : i32
          %mul3A_327 = arith.muli %scan3A_29, %mul3A_326 : i32
          %add3A_328 = arith.addi %mul3A_327, %min3A_308 : i32
          %swap3A_329 = arith.index_cast %add3A_328 : i32 to index
          %swap3A_330 = tpu.vector_load %arg8[%swap3A_329] masked %le3A_318 {strides = array<i32>} : memref<1024xf32, #tpu.memory_space<vmem>>, vector<16xf32>, vector<16xi1>
          tpu.vector_store %arg8[%swap3A_329], %get3A_317 masked %le3A_318 {strides = array<i32>} : memref<1024xf32, #tpu.memory_space<vmem>>, vector<16xf32>, vector<16xi1>
          %mul3A_331 = arith.constant 128 : i32
          %mul3A_332 = arith.muli %scan3A_29, %mul3A_331 : i32
          %add3A_333 = arith.addi %mul3A_332, %min3A_308 : i32
          %swap3A_334 = arith.index_cast %add3A_333 : i32 to index
          %swap3A_335 = tpu.vector_load %arg9[%swap3A_334] masked %le3A_318 {strides = array<i32>} : memref<1024xi32, #tpu.memory_space<vmem>>, vector<16xi32>, vector<16xi1>
          tpu.vector_store %arg9[%swap3A_334], %add3A_325 masked %le3A_318 {strides = array<i32>} : memref<1024xi32, #tpu.memory_space<vmem>>, vector<16xi32>, vector<16xi1>
          %convert_element_type3A_336 = arith.extui %le3A_318 : vector<16xi1> to vector<16xi32>
          %reduce_sum3A_337 = arith.constant true
          %reduce_sum3A_338 = vector.broadcast %reduce_sum3A_337 : i1 to vector<16xi1>
          %reduce_sum3A_339 = tpu.scan <sum>, %convert_element_type3A_336 masked %reduce_sum3A_338 : vector<16xi32>, vector<16xi1> -> vector<16xi32>
          %reduce_sum3A_340 = vector.extract %reduce_sum3A_339[15] : i32 from vector<16xi32>
          %add3A_341 = arith.addi %min3A_308, %reduce_sum3A_340 : i32
          %min3A_342 = arith.constant 112 : i32
          %min3A_343 = arith.minsi %add3A_341, %min3A_342 : i32
          scf.yield %min3A_343 : i32
        }
      }
      %scan3A_24 = arith.constant 8 : i32
      %mul3A_25 = arith.constant 128 : i32
      %mul3A_26 = arith.muli %add3A_14, %mul3A_25 : i32
      "tpu.region"() ({
        %run_scoped3A = tpu.sem_alloc : memref<!tpu.dma_semaphore, #tpu.memory_space<semaphore_mem>>
        %dma_start3A = tpu.memref_slice %arg5[%mul3A_26] : memref<1048576xf32, #tpu.memory_space<hbm>> -> memref<1024xf32, #tpu.memory_space<hbm>>
        %dma_start3A_29 = tpu.memref_slice %arg5[%mul3A_26] : memref<1048576xf32, #tpu.memory_space<hbm>> -> memref<1024xf32, #tpu.memory_space<hbm>>
        tpu.enqueue_dma source(%arg8 : memref<1024xf32, #tpu.memory_space<vmem>>) target(%dma_start3A_29 : memref<1024xf32, #tpu.memory_space<hbm>>) target_semaphore(%run_scoped3A : memref<!tpu.dma_semaphore, #tpu.memory_space<semaphore_mem>>)
        %dma_wait3A = tpu.memref_slice %arg5[%mul3A_26] : memref<1048576xf32, #tpu.memory_space<hbm>> -> memref<1024xf32, #tpu.memory_space<hbm>>
        %dma_wait3A_30 = tpu.memref_slice %arg5[%mul3A_26] : memref<1048576xf32, #tpu.memory_space<hbm>> -> memref<1024xf32, #tpu.memory_space<hbm>>
        tpu.wait_dma2 semaphore(%run_scoped3A : memref<!tpu.dma_semaphore, #tpu.memory_space<semaphore_mem>>) src(%arg8 : memref<1024xf32, #tpu.memory_space<vmem>>) dst(%dma_wait3A_30 : memref<1024xf32, #tpu.memory_space<hbm>>)
        tpu.yield
      }) : () -> ()
      %mul3A_27 = arith.constant 128 : i32
      %mul3A_28 = arith.muli %add3A_14, %mul3A_27 : i32
      "tpu.region"() ({
        %run_scoped3A = tpu.sem_alloc : memref<!tpu.dma_semaphore, #tpu.memory_space<semaphore_mem>>
        %dma_start3A = tpu.memref_slice %arg6[%mul3A_28] : memref<1048576xi32, #tpu.memory_space<hbm>> -> memref<1024xi32, #tpu.memory_space<hbm>>
        %dma_start3A_29 = tpu.memref_slice %arg6[%mul3A_28] : memref<1048576xi32, #tpu.memory_space<hbm>> -> memref<1024xi32, #tpu.memory_space<hbm>>
        tpu.enqueue_dma source(%arg9 : memref<1024xi32, #tpu.memory_space<vmem>>) target(%dma_start3A_29 : memref<1024xi32, #tpu.memory_space<hbm>>) target_semaphore(%run_scoped3A : memref<!tpu.dma_semaphore, #tpu.memory_space<semaphore_mem>>)
        %dma_wait3A = tpu.memref_slice %arg6[%mul3A_28] : memref<1048576xi32, #tpu.memory_space<hbm>> -> memref<1024xi32, #tpu.memory_space<hbm>>
        %dma_wait3A_30 = tpu.memref_slice %arg6[%mul3A_28] : memref<1048576xi32, #tpu.memory_space<hbm>> -> memref<1024xi32, #tpu.memory_space<hbm>>
        tpu.wait_dma2 semaphore(%run_scoped3A : memref<!tpu.dma_semaphore, #tpu.memory_space<semaphore_mem>>) src(%arg9 : memref<1024xi32, #tpu.memory_space<vmem>>) dst(%dma_wait3A_30 : memref<1024xi32, #tpu.memory_space<hbm>>)
        tpu.yield
      }) : () -> ()
    }
    %scan3A_10 = arith.constant 32 : i32
    return
  }
}

module attributes {stable_mosaic.version = 14 : i64} {
  func.func @_thresh_kernel(%arg0: i32, %arg1: memref<256x3xf32, #tpu.memory_space<vmem>>, %arg2: memref<1x3x8192xf32, #tpu.memory_space<vmem>>, %arg3: memref<256x8192xf32, #tpu.memory_space<vmem>>, %arg4: memref<64x256xf32, #tpu.memory_space<vmem>>, %arg5: memref<1x256xf32, #tpu.memory_space<vmem>>) attributes {dimension_semantics = [#tpu.dimension_semantics<arbitrary>], iteration_bounds = array<i64: 32>, scalar_prefetch = 0 : i64, scratch_operands = 0 : i64, tpu.core_type = #tpu.core_type<tc>, window_params = [{transform_indices = @transform_0, window_bounds = array<i64: 256, 3>}, {transform_indices = @transform_1, window_bounds = array<i64: 1, 3, 8192>}, {transform_indices = @transform_2, window_bounds = array<i64: 256, 8192>}, {transform_indices = @transform_3, window_bounds = array<i64: 64, 256>}, {transform_indices = @transform_4, window_bounds = array<i64: 1, 256>}]} {
    %get3A = arith.constant 0 : index
    %get3A_0 = arith.constant 0 : index
    %get3A_1 = vector.load %arg1[%get3A, %get3A_0] : memref<256x3xf32, #tpu.memory_space<vmem>>, vector<256x3xf32>
    %get3A_2 = arith.constant 0 : index
    %get3A_3 = arith.constant 0 : index
    %get3A_4 = arith.constant 0 : index
    %get3A_5 = vector.load %arg2[%get3A_2, %get3A_3, %get3A_4] : memref<1x3x8192xf32, #tpu.memory_space<vmem>>, vector<1x3x8192xf32>
    %get3A_6 = vector.shape_cast %get3A_5 : vector<1x3x8192xf32> to vector<3x8192xf32>
    %mul3A = arith.mulf %get3A_1, %get3A_1 : vector<256x3xf32>
    %reduce_sum3A = arith.constant dense<0.000000e+00> : vector<256xf32>
    %reduce_sum3A_7 = vector.multi_reduction <add>, %mul3A, %reduce_sum3A [1] : vector<256x3xf32> to vector<256xf32>
    %broadcast_in_dim3A = vector.shape_cast %reduce_sum3A_7 : vector<256xf32> to vector<256x1xf32>
    %mul3A_8 = arith.mulf %get3A_6, %get3A_6 : vector<3x8192xf32>
    %reduce_sum3A_9 = arith.constant dense<0.000000e+00> : vector<8192xf32>
    %reduce_sum3A_10 = vector.multi_reduction <add>, %mul3A_8, %reduce_sum3A_9 [0] : vector<3x8192xf32> to vector<8192xf32>
    %broadcast_in_dim3A_11 = vector.shape_cast %reduce_sum3A_10 : vector<8192xf32> to vector<1x8192xf32>
    %dot_general3A = arith.constant dense<0.000000e+00> : vector<256x8192xf32>
    %dot_general3A_12 = tpu.matmul %get3A_1, %get3A_6, %dot_general3A {dimension_numbers = #tpu.dot_dimension_numbers<[1], [0], [0], [1], [0, 0, 1, 1], [], []>, transpose_lhs_hint = false} : vector<256x3xf32>, vector<3x8192xf32>, vector<256x8192xf32> -> vector<256x8192xf32>
    %add3A = vector.broadcast %broadcast_in_dim3A : vector<256x1xf32> to vector<256x8192xf32>
    %add3A_13 = vector.broadcast %broadcast_in_dim3A_11 : vector<1x8192xf32> to vector<256x8192xf32>
    %add3A_14 = arith.addf %add3A, %add3A_13 : vector<256x8192xf32>
    %mul3A_15 = arith.constant 2.000000e+00 : f32
    %mul3A_16 = vector.broadcast %mul3A_15 : f32 to vector<256x8192xf32>
    %mul3A_17 = arith.mulf %mul3A_16, %dot_general3A_12 : vector<256x8192xf32>
    %sub3A = arith.subf %add3A_14, %mul3A_17 : vector<256x8192xf32>
    %swap3A = arith.constant 0 : index
    %swap3A_18 = arith.constant 0 : index
    %swap3A_19 = vector.load %arg3[%swap3A, %swap3A_18] : memref<256x8192xf32, #tpu.memory_space<vmem>>, vector<256x8192xf32>
    tpu.vector_store %arg3[%swap3A, %swap3A_18], %sub3A {strides = array<i32>} : memref<256x8192xf32, #tpu.memory_space<vmem>>, vector<256x8192xf32>,
    %dot_general3A_20 = arith.constant dense<0.000000e+00> : vector<8192x256xf32>
    %dot_general3A_21 = tpu.matmul %get3A_6, %get3A_1, %dot_general3A_20 {dimension_numbers = #tpu.dot_dimension_numbers<[0], [1], [1], [0], [0, 1, 1, 0], [], []>, transpose_lhs_hint = false} : vector<3x8192xf32>, vector<256x3xf32>, vector<8192x256xf32> -> vector<8192x256xf32>
    %reshape3A = vector.shape_cast %broadcast_in_dim3A_11 : vector<1x8192xf32> to vector<8192x1xf32>
    %reshape3A_22 = vector.shape_cast %broadcast_in_dim3A : vector<256x1xf32> to vector<1x256xf32>
    %add3A_23 = vector.broadcast %reshape3A : vector<8192x1xf32> to vector<8192x256xf32>
    %add3A_24 = vector.broadcast %reshape3A_22 : vector<1x256xf32> to vector<8192x256xf32>
    %add3A_25 = arith.addf %add3A_23, %add3A_24 : vector<8192x256xf32>
    %mul3A_26 = arith.constant 2.000000e+00 : f32
    %mul3A_27 = vector.broadcast %mul3A_26 : f32 to vector<8192x256xf32>
    %mul3A_28 = arith.mulf %mul3A_27, %dot_general3A_21 : vector<8192x256xf32>
    %sub3A_29 = arith.subf %add3A_25, %mul3A_28 : vector<8192x256xf32>
    %reshape3A_30 = vector.shape_cast %sub3A_29 : vector<8192x256xf32> to vector<256x32x256xf32>
    %reduce_min3A = arith.constant dense<0x7F800000> : vector<256x256xf32>
    %reduce_min3A_31 = vector.multi_reduction <minimumf>, %reshape3A_30, %reduce_min3A [1] : vector<256x32x256xf32> to vector<256x256xf32>
    %reshape3A_32 = vector.shape_cast %reduce_min3A_31 : vector<256x256xf32> to vector<64x4x256xf32>
    %reduce_min3A_33 = arith.constant dense<0x7F800000> : vector<64x256xf32>
    %reduce_min3A_34 = vector.multi_reduction <minimumf>, %reshape3A_32, %reduce_min3A_33 [1] : vector<64x4x256xf32> to vector<64x256xf32>
    %swap3A_35 = arith.constant 0 : index
    %swap3A_36 = arith.constant 0 : index
    %swap3A_37 = vector.load %arg4[%swap3A_35, %swap3A_36] : memref<64x256xf32, #tpu.memory_space<vmem>>, vector<64x256xf32>
    tpu.vector_store %arg4[%swap3A_35, %swap3A_36], %reduce_min3A_34 {strides = array<i32>} : memref<64x256xf32, #tpu.memory_space<vmem>>, vector<64x256xf32>,
    %reduce_min3A_38 = arith.constant dense<0x7F800000> : vector<256xf32>
    %reduce_min3A_39 = vector.multi_reduction <minimumf>, %reduce_min3A_34, %reduce_min3A_38 [0] : vector<64x256xf32> to vector<256xf32>
    %broadcast_in_dim3A_40 = vector.shape_cast %reduce_min3A_39 : vector<256xf32> to vector<1x256xf32>
    %le3A = vector.broadcast %broadcast_in_dim3A_40 : vector<1x256xf32> to vector<64x256xf32>
    %le3A_41 = arith.cmpf ole, %reduce_min3A_34, %le3A : vector<64x256xf32>
    %jit3A = arith.constant 0x7F800000 : f32
    %broadcast_in_dim3A_42 = vector.broadcast %jit3A : f32 to vector<64x256xf32>
    %select_n3A = arith.select %le3A_41, %broadcast_in_dim3A_42, %reduce_min3A_34 : vector<64x256xi1>, vector<64x256xf32>
    %reduce_min3A_43 = arith.constant dense<0x7F800000> : vector<256xf32>
    %reduce_min3A_44 = vector.multi_reduction <minimumf>, %select_n3A, %reduce_min3A_43 [0] : vector<64x256xf32> to vector<256xf32>
    %broadcast_in_dim3A_45 = vector.shape_cast %reduce_min3A_44 : vector<256xf32> to vector<1x256xf32>
    %le3A_46 = vector.broadcast %broadcast_in_dim3A_45 : vector<1x256xf32> to vector<64x256xf32>
    %le3A_47 = arith.cmpf ole, %select_n3A, %le3A_46 : vector<64x256xf32>
    %jit3A_48 = arith.constant 0x7F800000 : f32
    %broadcast_in_dim3A_49 = vector.broadcast %jit3A_48 : f32 to vector<64x256xf32>
    %select_n3A_50 = arith.select %le3A_47, %broadcast_in_dim3A_49, %select_n3A : vector<64x256xi1>, vector<64x256xf32>
    %reduce_min3A_51 = arith.constant dense<0x7F800000> : vector<256xf32>
    %reduce_min3A_52 = vector.multi_reduction <minimumf>, %select_n3A_50, %reduce_min3A_51 [0] : vector<64x256xf32> to vector<256xf32>
    %broadcast_in_dim3A_53 = vector.shape_cast %reduce_min3A_52 : vector<256xf32> to vector<1x256xf32>
    %le3A_54 = vector.broadcast %broadcast_in_dim3A_53 : vector<1x256xf32> to vector<64x256xf32>
    %le3A_55 = arith.cmpf ole, %select_n3A_50, %le3A_54 : vector<64x256xf32>
    %jit3A_56 = arith.constant 0x7F800000 : f32
    %broadcast_in_dim3A_57 = vector.broadcast %jit3A_56 : f32 to vector<64x256xf32>
    %select_n3A_58 = arith.select %le3A_55, %broadcast_in_dim3A_57, %select_n3A_50 : vector<64x256xi1>, vector<64x256xf32>
    %reduce_min3A_59 = arith.constant dense<0x7F800000> : vector<256xf32>
    %reduce_min3A_60 = vector.multi_reduction <minimumf>, %select_n3A_58, %reduce_min3A_59 [0] : vector<64x256xf32> to vector<256xf32>
    %broadcast_in_dim3A_61 = vector.shape_cast %reduce_min3A_60 : vector<256xf32> to vector<1x256xf32>
    %le3A_62 = vector.broadcast %broadcast_in_dim3A_61 : vector<1x256xf32> to vector<64x256xf32>
    %le3A_63 = arith.cmpf ole, %select_n3A_58, %le3A_62 : vector<64x256xf32>
    %jit3A_64 = arith.constant 0x7F800000 : f32
    %broadcast_in_dim3A_65 = vector.broadcast %jit3A_64 : f32 to vector<64x256xf32>
    %select_n3A_66 = arith.select %le3A_63, %broadcast_in_dim3A_65, %select_n3A_58 : vector<64x256xi1>, vector<64x256xf32>
    %reduce_min3A_67 = arith.constant dense<0x7F800000> : vector<256xf32>
    %reduce_min3A_68 = vector.multi_reduction <minimumf>, %select_n3A_66, %reduce_min3A_67 [0] : vector<64x256xf32> to vector<256xf32>
    %broadcast_in_dim3A_69 = vector.shape_cast %reduce_min3A_68 : vector<256xf32> to vector<1x256xf32>
    %le3A_70 = vector.broadcast %broadcast_in_dim3A_69 : vector<1x256xf32> to vector<64x256xf32>
    %le3A_71 = arith.cmpf ole, %select_n3A_66, %le3A_70 : vector<64x256xf32>
    %jit3A_72 = arith.constant 0x7F800000 : f32
    %broadcast_in_dim3A_73 = vector.broadcast %jit3A_72 : f32 to vector<64x256xf32>
    %select_n3A_74 = arith.select %le3A_71, %broadcast_in_dim3A_73, %select_n3A_66 : vector<64x256xi1>, vector<64x256xf32>
    %reduce_min3A_75 = arith.constant dense<0x7F800000> : vector<256xf32>
    %reduce_min3A_76 = vector.multi_reduction <minimumf>, %select_n3A_74, %reduce_min3A_75 [0] : vector<64x256xf32> to vector<256xf32>
    %broadcast_in_dim3A_77 = vector.shape_cast %reduce_min3A_76 : vector<256xf32> to vector<1x256xf32>
    %le3A_78 = vector.broadcast %broadcast_in_dim3A_77 : vector<1x256xf32> to vector<64x256xf32>
    %le3A_79 = arith.cmpf ole, %select_n3A_74, %le3A_78 : vector<64x256xf32>
    %jit3A_80 = arith.constant 0x7F800000 : f32
    %broadcast_in_dim3A_81 = vector.broadcast %jit3A_80 : f32 to vector<64x256xf32>
    %select_n3A_82 = arith.select %le3A_79, %broadcast_in_dim3A_81, %select_n3A_74 : vector<64x256xi1>, vector<64x256xf32>
    %reduce_min3A_83 = arith.constant dense<0x7F800000> : vector<256xf32>
    %reduce_min3A_84 = vector.multi_reduction <minimumf>, %select_n3A_82, %reduce_min3A_83 [0] : vector<64x256xf32> to vector<256xf32>
    %broadcast_in_dim3A_85 = vector.shape_cast %reduce_min3A_84 : vector<256xf32> to vector<1x256xf32>
    %le3A_86 = vector.broadcast %broadcast_in_dim3A_85 : vector<1x256xf32> to vector<64x256xf32>
    %le3A_87 = arith.cmpf ole, %select_n3A_82, %le3A_86 : vector<64x256xf32>
    %jit3A_88 = arith.constant 0x7F800000 : f32
    %broadcast_in_dim3A_89 = vector.broadcast %jit3A_88 : f32 to vector<64x256xf32>
    %select_n3A_90 = arith.select %le3A_87, %broadcast_in_dim3A_89, %select_n3A_82 : vector<64x256xi1>, vector<64x256xf32>
    %reduce_min3A_91 = arith.constant dense<0x7F800000> : vector<256xf32>
    %reduce_min3A_92 = vector.multi_reduction <minimumf>, %select_n3A_90, %reduce_min3A_91 [0] : vector<64x256xf32> to vector<256xf32>
    %broadcast_in_dim3A_93 = vector.shape_cast %reduce_min3A_92 : vector<256xf32> to vector<1x256xf32>
    %le3A_94 = vector.broadcast %broadcast_in_dim3A_93 : vector<1x256xf32> to vector<64x256xf32>
    %le3A_95 = arith.cmpf ole, %select_n3A_90, %le3A_94 : vector<64x256xf32>
    %jit3A_96 = arith.constant 0x7F800000 : f32
    %broadcast_in_dim3A_97 = vector.broadcast %jit3A_96 : f32 to vector<64x256xf32>
    %select_n3A_98 = arith.select %le3A_95, %broadcast_in_dim3A_97, %select_n3A_90 : vector<64x256xi1>, vector<64x256xf32>
    %reduce_min3A_99 = arith.constant dense<0x7F800000> : vector<256xf32>
    %reduce_min3A_100 = vector.multi_reduction <minimumf>, %select_n3A_98, %reduce_min3A_99 [0] : vector<64x256xf32> to vector<256xf32>
    %broadcast_in_dim3A_101 = vector.shape_cast %reduce_min3A_100 : vector<256xf32> to vector<1x256xf32>
    %le3A_102 = vector.broadcast %broadcast_in_dim3A_101 : vector<1x256xf32> to vector<64x256xf32>
    %le3A_103 = arith.cmpf ole, %select_n3A_98, %le3A_102 : vector<64x256xf32>
    %jit3A_104 = arith.constant 0x7F800000 : f32
    %broadcast_in_dim3A_105 = vector.broadcast %jit3A_104 : f32 to vector<64x256xf32>
    %select_n3A_106 = arith.select %le3A_103, %broadcast_in_dim3A_105, %select_n3A_98 : vector<64x256xi1>, vector<64x256xf32>
    %reduce_min3A_107 = arith.constant dense<0x7F800000> : vector<256xf32>
    %reduce_min3A_108 = vector.multi_reduction <minimumf>, %select_n3A_106, %reduce_min3A_107 [0] : vector<64x256xf32> to vector<256xf32>
    %broadcast_in_dim3A_109 = vector.shape_cast %reduce_min3A_108 : vector<256xf32> to vector<1x256xf32>
    %le3A_110 = vector.broadcast %broadcast_in_dim3A_109 : vector<1x256xf32> to vector<64x256xf32>
    %le3A_111 = arith.cmpf ole, %select_n3A_106, %le3A_110 : vector<64x256xf32>
    %jit3A_112 = arith.constant 0x7F800000 : f32
    %broadcast_in_dim3A_113 = vector.broadcast %jit3A_112 : f32 to vector<64x256xf32>
    %select_n3A_114 = arith.select %le3A_111, %broadcast_in_dim3A_113, %select_n3A_106 : vector<64x256xi1>, vector<64x256xf32>
    %reduce_min3A_115 = arith.constant dense<0x7F800000> : vector<256xf32>
    %reduce_min3A_116 = vector.multi_reduction <minimumf>, %select_n3A_114, %reduce_min3A_115 [0] : vector<64x256xf32> to vector<256xf32>
    %broadcast_in_dim3A_117 = vector.shape_cast %reduce_min3A_116 : vector<256xf32> to vector<1x256xf32>
    %le3A_118 = vector.broadcast %broadcast_in_dim3A_117 : vector<1x256xf32> to vector<64x256xf32>
    %le3A_119 = arith.cmpf ole, %select_n3A_114, %le3A_118 : vector<64x256xf32>
    %jit3A_120 = arith.constant 0x7F800000 : f32
    %broadcast_in_dim3A_121 = vector.broadcast %jit3A_120 : f32 to vector<64x256xf32>
    %select_n3A_122 = arith.select %le3A_119, %broadcast_in_dim3A_121, %select_n3A_114 : vector<64x256xi1>, vector<64x256xf32>
    %reduce_min3A_123 = arith.constant dense<0x7F800000> : vector<256xf32>
    %reduce_min3A_124 = vector.multi_reduction <minimumf>, %select_n3A_122, %reduce_min3A_123 [0] : vector<64x256xf32> to vector<256xf32>
    %broadcast_in_dim3A_125 = vector.shape_cast %reduce_min3A_124 : vector<256xf32> to vector<1x256xf32>
    %le3A_126 = vector.broadcast %broadcast_in_dim3A_125 : vector<1x256xf32> to vector<64x256xf32>
    %le3A_127 = arith.cmpf ole, %select_n3A_122, %le3A_126 : vector<64x256xf32>
    %jit3A_128 = arith.constant 0x7F800000 : f32
    %broadcast_in_dim3A_129 = vector.broadcast %jit3A_128 : f32 to vector<64x256xf32>
    %select_n3A_130 = arith.select %le3A_127, %broadcast_in_dim3A_129, %select_n3A_122 : vector<64x256xi1>, vector<64x256xf32>
    %reduce_min3A_131 = arith.constant dense<0x7F800000> : vector<256xf32>
    %reduce_min3A_132 = vector.multi_reduction <minimumf>, %select_n3A_130, %reduce_min3A_131 [0] : vector<64x256xf32> to vector<256xf32>
    %broadcast_in_dim3A_133 = vector.shape_cast %reduce_min3A_132 : vector<256xf32> to vector<1x256xf32>
    %le3A_134 = vector.broadcast %broadcast_in_dim3A_133 : vector<1x256xf32> to vector<64x256xf32>
    %le3A_135 = arith.cmpf ole, %select_n3A_130, %le3A_134 : vector<64x256xf32>
    %jit3A_136 = arith.constant 0x7F800000 : f32
    %broadcast_in_dim3A_137 = vector.broadcast %jit3A_136 : f32 to vector<64x256xf32>
    %select_n3A_138 = arith.select %le3A_135, %broadcast_in_dim3A_137, %select_n3A_130 : vector<64x256xi1>, vector<64x256xf32>
    %reduce_min3A_139 = arith.constant dense<0x7F800000> : vector<256xf32>
    %reduce_min3A_140 = vector.multi_reduction <minimumf>, %select_n3A_138, %reduce_min3A_139 [0] : vector<64x256xf32> to vector<256xf32>
    %broadcast_in_dim3A_141 = vector.shape_cast %reduce_min3A_140 : vector<256xf32> to vector<1x256xf32>
    %le3A_142 = vector.broadcast %broadcast_in_dim3A_141 : vector<1x256xf32> to vector<64x256xf32>
    %le3A_143 = arith.cmpf ole, %select_n3A_138, %le3A_142 : vector<64x256xf32>
    %jit3A_144 = arith.constant 0x7F800000 : f32
    %broadcast_in_dim3A_145 = vector.broadcast %jit3A_144 : f32 to vector<64x256xf32>
    %select_n3A_146 = arith.select %le3A_143, %broadcast_in_dim3A_145, %select_n3A_138 : vector<64x256xi1>, vector<64x256xf32>
    %reduce_min3A_147 = arith.constant dense<0x7F800000> : vector<256xf32>
    %reduce_min3A_148 = vector.multi_reduction <minimumf>, %select_n3A_146, %reduce_min3A_147 [0] : vector<64x256xf32> to vector<256xf32>
    %broadcast_in_dim3A_149 = vector.shape_cast %reduce_min3A_148 : vector<256xf32> to vector<1x256xf32>
    %le3A_150 = vector.broadcast %broadcast_in_dim3A_149 : vector<1x256xf32> to vector<64x256xf32>
    %le3A_151 = arith.cmpf ole, %select_n3A_146, %le3A_150 : vector<64x256xf32>
    %jit3A_152 = arith.constant 0x7F800000 : f32
    %broadcast_in_dim3A_153 = vector.broadcast %jit3A_152 : f32 to vector<64x256xf32>
    %select_n3A_154 = arith.select %le3A_151, %broadcast_in_dim3A_153, %select_n3A_146 : vector<64x256xi1>, vector<64x256xf32>
    %reduce_min3A_155 = arith.constant dense<0x7F800000> : vector<256xf32>
    %reduce_min3A_156 = vector.multi_reduction <minimumf>, %select_n3A_154, %reduce_min3A_155 [0] : vector<64x256xf32> to vector<256xf32>
    %broadcast_in_dim3A_157 = vector.shape_cast %reduce_min3A_156 : vector<256xf32> to vector<1x256xf32>
    %le3A_158 = vector.broadcast %broadcast_in_dim3A_157 : vector<1x256xf32> to vector<64x256xf32>
    %le3A_159 = arith.cmpf ole, %select_n3A_154, %le3A_158 : vector<64x256xf32>
    %jit3A_160 = arith.constant 0x7F800000 : f32
    %broadcast_in_dim3A_161 = vector.broadcast %jit3A_160 : f32 to vector<64x256xf32>
    %select_n3A_162 = arith.select %le3A_159, %broadcast_in_dim3A_161, %select_n3A_154 : vector<64x256xi1>, vector<64x256xf32>
    %reduce_min3A_163 = arith.constant dense<0x7F800000> : vector<256xf32>
    %reduce_min3A_164 = vector.multi_reduction <minimumf>, %select_n3A_162, %reduce_min3A_163 [0] : vector<64x256xf32> to vector<256xf32>
    %broadcast_in_dim3A_165 = vector.shape_cast %reduce_min3A_164 : vector<256xf32> to vector<1x256xf32>
    %le3A_166 = vector.broadcast %broadcast_in_dim3A_165 : vector<1x256xf32> to vector<64x256xf32>
    %le3A_167 = arith.cmpf ole, %select_n3A_162, %le3A_166 : vector<64x256xf32>
    %jit3A_168 = arith.constant 0x7F800000 : f32
    %broadcast_in_dim3A_169 = vector.broadcast %jit3A_168 : f32 to vector<64x256xf32>
    %select_n3A_170 = arith.select %le3A_167, %broadcast_in_dim3A_169, %select_n3A_162 : vector<64x256xi1>, vector<64x256xf32>
    %reduce_min3A_171 = arith.constant dense<0x7F800000> : vector<256xf32>
    %reduce_min3A_172 = vector.multi_reduction <minimumf>, %select_n3A_170, %reduce_min3A_171 [0] : vector<64x256xf32> to vector<256xf32>
    %broadcast_in_dim3A_173 = vector.shape_cast %reduce_min3A_172 : vector<256xf32> to vector<1x256xf32>
    %le3A_174 = vector.broadcast %broadcast_in_dim3A_173 : vector<1x256xf32> to vector<64x256xf32>
    %le3A_175 = arith.cmpf ole, %select_n3A_170, %le3A_174 : vector<64x256xf32>
    %jit3A_176 = arith.constant 0x7F800000 : f32
    %broadcast_in_dim3A_177 = vector.broadcast %jit3A_176 : f32 to vector<64x256xf32>
    %select_n3A_178 = arith.select %le3A_175, %broadcast_in_dim3A_177, %select_n3A_170 : vector<64x256xi1>, vector<64x256xf32>
    %reduce_min3A_179 = arith.constant dense<0x7F800000> : vector<256xf32>
    %reduce_min3A_180 = vector.multi_reduction <minimumf>, %select_n3A_178, %reduce_min3A_179 [0] : vector<64x256xf32> to vector<256xf32>
    %broadcast_in_dim3A_181 = vector.shape_cast %reduce_min3A_180 : vector<256xf32> to vector<1x256xf32>
    %le3A_182 = vector.broadcast %broadcast_in_dim3A_181 : vector<1x256xf32> to vector<64x256xf32>
    %le3A_183 = arith.cmpf ole, %select_n3A_178, %le3A_182 : vector<64x256xf32>
    %jit3A_184 = arith.constant 0x7F800000 : f32
    %broadcast_in_dim3A_185 = vector.broadcast %jit3A_184 : f32 to vector<64x256xf32>
    %select_n3A_186 = arith.select %le3A_183, %broadcast_in_dim3A_185, %select_n3A_178 : vector<64x256xi1>, vector<64x256xf32>
    %reduce_min3A_187 = arith.constant dense<0x7F800000> : vector<256xf32>
    %reduce_min3A_188 = vector.multi_reduction <minimumf>, %select_n3A_186, %reduce_min3A_187 [0] : vector<64x256xf32> to vector<256xf32>
    %broadcast_in_dim3A_189 = vector.shape_cast %reduce_min3A_188 : vector<256xf32> to vector<1x256xf32>
    %le3A_190 = vector.broadcast %broadcast_in_dim3A_189 : vector<1x256xf32> to vector<64x256xf32>
    %le3A_191 = arith.cmpf ole, %select_n3A_186, %le3A_190 : vector<64x256xf32>
    %jit3A_192 = arith.constant 0x7F800000 : f32
    %broadcast_in_dim3A_193 = vector.broadcast %jit3A_192 : f32 to vector<64x256xf32>
    %select_n3A_194 = arith.select %le3A_191, %broadcast_in_dim3A_193, %select_n3A_186 : vector<64x256xi1>, vector<64x256xf32>
    %reduce_min3A_195 = arith.constant dense<0x7F800000> : vector<256xf32>
    %reduce_min3A_196 = vector.multi_reduction <minimumf>, %select_n3A_194, %reduce_min3A_195 [0] : vector<64x256xf32> to vector<256xf32>
    %broadcast_in_dim3A_197 = vector.shape_cast %reduce_min3A_196 : vector<256xf32> to vector<1x256xf32>
    %le3A_198 = vector.broadcast %broadcast_in_dim3A_197 : vector<1x256xf32> to vector<64x256xf32>
    %le3A_199 = arith.cmpf ole, %select_n3A_194, %le3A_198 : vector<64x256xf32>
    %jit3A_200 = arith.constant 0x7F800000 : f32
    %broadcast_in_dim3A_201 = vector.broadcast %jit3A_200 : f32 to vector<64x256xf32>
    %select_n3A_202 = arith.select %le3A_199, %broadcast_in_dim3A_201, %select_n3A_194 : vector<64x256xi1>, vector<64x256xf32>
    %reduce_min3A_203 = arith.constant dense<0x7F800000> : vector<256xf32>
    %reduce_min3A_204 = vector.multi_reduction <minimumf>, %select_n3A_202, %reduce_min3A_203 [0] : vector<64x256xf32> to vector<256xf32>
    %broadcast_in_dim3A_205 = vector.shape_cast %reduce_min3A_204 : vector<256xf32> to vector<1x256xf32>
    %le3A_206 = vector.broadcast %broadcast_in_dim3A_205 : vector<1x256xf32> to vector<64x256xf32>
    %le3A_207 = arith.cmpf ole, %select_n3A_202, %le3A_206 : vector<64x256xf32>
    %jit3A_208 = arith.constant 0x7F800000 : f32
    %broadcast_in_dim3A_209 = vector.broadcast %jit3A_208 : f32 to vector<64x256xf32>
    %select_n3A_210 = arith.select %le3A_207, %broadcast_in_dim3A_209, %select_n3A_202 : vector<64x256xi1>, vector<64x256xf32>
    %reduce_min3A_211 = arith.constant dense<0x7F800000> : vector<256xf32>
    %reduce_min3A_212 = vector.multi_reduction <minimumf>, %select_n3A_210, %reduce_min3A_211 [0] : vector<64x256xf32> to vector<256xf32>
    %broadcast_in_dim3A_213 = vector.shape_cast %reduce_min3A_212 : vector<256xf32> to vector<1x256xf32>
    %le3A_214 = vector.broadcast %broadcast_in_dim3A_213 : vector<1x256xf32> to vector<64x256xf32>
    %le3A_215 = arith.cmpf ole, %select_n3A_210, %le3A_214 : vector<64x256xf32>
    %jit3A_216 = arith.constant 0x7F800000 : f32
    %broadcast_in_dim3A_217 = vector.broadcast %jit3A_216 : f32 to vector<64x256xf32>
    %select_n3A_218 = arith.select %le3A_215, %broadcast_in_dim3A_217, %select_n3A_210 : vector<64x256xi1>, vector<64x256xf32>
    %reduce_min3A_219 = arith.constant dense<0x7F800000> : vector<256xf32>
    %reduce_min3A_220 = vector.multi_reduction <minimumf>, %select_n3A_218, %reduce_min3A_219 [0] : vector<64x256xf32> to vector<256xf32>
    %broadcast_in_dim3A_221 = vector.shape_cast %reduce_min3A_220 : vector<256xf32> to vector<1x256xf32>
    %le3A_222 = vector.broadcast %broadcast_in_dim3A_221 : vector<1x256xf32> to vector<64x256xf32>
    %le3A_223 = arith.cmpf ole, %select_n3A_218, %le3A_222 : vector<64x256xf32>
    %jit3A_224 = arith.constant 0x7F800000 : f32
    %broadcast_in_dim3A_225 = vector.broadcast %jit3A_224 : f32 to vector<64x256xf32>
    %select_n3A_226 = arith.select %le3A_223, %broadcast_in_dim3A_225, %select_n3A_218 : vector<64x256xi1>, vector<64x256xf32>
    %reduce_min3A_227 = arith.constant dense<0x7F800000> : vector<256xf32>
    %reduce_min3A_228 = vector.multi_reduction <minimumf>, %select_n3A_226, %reduce_min3A_227 [0] : vector<64x256xf32> to vector<256xf32>
    %broadcast_in_dim3A_229 = vector.shape_cast %reduce_min3A_228 : vector<256xf32> to vector<1x256xf32>
    %le3A_230 = vector.broadcast %broadcast_in_dim3A_229 : vector<1x256xf32> to vector<64x256xf32>
    %le3A_231 = arith.cmpf ole, %select_n3A_226, %le3A_230 : vector<64x256xf32>
    %jit3A_232 = arith.constant 0x7F800000 : f32
    %broadcast_in_dim3A_233 = vector.broadcast %jit3A_232 : f32 to vector<64x256xf32>
    %select_n3A_234 = arith.select %le3A_231, %broadcast_in_dim3A_233, %select_n3A_226 : vector<64x256xi1>, vector<64x256xf32>
    %reduce_min3A_235 = arith.constant dense<0x7F800000> : vector<256xf32>
    %reduce_min3A_236 = vector.multi_reduction <minimumf>, %select_n3A_234, %reduce_min3A_235 [0] : vector<64x256xf32> to vector<256xf32>
    %broadcast_in_dim3A_237 = vector.shape_cast %reduce_min3A_236 : vector<256xf32> to vector<1x256xf32>
    %le3A_238 = vector.broadcast %broadcast_in_dim3A_237 : vector<1x256xf32> to vector<64x256xf32>
    %le3A_239 = arith.cmpf ole, %select_n3A_234, %le3A_238 : vector<64x256xf32>
    %jit3A_240 = arith.constant 0x7F800000 : f32
    %broadcast_in_dim3A_241 = vector.broadcast %jit3A_240 : f32 to vector<64x256xf32>
    %select_n3A_242 = arith.select %le3A_239, %broadcast_in_dim3A_241, %select_n3A_234 : vector<64x256xi1>, vector<64x256xf32>
    %reduce_min3A_243 = arith.constant dense<0x7F800000> : vector<256xf32>
    %reduce_min3A_244 = vector.multi_reduction <minimumf>, %select_n3A_242, %reduce_min3A_243 [0] : vector<64x256xf32> to vector<256xf32>
    %broadcast_in_dim3A_245 = vector.shape_cast %reduce_min3A_244 : vector<256xf32> to vector<1x256xf32>
    %le3A_246 = vector.broadcast %broadcast_in_dim3A_245 : vector<1x256xf32> to vector<64x256xf32>
    %le3A_247 = arith.cmpf ole, %select_n3A_242, %le3A_246 : vector<64x256xf32>
    %jit3A_248 = arith.constant 0x7F800000 : f32
    %broadcast_in_dim3A_249 = vector.broadcast %jit3A_248 : f32 to vector<64x256xf32>
    %select_n3A_250 = arith.select %le3A_247, %broadcast_in_dim3A_249, %select_n3A_242 : vector<64x256xi1>, vector<64x256xf32>
    %reduce_min3A_251 = arith.constant dense<0x7F800000> : vector<256xf32>
    %reduce_min3A_252 = vector.multi_reduction <minimumf>, %select_n3A_250, %reduce_min3A_251 [0] : vector<64x256xf32> to vector<256xf32>
    %broadcast_in_dim3A_253 = vector.shape_cast %reduce_min3A_252 : vector<256xf32> to vector<1x256xf32>
    %le3A_254 = vector.broadcast %broadcast_in_dim3A_253 : vector<1x256xf32> to vector<64x256xf32>
    %le3A_255 = arith.cmpf ole, %select_n3A_250, %le3A_254 : vector<64x256xf32>
    %jit3A_256 = arith.constant 0x7F800000 : f32
    %broadcast_in_dim3A_257 = vector.broadcast %jit3A_256 : f32 to vector<64x256xf32>
    %select_n3A_258 = arith.select %le3A_255, %broadcast_in_dim3A_257, %select_n3A_250 : vector<64x256xi1>, vector<64x256xf32>
    %reduce_min3A_259 = arith.constant dense<0x7F800000> : vector<256xf32>
    %reduce_min3A_260 = vector.multi_reduction <minimumf>, %select_n3A_258, %reduce_min3A_259 [0] : vector<64x256xf32> to vector<256xf32>
    %broadcast_in_dim3A_261 = vector.shape_cast %reduce_min3A_260 : vector<256xf32> to vector<1x256xf32>
    %le3A_262 = vector.broadcast %broadcast_in_dim3A_261 : vector<1x256xf32> to vector<64x256xf32>
    %le3A_263 = arith.cmpf ole, %select_n3A_258, %le3A_262 : vector<64x256xf32>
    %jit3A_264 = arith.constant 0x7F800000 : f32
    %broadcast_in_dim3A_265 = vector.broadcast %jit3A_264 : f32 to vector<64x256xf32>
    %select_n3A_266 = arith.select %le3A_263, %broadcast_in_dim3A_265, %select_n3A_258 : vector<64x256xi1>, vector<64x256xf32>
    %reduce_min3A_267 = arith.constant dense<0x7F800000> : vector<256xf32>
    %reduce_min3A_268 = vector.multi_reduction <minimumf>, %select_n3A_266, %reduce_min3A_267 [0] : vector<64x256xf32> to vector<256xf32>
    %broadcast_in_dim3A_269 = vector.shape_cast %reduce_min3A_268 : vector<256xf32> to vector<1x256xf32>
    %le3A_270 = vector.broadcast %broadcast_in_dim3A_269 : vector<1x256xf32> to vector<64x256xf32>
    %le3A_271 = arith.cmpf ole, %select_n3A_266, %le3A_270 : vector<64x256xf32>
    %jit3A_272 = arith.constant 0x7F800000 : f32
    %broadcast_in_dim3A_273 = vector.broadcast %jit3A_272 : f32 to vector<64x256xf32>
    %select_n3A_274 = arith.select %le3A_271, %broadcast_in_dim3A_273, %select_n3A_266 : vector<64x256xi1>, vector<64x256xf32>
    %reduce_min3A_275 = arith.constant dense<0x7F800000> : vector<256xf32>
    %reduce_min3A_276 = vector.multi_reduction <minimumf>, %select_n3A_274, %reduce_min3A_275 [0] : vector<64x256xf32> to vector<256xf32>
    %broadcast_in_dim3A_277 = vector.shape_cast %reduce_min3A_276 : vector<256xf32> to vector<1x256xf32>
    %le3A_278 = vector.broadcast %broadcast_in_dim3A_277 : vector<1x256xf32> to vector<64x256xf32>
    %le3A_279 = arith.cmpf ole, %select_n3A_274, %le3A_278 : vector<64x256xf32>
    %jit3A_280 = arith.constant 0x7F800000 : f32
    %broadcast_in_dim3A_281 = vector.broadcast %jit3A_280 : f32 to vector<64x256xf32>
    %select_n3A_282 = arith.select %le3A_279, %broadcast_in_dim3A_281, %select_n3A_274 : vector<64x256xi1>, vector<64x256xf32>
    %reduce_min3A_283 = arith.constant dense<0x7F800000> : vector<256xf32>
    %reduce_min3A_284 = vector.multi_reduction <minimumf>, %select_n3A_282, %reduce_min3A_283 [0] : vector<64x256xf32> to vector<256xf32>
    %broadcast_in_dim3A_285 = vector.shape_cast %reduce_min3A_284 : vector<256xf32> to vector<1x256xf32>
    %swap3A_286 = arith.constant 0 : index
    %swap3A_287 = arith.constant 0 : index
    %swap3A_288 = vector.load %arg5[%swap3A_286, %swap3A_287] : memref<1x256xf32, #tpu.memory_space<vmem>>, vector<1x256xf32>
    tpu.vector_store %arg5[%swap3A_286, %swap3A_287], %broadcast_in_dim3A_285 {strides = array<i32>} : memref<1x256xf32, #tpu.memory_space<vmem>>, vector<1x256xf32>,
    return
  }
  func.func @transform_0(%arg0: i32) -> (i32, i32) {
    %c0_i32 = arith.constant 0 : i32
    %c0_i32_0 = arith.constant 0 : i32
    return %arg0, %c0_i32 : i32, i32
  }
  func.func @transform_1(%arg0: i32) -> (i32, i32, i32) {
    %jit3A = arith.constant 8 : i32
    %div3A = arith.divsi %arg0, %jit3A : i32
    %sign3A = arith.constant 0 : i32
    %sign3A_0 = arith.cmpi sgt, %arg0, %sign3A : i32
    %sign3A_1 = arith.extui %sign3A_0 : i1 to i32
    %sign3A_2 = arith.constant 0 : i32
    %sign3A_3 = arith.cmpi slt, %arg0, %sign3A_2 : i32
    %sign3A_4 = arith.extui %sign3A_3 : i1 to i32
    %sign3A_5 = arith.subi %sign3A_1, %sign3A_4 : i32
    %sign3A_6 = arith.constant 0 : i32
    %sign3A_7 = arith.cmpi sgt, %jit3A, %sign3A_6 : i32
    %sign3A_8 = arith.extui %sign3A_7 : i1 to i32
    %sign3A_9 = arith.constant 0 : i32
    %sign3A_10 = arith.cmpi slt, %jit3A, %sign3A_9 : i32
    %sign3A_11 = arith.extui %sign3A_10 : i1 to i32
    %sign3A_12 = arith.subi %sign3A_8, %sign3A_11 : i32
    %ne3A = arith.cmpi ne, %sign3A_5, %sign3A_12 : i32
    %rem3A = arith.remsi %arg0, %jit3A : i32
    %ne3A_13 = arith.constant 0 : i32
    %ne3A_14 = arith.cmpi ne, %rem3A, %ne3A_13 : i32
    %and3A = arith.andi %ne3A, %ne3A_14 : i1
    %sub3A = arith.constant 1 : i32
    %sub3A_15 = arith.subi %div3A, %sub3A : i32
    %select_n3A = arith.select %and3A, %sub3A_15, %div3A : i32
    %c0_i32 = arith.constant 0 : i32
    %c0_i32_16 = arith.constant 0 : i32
    %c0_i32_17 = arith.constant 0 : i32
    return %select_n3A, %c0_i32, %c0_i32_16 : i32, i32, i32
  }
  func.func @transform_2(%arg0: i32) -> (i32, i32) {
    %c0_i32 = arith.constant 0 : i32
    %c0_i32_0 = arith.constant 0 : i32
    return %arg0, %c0_i32 : i32, i32
  }
  func.func @transform_3(%arg0: i32) -> (i32, i32) {
    %c0_i32 = arith.constant 0 : i32
    %c0_i32_0 = arith.constant 0 : i32
    return %c0_i32, %arg0 : i32, i32
  }
  func.func @transform_4(%arg0: i32) -> (i32, i32) {
    %c0_i32 = arith.constant 0 : i32
    %c0_i32_0 = arith.constant 0 : i32
    return %c0_i32, %arg0 : i32, i32
  }
}

module attributes {stable_mosaic.version = 14 : i64} {
  func.func @_select_kernel(%arg0: i32, %arg1: memref<1024x128xf32, #tpu.memory_space<vmem>>, %arg2: memref<1024x128xi32, #tpu.memory_space<vmem>>, %arg3: memref<1024x32xi32, #tpu.memory_space<vmem>>) attributes {dimension_semantics = [#tpu.dimension_semantics<arbitrary>], iteration_bounds = array<i64: 8>, scalar_prefetch = 0 : i64, scratch_operands = 0 : i64, tpu.core_type = #tpu.core_type<tc>, window_params = [{transform_indices = @transform_0, window_bounds = array<i64: 1024, 128>}, {transform_indices = @transform_1, window_bounds = array<i64: 1024, 128>}, {transform_indices = @transform_2, window_bounds = array<i64: 1024, 32>}]} {
    %get3A = arith.constant 0 : index
    %get3A_0 = arith.constant 0 : index
    %get3A_1 = vector.load %arg1[%get3A, %get3A_0] : memref<1024x128xf32, #tpu.memory_space<vmem>>, vector<1024x128xf32>
    %get3A_2 = arith.constant 0 : index
    %get3A_3 = arith.constant 0 : index
    %get3A_4 = vector.load %arg2[%get3A_2, %get3A_3] : memref<1024x128xi32, #tpu.memory_space<vmem>>, vector<1024x128xi32>
    %iota3A = tpu.iota {dimensions = array<i32: 1>} : vector<1024x128xi32>
    %reduce_min3A = arith.constant dense<0x7F800000> : vector<1024xf32>
    %reduce_min3A_5 = vector.multi_reduction <minimumf>, %get3A_1, %reduce_min3A [1] : vector<1024x128xf32> to vector<1024xf32>
    %broadcast_in_dim3A = vector.shape_cast %reduce_min3A_5 : vector<1024xf32> to vector<1024x1xf32>
    %eq3A = vector.broadcast %broadcast_in_dim3A : vector<1024x1xf32> to vector<1024x128xf32>
    %eq3A_6 = arith.cmpf oeq, %get3A_1, %eq3A : vector<1024x128xf32>
    %jit3A = arith.constant 1073741824 : i32
    %broadcast_in_dim3A_7 = vector.broadcast %jit3A : i32 to vector<1024x128xi32>
    %select_n3A = arith.select %eq3A_6, %iota3A, %broadcast_in_dim3A_7 : vector<1024x128xi1>, vector<1024x128xi32>
    %reduce_min3A_8 = arith.constant dense<2147483647> : vector<1024xi32>
    %reduce_min3A_9 = vector.multi_reduction <minsi>, %select_n3A, %reduce_min3A_8 [1] : vector<1024x128xi32> to vector<1024xi32>
    %broadcast_in_dim3A_10 = vector.shape_cast %reduce_min3A_9 : vector<1024xi32> to vector<1024x1xi32>
    %eq3A_11 = vector.broadcast %broadcast_in_dim3A_10 : vector<1024x1xi32> to vector<1024x128xi32>
    %eq3A_12 = arith.cmpi eq, %iota3A, %eq3A_11 : vector<1024x128xi32>
    %jit3A_13 = arith.constant 1073741824 : i32
    %broadcast_in_dim3A_14 = vector.broadcast %jit3A_13 : i32 to vector<1024x128xi32>
    %select_n3A_15 = arith.select %eq3A_12, %get3A_4, %broadcast_in_dim3A_14 : vector<1024x128xi1>, vector<1024x128xi32>
    %reduce_min3A_16 = arith.constant dense<2147483647> : vector<1024xi32>
    %reduce_min3A_17 = vector.multi_reduction <minsi>, %select_n3A_15, %reduce_min3A_16 [1] : vector<1024x128xi32> to vector<1024xi32>
    %broadcast_in_dim3A_18 = vector.shape_cast %reduce_min3A_17 : vector<1024xi32> to vector<1024x1xi32>
    %jit3A_19 = arith.constant 0x7F800000 : f32
    %broadcast_in_dim3A_20 = vector.broadcast %jit3A_19 : f32 to vector<1024x128xf32>
    %select_n3A_21 = arith.select %eq3A_12, %broadcast_in_dim3A_20, %get3A_1 : vector<1024x128xi1>, vector<1024x128xf32>
    %reduce_min3A_22 = arith.constant dense<0x7F800000> : vector<1024xf32>
    %reduce_min3A_23 = vector.multi_reduction <minimumf>, %select_n3A_21, %reduce_min3A_22 [1] : vector<1024x128xf32> to vector<1024xf32>
    %broadcast_in_dim3A_24 = vector.shape_cast %reduce_min3A_23 : vector<1024xf32> to vector<1024x1xf32>
    %eq3A_25 = vector.broadcast %broadcast_in_dim3A_24 : vector<1024x1xf32> to vector<1024x128xf32>
    %eq3A_26 = arith.cmpf oeq, %select_n3A_21, %eq3A_25 : vector<1024x128xf32>
    %jit3A_27 = arith.constant 1073741824 : i32
    %broadcast_in_dim3A_28 = vector.broadcast %jit3A_27 : i32 to vector<1024x128xi32>
    %select_n3A_29 = arith.select %eq3A_26, %iota3A, %broadcast_in_dim3A_28 : vector<1024x128xi1>, vector<1024x128xi32>
    %reduce_min3A_30 = arith.constant dense<2147483647> : vector<1024xi32>
    %reduce_min3A_31 = vector.multi_reduction <minsi>, %select_n3A_29, %reduce_min3A_30 [1] : vector<1024x128xi32> to vector<1024xi32>
    %broadcast_in_dim3A_32 = vector.shape_cast %reduce_min3A_31 : vector<1024xi32> to vector<1024x1xi32>
    %eq3A_33 = vector.broadcast %broadcast_in_dim3A_32 : vector<1024x1xi32> to vector<1024x128xi32>
    %eq3A_34 = arith.cmpi eq, %iota3A, %eq3A_33 : vector<1024x128xi32>
    %jit3A_35 = arith.constant 1073741824 : i32
    %broadcast_in_dim3A_36 = vector.broadcast %jit3A_35 : i32 to vector<1024x128xi32>
    %select_n3A_37 = arith.select %eq3A_34, %get3A_4, %broadcast_in_dim3A_36 : vector<1024x128xi1>, vector<1024x128xi32>
    %reduce_min3A_38 = arith.constant dense<2147483647> : vector<1024xi32>
    %reduce_min3A_39 = vector.multi_reduction <minsi>, %select_n3A_37, %reduce_min3A_38 [1] : vector<1024x128xi32> to vector<1024xi32>
    %broadcast_in_dim3A_40 = vector.shape_cast %reduce_min3A_39 : vector<1024xi32> to vector<1024x1xi32>
    %jit3A_41 = arith.constant 0x7F800000 : f32
    %broadcast_in_dim3A_42 = vector.broadcast %jit3A_41 : f32 to vector<1024x128xf32>
    %select_n3A_43 = arith.select %eq3A_34, %broadcast_in_dim3A_42, %select_n3A_21 : vector<1024x128xi1>, vector<1024x128xf32>
    %reduce_min3A_44 = arith.constant dense<0x7F800000> : vector<1024xf32>
    %reduce_min3A_45 = vector.multi_reduction <minimumf>, %select_n3A_43, %reduce_min3A_44 [1] : vector<1024x128xf32> to vector<1024xf32>
    %broadcast_in_dim3A_46 = vector.shape_cast %reduce_min3A_45 : vector<1024xf32> to vector<1024x1xf32>
    %eq3A_47 = vector.broadcast %broadcast_in_dim3A_46 : vector<1024x1xf32> to vector<1024x128xf32>
    %eq3A_48 = arith.cmpf oeq, %select_n3A_43, %eq3A_47 : vector<1024x128xf32>
    %jit3A_49 = arith.constant 1073741824 : i32
    %broadcast_in_dim3A_50 = vector.broadcast %jit3A_49 : i32 to vector<1024x128xi32>
    %select_n3A_51 = arith.select %eq3A_48, %iota3A, %broadcast_in_dim3A_50 : vector<1024x128xi1>, vector<1024x128xi32>
    %reduce_min3A_52 = arith.constant dense<2147483647> : vector<1024xi32>
    %reduce_min3A_53 = vector.multi_reduction <minsi>, %select_n3A_51, %reduce_min3A_52 [1] : vector<1024x128xi32> to vector<1024xi32>
    %broadcast_in_dim3A_54 = vector.shape_cast %reduce_min3A_53 : vector<1024xi32> to vector<1024x1xi32>
    %eq3A_55 = vector.broadcast %broadcast_in_dim3A_54 : vector<1024x1xi32> to vector<1024x128xi32>
    %eq3A_56 = arith.cmpi eq, %iota3A, %eq3A_55 : vector<1024x128xi32>
    %jit3A_57 = arith.constant 1073741824 : i32
    %broadcast_in_dim3A_58 = vector.broadcast %jit3A_57 : i32 to vector<1024x128xi32>
    %select_n3A_59 = arith.select %eq3A_56, %get3A_4, %broadcast_in_dim3A_58 : vector<1024x128xi1>, vector<1024x128xi32>
    %reduce_min3A_60 = arith.constant dense<2147483647> : vector<1024xi32>
    %reduce_min3A_61 = vector.multi_reduction <minsi>, %select_n3A_59, %reduce_min3A_60 [1] : vector<1024x128xi32> to vector<1024xi32>
    %broadcast_in_dim3A_62 = vector.shape_cast %reduce_min3A_61 : vector<1024xi32> to vector<1024x1xi32>
    %jit3A_63 = arith.constant 0x7F800000 : f32
    %broadcast_in_dim3A_64 = vector.broadcast %jit3A_63 : f32 to vector<1024x128xf32>
    %select_n3A_65 = arith.select %eq3A_56, %broadcast_in_dim3A_64, %select_n3A_43 : vector<1024x128xi1>, vector<1024x128xf32>
    %reduce_min3A_66 = arith.constant dense<0x7F800000> : vector<1024xf32>
    %reduce_min3A_67 = vector.multi_reduction <minimumf>, %select_n3A_65, %reduce_min3A_66 [1] : vector<1024x128xf32> to vector<1024xf32>
    %broadcast_in_dim3A_68 = vector.shape_cast %reduce_min3A_67 : vector<1024xf32> to vector<1024x1xf32>
    %eq3A_69 = vector.broadcast %broadcast_in_dim3A_68 : vector<1024x1xf32> to vector<1024x128xf32>
    %eq3A_70 = arith.cmpf oeq, %select_n3A_65, %eq3A_69 : vector<1024x128xf32>
    %jit3A_71 = arith.constant 1073741824 : i32
    %broadcast_in_dim3A_72 = vector.broadcast %jit3A_71 : i32 to vector<1024x128xi32>
    %select_n3A_73 = arith.select %eq3A_70, %iota3A, %broadcast_in_dim3A_72 : vector<1024x128xi1>, vector<1024x128xi32>
    %reduce_min3A_74 = arith.constant dense<2147483647> : vector<1024xi32>
    %reduce_min3A_75 = vector.multi_reduction <minsi>, %select_n3A_73, %reduce_min3A_74 [1] : vector<1024x128xi32> to vector<1024xi32>
    %broadcast_in_dim3A_76 = vector.shape_cast %reduce_min3A_75 : vector<1024xi32> to vector<1024x1xi32>
    %eq3A_77 = vector.broadcast %broadcast_in_dim3A_76 : vector<1024x1xi32> to vector<1024x128xi32>
    %eq3A_78 = arith.cmpi eq, %iota3A, %eq3A_77 : vector<1024x128xi32>
    %jit3A_79 = arith.constant 1073741824 : i32
    %broadcast_in_dim3A_80 = vector.broadcast %jit3A_79 : i32 to vector<1024x128xi32>
    %select_n3A_81 = arith.select %eq3A_78, %get3A_4, %broadcast_in_dim3A_80 : vector<1024x128xi1>, vector<1024x128xi32>
    %reduce_min3A_82 = arith.constant dense<2147483647> : vector<1024xi32>
    %reduce_min3A_83 = vector.multi_reduction <minsi>, %select_n3A_81, %reduce_min3A_82 [1] : vector<1024x128xi32> to vector<1024xi32>
    %broadcast_in_dim3A_84 = vector.shape_cast %reduce_min3A_83 : vector<1024xi32> to vector<1024x1xi32>
    %jit3A_85 = arith.constant 0x7F800000 : f32
    %broadcast_in_dim3A_86 = vector.broadcast %jit3A_85 : f32 to vector<1024x128xf32>
    %select_n3A_87 = arith.select %eq3A_78, %broadcast_in_dim3A_86, %select_n3A_65 : vector<1024x128xi1>, vector<1024x128xf32>
    %reduce_min3A_88 = arith.constant dense<0x7F800000> : vector<1024xf32>
    %reduce_min3A_89 = vector.multi_reduction <minimumf>, %select_n3A_87, %reduce_min3A_88 [1] : vector<1024x128xf32> to vector<1024xf32>
    %broadcast_in_dim3A_90 = vector.shape_cast %reduce_min3A_89 : vector<1024xf32> to vector<1024x1xf32>
    %eq3A_91 = vector.broadcast %broadcast_in_dim3A_90 : vector<1024x1xf32> to vector<1024x128xf32>
    %eq3A_92 = arith.cmpf oeq, %select_n3A_87, %eq3A_91 : vector<1024x128xf32>
    %jit3A_93 = arith.constant 1073741824 : i32
    %broadcast_in_dim3A_94 = vector.broadcast %jit3A_93 : i32 to vector<1024x128xi32>
    %select_n3A_95 = arith.select %eq3A_92, %iota3A, %broadcast_in_dim3A_94 : vector<1024x128xi1>, vector<1024x128xi32>
    %reduce_min3A_96 = arith.constant dense<2147483647> : vector<1024xi32>
    %reduce_min3A_97 = vector.multi_reduction <minsi>, %select_n3A_95, %reduce_min3A_96 [1] : vector<1024x128xi32> to vector<1024xi32>
    %broadcast_in_dim3A_98 = vector.shape_cast %reduce_min3A_97 : vector<1024xi32> to vector<1024x1xi32>
    %eq3A_99 = vector.broadcast %broadcast_in_dim3A_98 : vector<1024x1xi32> to vector<1024x128xi32>
    %eq3A_100 = arith.cmpi eq, %iota3A, %eq3A_99 : vector<1024x128xi32>
    %jit3A_101 = arith.constant 1073741824 : i32
    %broadcast_in_dim3A_102 = vector.broadcast %jit3A_101 : i32 to vector<1024x128xi32>
    %select_n3A_103 = arith.select %eq3A_100, %get3A_4, %broadcast_in_dim3A_102 : vector<1024x128xi1>, vector<1024x128xi32>
    %reduce_min3A_104 = arith.constant dense<2147483647> : vector<1024xi32>
    %reduce_min3A_105 = vector.multi_reduction <minsi>, %select_n3A_103, %reduce_min3A_104 [1] : vector<1024x128xi32> to vector<1024xi32>
    %broadcast_in_dim3A_106 = vector.shape_cast %reduce_min3A_105 : vector<1024xi32> to vector<1024x1xi32>
    %jit3A_107 = arith.constant 0x7F800000 : f32
    %broadcast_in_dim3A_108 = vector.broadcast %jit3A_107 : f32 to vector<1024x128xf32>
    %select_n3A_109 = arith.select %eq3A_100, %broadcast_in_dim3A_108, %select_n3A_87 : vector<1024x128xi1>, vector<1024x128xf32>
    %reduce_min3A_110 = arith.constant dense<0x7F800000> : vector<1024xf32>
    %reduce_min3A_111 = vector.multi_reduction <minimumf>, %select_n3A_109, %reduce_min3A_110 [1] : vector<1024x128xf32> to vector<1024xf32>
    %broadcast_in_dim3A_112 = vector.shape_cast %reduce_min3A_111 : vector<1024xf32> to vector<1024x1xf32>
    %eq3A_113 = vector.broadcast %broadcast_in_dim3A_112 : vector<1024x1xf32> to vector<1024x128xf32>
    %eq3A_114 = arith.cmpf oeq, %select_n3A_109, %eq3A_113 : vector<1024x128xf32>
    %jit3A_115 = arith.constant 1073741824 : i32
    %broadcast_in_dim3A_116 = vector.broadcast %jit3A_115 : i32 to vector<1024x128xi32>
    %select_n3A_117 = arith.select %eq3A_114, %iota3A, %broadcast_in_dim3A_116 : vector<1024x128xi1>, vector<1024x128xi32>
    %reduce_min3A_118 = arith.constant dense<2147483647> : vector<1024xi32>
    %reduce_min3A_119 = vector.multi_reduction <minsi>, %select_n3A_117, %reduce_min3A_118 [1] : vector<1024x128xi32> to vector<1024xi32>
    %broadcast_in_dim3A_120 = vector.shape_cast %reduce_min3A_119 : vector<1024xi32> to vector<1024x1xi32>
    %eq3A_121 = vector.broadcast %broadcast_in_dim3A_120 : vector<1024x1xi32> to vector<1024x128xi32>
    %eq3A_122 = arith.cmpi eq, %iota3A, %eq3A_121 : vector<1024x128xi32>
    %jit3A_123 = arith.constant 1073741824 : i32
    %broadcast_in_dim3A_124 = vector.broadcast %jit3A_123 : i32 to vector<1024x128xi32>
    %select_n3A_125 = arith.select %eq3A_122, %get3A_4, %broadcast_in_dim3A_124 : vector<1024x128xi1>, vector<1024x128xi32>
    %reduce_min3A_126 = arith.constant dense<2147483647> : vector<1024xi32>
    %reduce_min3A_127 = vector.multi_reduction <minsi>, %select_n3A_125, %reduce_min3A_126 [1] : vector<1024x128xi32> to vector<1024xi32>
    %broadcast_in_dim3A_128 = vector.shape_cast %reduce_min3A_127 : vector<1024xi32> to vector<1024x1xi32>
    %jit3A_129 = arith.constant 0x7F800000 : f32
    %broadcast_in_dim3A_130 = vector.broadcast %jit3A_129 : f32 to vector<1024x128xf32>
    %select_n3A_131 = arith.select %eq3A_122, %broadcast_in_dim3A_130, %select_n3A_109 : vector<1024x128xi1>, vector<1024x128xf32>
    %reduce_min3A_132 = arith.constant dense<0x7F800000> : vector<1024xf32>
    %reduce_min3A_133 = vector.multi_reduction <minimumf>, %select_n3A_131, %reduce_min3A_132 [1] : vector<1024x128xf32> to vector<1024xf32>
    %broadcast_in_dim3A_134 = vector.shape_cast %reduce_min3A_133 : vector<1024xf32> to vector<1024x1xf32>
    %eq3A_135 = vector.broadcast %broadcast_in_dim3A_134 : vector<1024x1xf32> to vector<1024x128xf32>
    %eq3A_136 = arith.cmpf oeq, %select_n3A_131, %eq3A_135 : vector<1024x128xf32>
    %jit3A_137 = arith.constant 1073741824 : i32
    %broadcast_in_dim3A_138 = vector.broadcast %jit3A_137 : i32 to vector<1024x128xi32>
    %select_n3A_139 = arith.select %eq3A_136, %iota3A, %broadcast_in_dim3A_138 : vector<1024x128xi1>, vector<1024x128xi32>
    %reduce_min3A_140 = arith.constant dense<2147483647> : vector<1024xi32>
    %reduce_min3A_141 = vector.multi_reduction <minsi>, %select_n3A_139, %reduce_min3A_140 [1] : vector<1024x128xi32> to vector<1024xi32>
    %broadcast_in_dim3A_142 = vector.shape_cast %reduce_min3A_141 : vector<1024xi32> to vector<1024x1xi32>
    %eq3A_143 = vector.broadcast %broadcast_in_dim3A_142 : vector<1024x1xi32> to vector<1024x128xi32>
    %eq3A_144 = arith.cmpi eq, %iota3A, %eq3A_143 : vector<1024x128xi32>
    %jit3A_145 = arith.constant 1073741824 : i32
    %broadcast_in_dim3A_146 = vector.broadcast %jit3A_145 : i32 to vector<1024x128xi32>
    %select_n3A_147 = arith.select %eq3A_144, %get3A_4, %broadcast_in_dim3A_146 : vector<1024x128xi1>, vector<1024x128xi32>
    %reduce_min3A_148 = arith.constant dense<2147483647> : vector<1024xi32>
    %reduce_min3A_149 = vector.multi_reduction <minsi>, %select_n3A_147, %reduce_min3A_148 [1] : vector<1024x128xi32> to vector<1024xi32>
    %broadcast_in_dim3A_150 = vector.shape_cast %reduce_min3A_149 : vector<1024xi32> to vector<1024x1xi32>
    %jit3A_151 = arith.constant 0x7F800000 : f32
    %broadcast_in_dim3A_152 = vector.broadcast %jit3A_151 : f32 to vector<1024x128xf32>
    %select_n3A_153 = arith.select %eq3A_144, %broadcast_in_dim3A_152, %select_n3A_131 : vector<1024x128xi1>, vector<1024x128xf32>
    %reduce_min3A_154 = arith.constant dense<0x7F800000> : vector<1024xf32>
    %reduce_min3A_155 = vector.multi_reduction <minimumf>, %select_n3A_153, %reduce_min3A_154 [1] : vector<1024x128xf32> to vector<1024xf32>
    %broadcast_in_dim3A_156 = vector.shape_cast %reduce_min3A_155 : vector<1024xf32> to vector<1024x1xf32>
    %eq3A_157 = vector.broadcast %broadcast_in_dim3A_156 : vector<1024x1xf32> to vector<1024x128xf32>
    %eq3A_158 = arith.cmpf oeq, %select_n3A_153, %eq3A_157 : vector<1024x128xf32>
    %jit3A_159 = arith.constant 1073741824 : i32
    %broadcast_in_dim3A_160 = vector.broadcast %jit3A_159 : i32 to vector<1024x128xi32>
    %select_n3A_161 = arith.select %eq3A_158, %iota3A, %broadcast_in_dim3A_160 : vector<1024x128xi1>, vector<1024x128xi32>
    %reduce_min3A_162 = arith.constant dense<2147483647> : vector<1024xi32>
    %reduce_min3A_163 = vector.multi_reduction <minsi>, %select_n3A_161, %reduce_min3A_162 [1] : vector<1024x128xi32> to vector<1024xi32>
    %broadcast_in_dim3A_164 = vector.shape_cast %reduce_min3A_163 : vector<1024xi32> to vector<1024x1xi32>
    %eq3A_165 = vector.broadcast %broadcast_in_dim3A_164 : vector<1024x1xi32> to vector<1024x128xi32>
    %eq3A_166 = arith.cmpi eq, %iota3A, %eq3A_165 : vector<1024x128xi32>
    %jit3A_167 = arith.constant 1073741824 : i32
    %broadcast_in_dim3A_168 = vector.broadcast %jit3A_167 : i32 to vector<1024x128xi32>
    %select_n3A_169 = arith.select %eq3A_166, %get3A_4, %broadcast_in_dim3A_168 : vector<1024x128xi1>, vector<1024x128xi32>
    %reduce_min3A_170 = arith.constant dense<2147483647> : vector<1024xi32>
    %reduce_min3A_171 = vector.multi_reduction <minsi>, %select_n3A_169, %reduce_min3A_170 [1] : vector<1024x128xi32> to vector<1024xi32>
    %broadcast_in_dim3A_172 = vector.shape_cast %reduce_min3A_171 : vector<1024xi32> to vector<1024x1xi32>
    %jit3A_173 = arith.constant 0x7F800000 : f32
    %broadcast_in_dim3A_174 = vector.broadcast %jit3A_173 : f32 to vector<1024x128xf32>
    %select_n3A_175 = arith.select %eq3A_166, %broadcast_in_dim3A_174, %select_n3A_153 : vector<1024x128xi1>, vector<1024x128xf32>
    %reduce_min3A_176 = arith.constant dense<0x7F800000> : vector<1024xf32>
    %reduce_min3A_177 = vector.multi_reduction <minimumf>, %select_n3A_175, %reduce_min3A_176 [1] : vector<1024x128xf32> to vector<1024xf32>
    %broadcast_in_dim3A_178 = vector.shape_cast %reduce_min3A_177 : vector<1024xf32> to vector<1024x1xf32>
    %eq3A_179 = vector.broadcast %broadcast_in_dim3A_178 : vector<1024x1xf32> to vector<1024x128xf32>
    %eq3A_180 = arith.cmpf oeq, %select_n3A_175, %eq3A_179 : vector<1024x128xf32>
    %jit3A_181 = arith.constant 1073741824 : i32
    %broadcast_in_dim3A_182 = vector.broadcast %jit3A_181 : i32 to vector<1024x128xi32>
    %select_n3A_183 = arith.select %eq3A_180, %iota3A, %broadcast_in_dim3A_182 : vector<1024x128xi1>, vector<1024x128xi32>
    %reduce_min3A_184 = arith.constant dense<2147483647> : vector<1024xi32>
    %reduce_min3A_185 = vector.multi_reduction <minsi>, %select_n3A_183, %reduce_min3A_184 [1] : vector<1024x128xi32> to vector<1024xi32>
    %broadcast_in_dim3A_186 = vector.shape_cast %reduce_min3A_185 : vector<1024xi32> to vector<1024x1xi32>
    %eq3A_187 = vector.broadcast %broadcast_in_dim3A_186 : vector<1024x1xi32> to vector<1024x128xi32>
    %eq3A_188 = arith.cmpi eq, %iota3A, %eq3A_187 : vector<1024x128xi32>
    %jit3A_189 = arith.constant 1073741824 : i32
    %broadcast_in_dim3A_190 = vector.broadcast %jit3A_189 : i32 to vector<1024x128xi32>
    %select_n3A_191 = arith.select %eq3A_188, %get3A_4, %broadcast_in_dim3A_190 : vector<1024x128xi1>, vector<1024x128xi32>
    %reduce_min3A_192 = arith.constant dense<2147483647> : vector<1024xi32>
    %reduce_min3A_193 = vector.multi_reduction <minsi>, %select_n3A_191, %reduce_min3A_192 [1] : vector<1024x128xi32> to vector<1024xi32>
    %broadcast_in_dim3A_194 = vector.shape_cast %reduce_min3A_193 : vector<1024xi32> to vector<1024x1xi32>
    %jit3A_195 = arith.constant 0x7F800000 : f32
    %broadcast_in_dim3A_196 = vector.broadcast %jit3A_195 : f32 to vector<1024x128xf32>
    %select_n3A_197 = arith.select %eq3A_188, %broadcast_in_dim3A_196, %select_n3A_175 : vector<1024x128xi1>, vector<1024x128xf32>
    %reduce_min3A_198 = arith.constant dense<0x7F800000> : vector<1024xf32>
    %reduce_min3A_199 = vector.multi_reduction <minimumf>, %select_n3A_197, %reduce_min3A_198 [1] : vector<1024x128xf32> to vector<1024xf32>
    %broadcast_in_dim3A_200 = vector.shape_cast %reduce_min3A_199 : vector<1024xf32> to vector<1024x1xf32>
    %eq3A_201 = vector.broadcast %broadcast_in_dim3A_200 : vector<1024x1xf32> to vector<1024x128xf32>
    %eq3A_202 = arith.cmpf oeq, %select_n3A_197, %eq3A_201 : vector<1024x128xf32>
    %jit3A_203 = arith.constant 1073741824 : i32
    %broadcast_in_dim3A_204 = vector.broadcast %jit3A_203 : i32 to vector<1024x128xi32>
    %select_n3A_205 = arith.select %eq3A_202, %iota3A, %broadcast_in_dim3A_204 : vector<1024x128xi1>, vector<1024x128xi32>
    %reduce_min3A_206 = arith.constant dense<2147483647> : vector<1024xi32>
    %reduce_min3A_207 = vector.multi_reduction <minsi>, %select_n3A_205, %reduce_min3A_206 [1] : vector<1024x128xi32> to vector<1024xi32>
    %broadcast_in_dim3A_208 = vector.shape_cast %reduce_min3A_207 : vector<1024xi32> to vector<1024x1xi32>
    %eq3A_209 = vector.broadcast %broadcast_in_dim3A_208 : vector<1024x1xi32> to vector<1024x128xi32>
    %eq3A_210 = arith.cmpi eq, %iota3A, %eq3A_209 : vector<1024x128xi32>
    %jit3A_211 = arith.constant 1073741824 : i32
    %broadcast_in_dim3A_212 = vector.broadcast %jit3A_211 : i32 to vector<1024x128xi32>
    %select_n3A_213 = arith.select %eq3A_210, %get3A_4, %broadcast_in_dim3A_212 : vector<1024x128xi1>, vector<1024x128xi32>
    %reduce_min3A_214 = arith.constant dense<2147483647> : vector<1024xi32>
    %reduce_min3A_215 = vector.multi_reduction <minsi>, %select_n3A_213, %reduce_min3A_214 [1] : vector<1024x128xi32> to vector<1024xi32>
    %broadcast_in_dim3A_216 = vector.shape_cast %reduce_min3A_215 : vector<1024xi32> to vector<1024x1xi32>
    %jit3A_217 = arith.constant 0x7F800000 : f32
    %broadcast_in_dim3A_218 = vector.broadcast %jit3A_217 : f32 to vector<1024x128xf32>
    %select_n3A_219 = arith.select %eq3A_210, %broadcast_in_dim3A_218, %select_n3A_197 : vector<1024x128xi1>, vector<1024x128xf32>
    %reduce_min3A_220 = arith.constant dense<0x7F800000> : vector<1024xf32>
    %reduce_min3A_221 = vector.multi_reduction <minimumf>, %select_n3A_219, %reduce_min3A_220 [1] : vector<1024x128xf32> to vector<1024xf32>
    %broadcast_in_dim3A_222 = vector.shape_cast %reduce_min3A_221 : vector<1024xf32> to vector<1024x1xf32>
    %eq3A_223 = vector.broadcast %broadcast_in_dim3A_222 : vector<1024x1xf32> to vector<1024x128xf32>
    %eq3A_224 = arith.cmpf oeq, %select_n3A_219, %eq3A_223 : vector<1024x128xf32>
    %jit3A_225 = arith.constant 1073741824 : i32
    %broadcast_in_dim3A_226 = vector.broadcast %jit3A_225 : i32 to vector<1024x128xi32>
    %select_n3A_227 = arith.select %eq3A_224, %iota3A, %broadcast_in_dim3A_226 : vector<1024x128xi1>, vector<1024x128xi32>
    %reduce_min3A_228 = arith.constant dense<2147483647> : vector<1024xi32>
    %reduce_min3A_229 = vector.multi_reduction <minsi>, %select_n3A_227, %reduce_min3A_228 [1] : vector<1024x128xi32> to vector<1024xi32>
    %broadcast_in_dim3A_230 = vector.shape_cast %reduce_min3A_229 : vector<1024xi32> to vector<1024x1xi32>
    %eq3A_231 = vector.broadcast %broadcast_in_dim3A_230 : vector<1024x1xi32> to vector<1024x128xi32>
    %eq3A_232 = arith.cmpi eq, %iota3A, %eq3A_231 : vector<1024x128xi32>
    %jit3A_233 = arith.constant 1073741824 : i32
    %broadcast_in_dim3A_234 = vector.broadcast %jit3A_233 : i32 to vector<1024x128xi32>
    %select_n3A_235 = arith.select %eq3A_232, %get3A_4, %broadcast_in_dim3A_234 : vector<1024x128xi1>, vector<1024x128xi32>
    %reduce_min3A_236 = arith.constant dense<2147483647> : vector<1024xi32>
    %reduce_min3A_237 = vector.multi_reduction <minsi>, %select_n3A_235, %reduce_min3A_236 [1] : vector<1024x128xi32> to vector<1024xi32>
    %broadcast_in_dim3A_238 = vector.shape_cast %reduce_min3A_237 : vector<1024xi32> to vector<1024x1xi32>
    %jit3A_239 = arith.constant 0x7F800000 : f32
    %broadcast_in_dim3A_240 = vector.broadcast %jit3A_239 : f32 to vector<1024x128xf32>
    %select_n3A_241 = arith.select %eq3A_232, %broadcast_in_dim3A_240, %select_n3A_219 : vector<1024x128xi1>, vector<1024x128xf32>
    %reduce_min3A_242 = arith.constant dense<0x7F800000> : vector<1024xf32>
    %reduce_min3A_243 = vector.multi_reduction <minimumf>, %select_n3A_241, %reduce_min3A_242 [1] : vector<1024x128xf32> to vector<1024xf32>
    %broadcast_in_dim3A_244 = vector.shape_cast %reduce_min3A_243 : vector<1024xf32> to vector<1024x1xf32>
    %eq3A_245 = vector.broadcast %broadcast_in_dim3A_244 : vector<1024x1xf32> to vector<1024x128xf32>
    %eq3A_246 = arith.cmpf oeq, %select_n3A_241, %eq3A_245 : vector<1024x128xf32>
    %jit3A_247 = arith.constant 1073741824 : i32
    %broadcast_in_dim3A_248 = vector.broadcast %jit3A_247 : i32 to vector<1024x128xi32>
    %select_n3A_249 = arith.select %eq3A_246, %iota3A, %broadcast_in_dim3A_248 : vector<1024x128xi1>, vector<1024x128xi32>
    %reduce_min3A_250 = arith.constant dense<2147483647> : vector<1024xi32>
    %reduce_min3A_251 = vector.multi_reduction <minsi>, %select_n3A_249, %reduce_min3A_250 [1] : vector<1024x128xi32> to vector<1024xi32>
    %broadcast_in_dim3A_252 = vector.shape_cast %reduce_min3A_251 : vector<1024xi32> to vector<1024x1xi32>
    %eq3A_253 = vector.broadcast %broadcast_in_dim3A_252 : vector<1024x1xi32> to vector<1024x128xi32>
    %eq3A_254 = arith.cmpi eq, %iota3A, %eq3A_253 : vector<1024x128xi32>
    %jit3A_255 = arith.constant 1073741824 : i32
    %broadcast_in_dim3A_256 = vector.broadcast %jit3A_255 : i32 to vector<1024x128xi32>
    %select_n3A_257 = arith.select %eq3A_254, %get3A_4, %broadcast_in_dim3A_256 : vector<1024x128xi1>, vector<1024x128xi32>
    %reduce_min3A_258 = arith.constant dense<2147483647> : vector<1024xi32>
    %reduce_min3A_259 = vector.multi_reduction <minsi>, %select_n3A_257, %reduce_min3A_258 [1] : vector<1024x128xi32> to vector<1024xi32>
    %broadcast_in_dim3A_260 = vector.shape_cast %reduce_min3A_259 : vector<1024xi32> to vector<1024x1xi32>
    %jit3A_261 = arith.constant 0x7F800000 : f32
    %broadcast_in_dim3A_262 = vector.broadcast %jit3A_261 : f32 to vector<1024x128xf32>
    %select_n3A_263 = arith.select %eq3A_254, %broadcast_in_dim3A_262, %select_n3A_241 : vector<1024x128xi1>, vector<1024x128xf32>
    %reduce_min3A_264 = arith.constant dense<0x7F800000> : vector<1024xf32>
    %reduce_min3A_265 = vector.multi_reduction <minimumf>, %select_n3A_263, %reduce_min3A_264 [1] : vector<1024x128xf32> to vector<1024xf32>
    %broadcast_in_dim3A_266 = vector.shape_cast %reduce_min3A_265 : vector<1024xf32> to vector<1024x1xf32>
    %eq3A_267 = vector.broadcast %broadcast_in_dim3A_266 : vector<1024x1xf32> to vector<1024x128xf32>
    %eq3A_268 = arith.cmpf oeq, %select_n3A_263, %eq3A_267 : vector<1024x128xf32>
    %jit3A_269 = arith.constant 1073741824 : i32
    %broadcast_in_dim3A_270 = vector.broadcast %jit3A_269 : i32 to vector<1024x128xi32>
    %select_n3A_271 = arith.select %eq3A_268, %iota3A, %broadcast_in_dim3A_270 : vector<1024x128xi1>, vector<1024x128xi32>
    %reduce_min3A_272 = arith.constant dense<2147483647> : vector<1024xi32>
    %reduce_min3A_273 = vector.multi_reduction <minsi>, %select_n3A_271, %reduce_min3A_272 [1] : vector<1024x128xi32> to vector<1024xi32>
    %broadcast_in_dim3A_274 = vector.shape_cast %reduce_min3A_273 : vector<1024xi32> to vector<1024x1xi32>
    %eq3A_275 = vector.broadcast %broadcast_in_dim3A_274 : vector<1024x1xi32> to vector<1024x128xi32>
    %eq3A_276 = arith.cmpi eq, %iota3A, %eq3A_275 : vector<1024x128xi32>
    %jit3A_277 = arith.constant 1073741824 : i32
    %broadcast_in_dim3A_278 = vector.broadcast %jit3A_277 : i32 to vector<1024x128xi32>
    %select_n3A_279 = arith.select %eq3A_276, %get3A_4, %broadcast_in_dim3A_278 : vector<1024x128xi1>, vector<1024x128xi32>
    %reduce_min3A_280 = arith.constant dense<2147483647> : vector<1024xi32>
    %reduce_min3A_281 = vector.multi_reduction <minsi>, %select_n3A_279, %reduce_min3A_280 [1] : vector<1024x128xi32> to vector<1024xi32>
    %broadcast_in_dim3A_282 = vector.shape_cast %reduce_min3A_281 : vector<1024xi32> to vector<1024x1xi32>
    %jit3A_283 = arith.constant 0x7F800000 : f32
    %broadcast_in_dim3A_284 = vector.broadcast %jit3A_283 : f32 to vector<1024x128xf32>
    %select_n3A_285 = arith.select %eq3A_276, %broadcast_in_dim3A_284, %select_n3A_263 : vector<1024x128xi1>, vector<1024x128xf32>
    %reduce_min3A_286 = arith.constant dense<0x7F800000> : vector<1024xf32>
    %reduce_min3A_287 = vector.multi_reduction <minimumf>, %select_n3A_285, %reduce_min3A_286 [1] : vector<1024x128xf32> to vector<1024xf32>
    %broadcast_in_dim3A_288 = vector.shape_cast %reduce_min3A_287 : vector<1024xf32> to vector<1024x1xf32>
    %eq3A_289 = vector.broadcast %broadcast_in_dim3A_288 : vector<1024x1xf32> to vector<1024x128xf32>
    %eq3A_290 = arith.cmpf oeq, %select_n3A_285, %eq3A_289 : vector<1024x128xf32>
    %jit3A_291 = arith.constant 1073741824 : i32
    %broadcast_in_dim3A_292 = vector.broadcast %jit3A_291 : i32 to vector<1024x128xi32>
    %select_n3A_293 = arith.select %eq3A_290, %iota3A, %broadcast_in_dim3A_292 : vector<1024x128xi1>, vector<1024x128xi32>
    %reduce_min3A_294 = arith.constant dense<2147483647> : vector<1024xi32>
    %reduce_min3A_295 = vector.multi_reduction <minsi>, %select_n3A_293, %reduce_min3A_294 [1] : vector<1024x128xi32> to vector<1024xi32>
    %broadcast_in_dim3A_296 = vector.shape_cast %reduce_min3A_295 : vector<1024xi32> to vector<1024x1xi32>
    %eq3A_297 = vector.broadcast %broadcast_in_dim3A_296 : vector<1024x1xi32> to vector<1024x128xi32>
    %eq3A_298 = arith.cmpi eq, %iota3A, %eq3A_297 : vector<1024x128xi32>
    %jit3A_299 = arith.constant 1073741824 : i32
    %broadcast_in_dim3A_300 = vector.broadcast %jit3A_299 : i32 to vector<1024x128xi32>
    %select_n3A_301 = arith.select %eq3A_298, %get3A_4, %broadcast_in_dim3A_300 : vector<1024x128xi1>, vector<1024x128xi32>
    %reduce_min3A_302 = arith.constant dense<2147483647> : vector<1024xi32>
    %reduce_min3A_303 = vector.multi_reduction <minsi>, %select_n3A_301, %reduce_min3A_302 [1] : vector<1024x128xi32> to vector<1024xi32>
    %broadcast_in_dim3A_304 = vector.shape_cast %reduce_min3A_303 : vector<1024xi32> to vector<1024x1xi32>
    %jit3A_305 = arith.constant 0x7F800000 : f32
    %broadcast_in_dim3A_306 = vector.broadcast %jit3A_305 : f32 to vector<1024x128xf32>
    %select_n3A_307 = arith.select %eq3A_298, %broadcast_in_dim3A_306, %select_n3A_285 : vector<1024x128xi1>, vector<1024x128xf32>
    %reduce_min3A_308 = arith.constant dense<0x7F800000> : vector<1024xf32>
    %reduce_min3A_309 = vector.multi_reduction <minimumf>, %select_n3A_307, %reduce_min3A_308 [1] : vector<1024x128xf32> to vector<1024xf32>
    %broadcast_in_dim3A_310 = vector.shape_cast %reduce_min3A_309 : vector<1024xf32> to vector<1024x1xf32>
    %eq3A_311 = vector.broadcast %broadcast_in_dim3A_310 : vector<1024x1xf32> to vector<1024x128xf32>
    %eq3A_312 = arith.cmpf oeq, %select_n3A_307, %eq3A_311 : vector<1024x128xf32>
    %jit3A_313 = arith.constant 1073741824 : i32
    %broadcast_in_dim3A_314 = vector.broadcast %jit3A_313 : i32 to vector<1024x128xi32>
    %select_n3A_315 = arith.select %eq3A_312, %iota3A, %broadcast_in_dim3A_314 : vector<1024x128xi1>, vector<1024x128xi32>
    %reduce_min3A_316 = arith.constant dense<2147483647> : vector<1024xi32>
    %reduce_min3A_317 = vector.multi_reduction <minsi>, %select_n3A_315, %reduce_min3A_316 [1] : vector<1024x128xi32> to vector<1024xi32>
    %broadcast_in_dim3A_318 = vector.shape_cast %reduce_min3A_317 : vector<1024xi32> to vector<1024x1xi32>
    %eq3A_319 = vector.broadcast %broadcast_in_dim3A_318 : vector<1024x1xi32> to vector<1024x128xi32>
    %eq3A_320 = arith.cmpi eq, %iota3A, %eq3A_319 : vector<1024x128xi32>
    %jit3A_321 = arith.constant 1073741824 : i32
    %broadcast_in_dim3A_322 = vector.broadcast %jit3A_321 : i32 to vector<1024x128xi32>
    %select_n3A_323 = arith.select %eq3A_320, %get3A_4, %broadcast_in_dim3A_322 : vector<1024x128xi1>, vector<1024x128xi32>
    %reduce_min3A_324 = arith.constant dense<2147483647> : vector<1024xi32>
    %reduce_min3A_325 = vector.multi_reduction <minsi>, %select_n3A_323, %reduce_min3A_324 [1] : vector<1024x128xi32> to vector<1024xi32>
    %broadcast_in_dim3A_326 = vector.shape_cast %reduce_min3A_325 : vector<1024xi32> to vector<1024x1xi32>
    %jit3A_327 = arith.constant 0x7F800000 : f32
    %broadcast_in_dim3A_328 = vector.broadcast %jit3A_327 : f32 to vector<1024x128xf32>
    %select_n3A_329 = arith.select %eq3A_320, %broadcast_in_dim3A_328, %select_n3A_307 : vector<1024x128xi1>, vector<1024x128xf32>
    %reduce_min3A_330 = arith.constant dense<0x7F800000> : vector<1024xf32>
    %reduce_min3A_331 = vector.multi_reduction <minimumf>, %select_n3A_329, %reduce_min3A_330 [1] : vector<1024x128xf32> to vector<1024xf32>
    %broadcast_in_dim3A_332 = vector.shape_cast %reduce_min3A_331 : vector<1024xf32> to vector<1024x1xf32>
    %eq3A_333 = vector.broadcast %broadcast_in_dim3A_332 : vector<1024x1xf32> to vector<1024x128xf32>
    %eq3A_334 = arith.cmpf oeq, %select_n3A_329, %eq3A_333 : vector<1024x128xf32>
    %jit3A_335 = arith.constant 1073741824 : i32
    %broadcast_in_dim3A_336 = vector.broadcast %jit3A_335 : i32 to vector<1024x128xi32>
    %select_n3A_337 = arith.select %eq3A_334, %iota3A, %broadcast_in_dim3A_336 : vector<1024x128xi1>, vector<1024x128xi32>
    %reduce_min3A_338 = arith.constant dense<2147483647> : vector<1024xi32>
    %reduce_min3A_339 = vector.multi_reduction <minsi>, %select_n3A_337, %reduce_min3A_338 [1] : vector<1024x128xi32> to vector<1024xi32>
    %broadcast_in_dim3A_340 = vector.shape_cast %reduce_min3A_339 : vector<1024xi32> to vector<1024x1xi32>
    %eq3A_341 = vector.broadcast %broadcast_in_dim3A_340 : vector<1024x1xi32> to vector<1024x128xi32>
    %eq3A_342 = arith.cmpi eq, %iota3A, %eq3A_341 : vector<1024x128xi32>
    %jit3A_343 = arith.constant 1073741824 : i32
    %broadcast_in_dim3A_344 = vector.broadcast %jit3A_343 : i32 to vector<1024x128xi32>
    %select_n3A_345 = arith.select %eq3A_342, %get3A_4, %broadcast_in_dim3A_344 : vector<1024x128xi1>, vector<1024x128xi32>
    %reduce_min3A_346 = arith.constant dense<2147483647> : vector<1024xi32>
    %reduce_min3A_347 = vector.multi_reduction <minsi>, %select_n3A_345, %reduce_min3A_346 [1] : vector<1024x128xi32> to vector<1024xi32>
    %broadcast_in_dim3A_348 = vector.shape_cast %reduce_min3A_347 : vector<1024xi32> to vector<1024x1xi32>
    %jit3A_349 = arith.constant 0x7F800000 : f32
    %broadcast_in_dim3A_350 = vector.broadcast %jit3A_349 : f32 to vector<1024x128xf32>
    %select_n3A_351 = arith.select %eq3A_342, %broadcast_in_dim3A_350, %select_n3A_329 : vector<1024x128xi1>, vector<1024x128xf32>
    %reduce_min3A_352 = arith.constant dense<0x7F800000> : vector<1024xf32>
    %reduce_min3A_353 = vector.multi_reduction <minimumf>, %select_n3A_351, %reduce_min3A_352 [1] : vector<1024x128xf32> to vector<1024xf32>
    %broadcast_in_dim3A_354 = vector.shape_cast %reduce_min3A_353 : vector<1024xf32> to vector<1024x1xf32>
    %eq3A_355 = vector.broadcast %broadcast_in_dim3A_354 : vector<1024x1xf32> to vector<1024x128xf32>
    %eq3A_356 = arith.cmpf oeq, %select_n3A_351, %eq3A_355 : vector<1024x128xf32>
    %jit3A_357 = arith.constant 1073741824 : i32
    %broadcast_in_dim3A_358 = vector.broadcast %jit3A_357 : i32 to vector<1024x128xi32>
    %select_n3A_359 = arith.select %eq3A_356, %iota3A, %broadcast_in_dim3A_358 : vector<1024x128xi1>, vector<1024x128xi32>
    %reduce_min3A_360 = arith.constant dense<2147483647> : vector<1024xi32>
    %reduce_min3A_361 = vector.multi_reduction <minsi>, %select_n3A_359, %reduce_min3A_360 [1] : vector<1024x128xi32> to vector<1024xi32>
    %broadcast_in_dim3A_362 = vector.shape_cast %reduce_min3A_361 : vector<1024xi32> to vector<1024x1xi32>
    %eq3A_363 = vector.broadcast %broadcast_in_dim3A_362 : vector<1024x1xi32> to vector<1024x128xi32>
    %eq3A_364 = arith.cmpi eq, %iota3A, %eq3A_363 : vector<1024x128xi32>
    %jit3A_365 = arith.constant 1073741824 : i32
    %broadcast_in_dim3A_366 = vector.broadcast %jit3A_365 : i32 to vector<1024x128xi32>
    %select_n3A_367 = arith.select %eq3A_364, %get3A_4, %broadcast_in_dim3A_366 : vector<1024x128xi1>, vector<1024x128xi32>
    %reduce_min3A_368 = arith.constant dense<2147483647> : vector<1024xi32>
    %reduce_min3A_369 = vector.multi_reduction <minsi>, %select_n3A_367, %reduce_min3A_368 [1] : vector<1024x128xi32> to vector<1024xi32>
    %broadcast_in_dim3A_370 = vector.shape_cast %reduce_min3A_369 : vector<1024xi32> to vector<1024x1xi32>
    %jit3A_371 = arith.constant 0x7F800000 : f32
    %broadcast_in_dim3A_372 = vector.broadcast %jit3A_371 : f32 to vector<1024x128xf32>
    %select_n3A_373 = arith.select %eq3A_364, %broadcast_in_dim3A_372, %select_n3A_351 : vector<1024x128xi1>, vector<1024x128xf32>
    %reduce_min3A_374 = arith.constant dense<0x7F800000> : vector<1024xf32>
    %reduce_min3A_375 = vector.multi_reduction <minimumf>, %select_n3A_373, %reduce_min3A_374 [1] : vector<1024x128xf32> to vector<1024xf32>
    %broadcast_in_dim3A_376 = vector.shape_cast %reduce_min3A_375 : vector<1024xf32> to vector<1024x1xf32>
    %eq3A_377 = vector.broadcast %broadcast_in_dim3A_376 : vector<1024x1xf32> to vector<1024x128xf32>
    %eq3A_378 = arith.cmpf oeq, %select_n3A_373, %eq3A_377 : vector<1024x128xf32>
    %jit3A_379 = arith.constant 1073741824 : i32
    %broadcast_in_dim3A_380 = vector.broadcast %jit3A_379 : i32 to vector<1024x128xi32>
    %select_n3A_381 = arith.select %eq3A_378, %iota3A, %broadcast_in_dim3A_380 : vector<1024x128xi1>, vector<1024x128xi32>
    %reduce_min3A_382 = arith.constant dense<2147483647> : vector<1024xi32>
    %reduce_min3A_383 = vector.multi_reduction <minsi>, %select_n3A_381, %reduce_min3A_382 [1] : vector<1024x128xi32> to vector<1024xi32>
    %broadcast_in_dim3A_384 = vector.shape_cast %reduce_min3A_383 : vector<1024xi32> to vector<1024x1xi32>
    %eq3A_385 = vector.broadcast %broadcast_in_dim3A_384 : vector<1024x1xi32> to vector<1024x128xi32>
    %eq3A_386 = arith.cmpi eq, %iota3A, %eq3A_385 : vector<1024x128xi32>
    %jit3A_387 = arith.constant 1073741824 : i32
    %broadcast_in_dim3A_388 = vector.broadcast %jit3A_387 : i32 to vector<1024x128xi32>
    %select_n3A_389 = arith.select %eq3A_386, %get3A_4, %broadcast_in_dim3A_388 : vector<1024x128xi1>, vector<1024x128xi32>
    %reduce_min3A_390 = arith.constant dense<2147483647> : vector<1024xi32>
    %reduce_min3A_391 = vector.multi_reduction <minsi>, %select_n3A_389, %reduce_min3A_390 [1] : vector<1024x128xi32> to vector<1024xi32>
    %broadcast_in_dim3A_392 = vector.shape_cast %reduce_min3A_391 : vector<1024xi32> to vector<1024x1xi32>
    %jit3A_393 = arith.constant 0x7F800000 : f32
    %broadcast_in_dim3A_394 = vector.broadcast %jit3A_393 : f32 to vector<1024x128xf32>
    %select_n3A_395 = arith.select %eq3A_386, %broadcast_in_dim3A_394, %select_n3A_373 : vector<1024x128xi1>, vector<1024x128xf32>
    %reduce_min3A_396 = arith.constant dense<0x7F800000> : vector<1024xf32>
    %reduce_min3A_397 = vector.multi_reduction <minimumf>, %select_n3A_395, %reduce_min3A_396 [1] : vector<1024x128xf32> to vector<1024xf32>
    %broadcast_in_dim3A_398 = vector.shape_cast %reduce_min3A_397 : vector<1024xf32> to vector<1024x1xf32>
    %eq3A_399 = vector.broadcast %broadcast_in_dim3A_398 : vector<1024x1xf32> to vector<1024x128xf32>
    %eq3A_400 = arith.cmpf oeq, %select_n3A_395, %eq3A_399 : vector<1024x128xf32>
    %jit3A_401 = arith.constant 1073741824 : i32
    %broadcast_in_dim3A_402 = vector.broadcast %jit3A_401 : i32 to vector<1024x128xi32>
    %select_n3A_403 = arith.select %eq3A_400, %iota3A, %broadcast_in_dim3A_402 : vector<1024x128xi1>, vector<1024x128xi32>
    %reduce_min3A_404 = arith.constant dense<2147483647> : vector<1024xi32>
    %reduce_min3A_405 = vector.multi_reduction <minsi>, %select_n3A_403, %reduce_min3A_404 [1] : vector<1024x128xi32> to vector<1024xi32>
    %broadcast_in_dim3A_406 = vector.shape_cast %reduce_min3A_405 : vector<1024xi32> to vector<1024x1xi32>
    %eq3A_407 = vector.broadcast %broadcast_in_dim3A_406 : vector<1024x1xi32> to vector<1024x128xi32>
    %eq3A_408 = arith.cmpi eq, %iota3A, %eq3A_407 : vector<1024x128xi32>
    %jit3A_409 = arith.constant 1073741824 : i32
    %broadcast_in_dim3A_410 = vector.broadcast %jit3A_409 : i32 to vector<1024x128xi32>
    %select_n3A_411 = arith.select %eq3A_408, %get3A_4, %broadcast_in_dim3A_410 : vector<1024x128xi1>, vector<1024x128xi32>
    %reduce_min3A_412 = arith.constant dense<2147483647> : vector<1024xi32>
    %reduce_min3A_413 = vector.multi_reduction <minsi>, %select_n3A_411, %reduce_min3A_412 [1] : vector<1024x128xi32> to vector<1024xi32>
    %broadcast_in_dim3A_414 = vector.shape_cast %reduce_min3A_413 : vector<1024xi32> to vector<1024x1xi32>
    %jit3A_415 = arith.constant 0x7F800000 : f32
    %broadcast_in_dim3A_416 = vector.broadcast %jit3A_415 : f32 to vector<1024x128xf32>
    %select_n3A_417 = arith.select %eq3A_408, %broadcast_in_dim3A_416, %select_n3A_395 : vector<1024x128xi1>, vector<1024x128xf32>
    %reduce_min3A_418 = arith.constant dense<0x7F800000> : vector<1024xf32>
    %reduce_min3A_419 = vector.multi_reduction <minimumf>, %select_n3A_417, %reduce_min3A_418 [1] : vector<1024x128xf32> to vector<1024xf32>
    %broadcast_in_dim3A_420 = vector.shape_cast %reduce_min3A_419 : vector<1024xf32> to vector<1024x1xf32>
    %eq3A_421 = vector.broadcast %broadcast_in_dim3A_420 : vector<1024x1xf32> to vector<1024x128xf32>
    %eq3A_422 = arith.cmpf oeq, %select_n3A_417, %eq3A_421 : vector<1024x128xf32>
    %jit3A_423 = arith.constant 1073741824 : i32
    %broadcast_in_dim3A_424 = vector.broadcast %jit3A_423 : i32 to vector<1024x128xi32>
    %select_n3A_425 = arith.select %eq3A_422, %iota3A, %broadcast_in_dim3A_424 : vector<1024x128xi1>, vector<1024x128xi32>
    %reduce_min3A_426 = arith.constant dense<2147483647> : vector<1024xi32>
    %reduce_min3A_427 = vector.multi_reduction <minsi>, %select_n3A_425, %reduce_min3A_426 [1] : vector<1024x128xi32> to vector<1024xi32>
    %broadcast_in_dim3A_428 = vector.shape_cast %reduce_min3A_427 : vector<1024xi32> to vector<1024x1xi32>
    %eq3A_429 = vector.broadcast %broadcast_in_dim3A_428 : vector<1024x1xi32> to vector<1024x128xi32>
    %eq3A_430 = arith.cmpi eq, %iota3A, %eq3A_429 : vector<1024x128xi32>
    %jit3A_431 = arith.constant 1073741824 : i32
    %broadcast_in_dim3A_432 = vector.broadcast %jit3A_431 : i32 to vector<1024x128xi32>
    %select_n3A_433 = arith.select %eq3A_430, %get3A_4, %broadcast_in_dim3A_432 : vector<1024x128xi1>, vector<1024x128xi32>
    %reduce_min3A_434 = arith.constant dense<2147483647> : vector<1024xi32>
    %reduce_min3A_435 = vector.multi_reduction <minsi>, %select_n3A_433, %reduce_min3A_434 [1] : vector<1024x128xi32> to vector<1024xi32>
    %broadcast_in_dim3A_436 = vector.shape_cast %reduce_min3A_435 : vector<1024xi32> to vector<1024x1xi32>
    %jit3A_437 = arith.constant 0x7F800000 : f32
    %broadcast_in_dim3A_438 = vector.broadcast %jit3A_437 : f32 to vector<1024x128xf32>
    %select_n3A_439 = arith.select %eq3A_430, %broadcast_in_dim3A_438, %select_n3A_417 : vector<1024x128xi1>, vector<1024x128xf32>
    %reduce_min3A_440 = arith.constant dense<0x7F800000> : vector<1024xf32>
    %reduce_min3A_441 = vector.multi_reduction <minimumf>, %select_n3A_439, %reduce_min3A_440 [1] : vector<1024x128xf32> to vector<1024xf32>
    %broadcast_in_dim3A_442 = vector.shape_cast %reduce_min3A_441 : vector<1024xf32> to vector<1024x1xf32>
    %eq3A_443 = vector.broadcast %broadcast_in_dim3A_442 : vector<1024x1xf32> to vector<1024x128xf32>
    %eq3A_444 = arith.cmpf oeq, %select_n3A_439, %eq3A_443 : vector<1024x128xf32>
    %jit3A_445 = arith.constant 1073741824 : i32
    %broadcast_in_dim3A_446 = vector.broadcast %jit3A_445 : i32 to vector<1024x128xi32>
    %select_n3A_447 = arith.select %eq3A_444, %iota3A, %broadcast_in_dim3A_446 : vector<1024x128xi1>, vector<1024x128xi32>
    %reduce_min3A_448 = arith.constant dense<2147483647> : vector<1024xi32>
    %reduce_min3A_449 = vector.multi_reduction <minsi>, %select_n3A_447, %reduce_min3A_448 [1] : vector<1024x128xi32> to vector<1024xi32>
    %broadcast_in_dim3A_450 = vector.shape_cast %reduce_min3A_449 : vector<1024xi32> to vector<1024x1xi32>
    %eq3A_451 = vector.broadcast %broadcast_in_dim3A_450 : vector<1024x1xi32> to vector<1024x128xi32>
    %eq3A_452 = arith.cmpi eq, %iota3A, %eq3A_451 : vector<1024x128xi32>
    %jit3A_453 = arith.constant 1073741824 : i32
    %broadcast_in_dim3A_454 = vector.broadcast %jit3A_453 : i32 to vector<1024x128xi32>
    %select_n3A_455 = arith.select %eq3A_452, %get3A_4, %broadcast_in_dim3A_454 : vector<1024x128xi1>, vector<1024x128xi32>
    %reduce_min3A_456 = arith.constant dense<2147483647> : vector<1024xi32>
    %reduce_min3A_457 = vector.multi_reduction <minsi>, %select_n3A_455, %reduce_min3A_456 [1] : vector<1024x128xi32> to vector<1024xi32>
    %broadcast_in_dim3A_458 = vector.shape_cast %reduce_min3A_457 : vector<1024xi32> to vector<1024x1xi32>
    %jit3A_459 = arith.constant 0x7F800000 : f32
    %broadcast_in_dim3A_460 = vector.broadcast %jit3A_459 : f32 to vector<1024x128xf32>
    %select_n3A_461 = arith.select %eq3A_452, %broadcast_in_dim3A_460, %select_n3A_439 : vector<1024x128xi1>, vector<1024x128xf32>
    %reduce_min3A_462 = arith.constant dense<0x7F800000> : vector<1024xf32>
    %reduce_min3A_463 = vector.multi_reduction <minimumf>, %select_n3A_461, %reduce_min3A_462 [1] : vector<1024x128xf32> to vector<1024xf32>
    %broadcast_in_dim3A_464 = vector.shape_cast %reduce_min3A_463 : vector<1024xf32> to vector<1024x1xf32>
    %eq3A_465 = vector.broadcast %broadcast_in_dim3A_464 : vector<1024x1xf32> to vector<1024x128xf32>
    %eq3A_466 = arith.cmpf oeq, %select_n3A_461, %eq3A_465 : vector<1024x128xf32>
    %jit3A_467 = arith.constant 1073741824 : i32
    %broadcast_in_dim3A_468 = vector.broadcast %jit3A_467 : i32 to vector<1024x128xi32>
    %select_n3A_469 = arith.select %eq3A_466, %iota3A, %broadcast_in_dim3A_468 : vector<1024x128xi1>, vector<1024x128xi32>
    %reduce_min3A_470 = arith.constant dense<2147483647> : vector<1024xi32>
    %reduce_min3A_471 = vector.multi_reduction <minsi>, %select_n3A_469, %reduce_min3A_470 [1] : vector<1024x128xi32> to vector<1024xi32>
    %broadcast_in_dim3A_472 = vector.shape_cast %reduce_min3A_471 : vector<1024xi32> to vector<1024x1xi32>
    %eq3A_473 = vector.broadcast %broadcast_in_dim3A_472 : vector<1024x1xi32> to vector<1024x128xi32>
    %eq3A_474 = arith.cmpi eq, %iota3A, %eq3A_473 : vector<1024x128xi32>
    %jit3A_475 = arith.constant 1073741824 : i32
    %broadcast_in_dim3A_476 = vector.broadcast %jit3A_475 : i32 to vector<1024x128xi32>
    %select_n3A_477 = arith.select %eq3A_474, %get3A_4, %broadcast_in_dim3A_476 : vector<1024x128xi1>, vector<1024x128xi32>
    %reduce_min3A_478 = arith.constant dense<2147483647> : vector<1024xi32>
    %reduce_min3A_479 = vector.multi_reduction <minsi>, %select_n3A_477, %reduce_min3A_478 [1] : vector<1024x128xi32> to vector<1024xi32>
    %broadcast_in_dim3A_480 = vector.shape_cast %reduce_min3A_479 : vector<1024xi32> to vector<1024x1xi32>
    %jit3A_481 = arith.constant 0x7F800000 : f32
    %broadcast_in_dim3A_482 = vector.broadcast %jit3A_481 : f32 to vector<1024x128xf32>
    %select_n3A_483 = arith.select %eq3A_474, %broadcast_in_dim3A_482, %select_n3A_461 : vector<1024x128xi1>, vector<1024x128xf32>
    %reduce_min3A_484 = arith.constant dense<0x7F800000> : vector<1024xf32>
    %reduce_min3A_485 = vector.multi_reduction <minimumf>, %select_n3A_483, %reduce_min3A_484 [1] : vector<1024x128xf32> to vector<1024xf32>
    %broadcast_in_dim3A_486 = vector.shape_cast %reduce_min3A_485 : vector<1024xf32> to vector<1024x1xf32>
    %eq3A_487 = vector.broadcast %broadcast_in_dim3A_486 : vector<1024x1xf32> to vector<1024x128xf32>
    %eq3A_488 = arith.cmpf oeq, %select_n3A_483, %eq3A_487 : vector<1024x128xf32>
    %jit3A_489 = arith.constant 1073741824 : i32
    %broadcast_in_dim3A_490 = vector.broadcast %jit3A_489 : i32 to vector<1024x128xi32>
    %select_n3A_491 = arith.select %eq3A_488, %iota3A, %broadcast_in_dim3A_490 : vector<1024x128xi1>, vector<1024x128xi32>
    %reduce_min3A_492 = arith.constant dense<2147483647> : vector<1024xi32>
    %reduce_min3A_493 = vector.multi_reduction <minsi>, %select_n3A_491, %reduce_min3A_492 [1] : vector<1024x128xi32> to vector<1024xi32>
    %broadcast_in_dim3A_494 = vector.shape_cast %reduce_min3A_493 : vector<1024xi32> to vector<1024x1xi32>
    %eq3A_495 = vector.broadcast %broadcast_in_dim3A_494 : vector<1024x1xi32> to vector<1024x128xi32>
    %eq3A_496 = arith.cmpi eq, %iota3A, %eq3A_495 : vector<1024x128xi32>
    %jit3A_497 = arith.constant 1073741824 : i32
    %broadcast_in_dim3A_498 = vector.broadcast %jit3A_497 : i32 to vector<1024x128xi32>
    %select_n3A_499 = arith.select %eq3A_496, %get3A_4, %broadcast_in_dim3A_498 : vector<1024x128xi1>, vector<1024x128xi32>
    %reduce_min3A_500 = arith.constant dense<2147483647> : vector<1024xi32>
    %reduce_min3A_501 = vector.multi_reduction <minsi>, %select_n3A_499, %reduce_min3A_500 [1] : vector<1024x128xi32> to vector<1024xi32>
    %broadcast_in_dim3A_502 = vector.shape_cast %reduce_min3A_501 : vector<1024xi32> to vector<1024x1xi32>
    %jit3A_503 = arith.constant 0x7F800000 : f32
    %broadcast_in_dim3A_504 = vector.broadcast %jit3A_503 : f32 to vector<1024x128xf32>
    %select_n3A_505 = arith.select %eq3A_496, %broadcast_in_dim3A_504, %select_n3A_483 : vector<1024x128xi1>, vector<1024x128xf32>
    %reduce_min3A_506 = arith.constant dense<0x7F800000> : vector<1024xf32>
    %reduce_min3A_507 = vector.multi_reduction <minimumf>, %select_n3A_505, %reduce_min3A_506 [1] : vector<1024x128xf32> to vector<1024xf32>
    %broadcast_in_dim3A_508 = vector.shape_cast %reduce_min3A_507 : vector<1024xf32> to vector<1024x1xf32>
    %eq3A_509 = vector.broadcast %broadcast_in_dim3A_508 : vector<1024x1xf32> to vector<1024x128xf32>
    %eq3A_510 = arith.cmpf oeq, %select_n3A_505, %eq3A_509 : vector<1024x128xf32>
    %jit3A_511 = arith.constant 1073741824 : i32
    %broadcast_in_dim3A_512 = vector.broadcast %jit3A_511 : i32 to vector<1024x128xi32>
    %select_n3A_513 = arith.select %eq3A_510, %iota3A, %broadcast_in_dim3A_512 : vector<1024x128xi1>, vector<1024x128xi32>
    %reduce_min3A_514 = arith.constant dense<2147483647> : vector<1024xi32>
    %reduce_min3A_515 = vector.multi_reduction <minsi>, %select_n3A_513, %reduce_min3A_514 [1] : vector<1024x128xi32> to vector<1024xi32>
    %broadcast_in_dim3A_516 = vector.shape_cast %reduce_min3A_515 : vector<1024xi32> to vector<1024x1xi32>
    %eq3A_517 = vector.broadcast %broadcast_in_dim3A_516 : vector<1024x1xi32> to vector<1024x128xi32>
    %eq3A_518 = arith.cmpi eq, %iota3A, %eq3A_517 : vector<1024x128xi32>
    %jit3A_519 = arith.constant 1073741824 : i32
    %broadcast_in_dim3A_520 = vector.broadcast %jit3A_519 : i32 to vector<1024x128xi32>
    %select_n3A_521 = arith.select %eq3A_518, %get3A_4, %broadcast_in_dim3A_520 : vector<1024x128xi1>, vector<1024x128xi32>
    %reduce_min3A_522 = arith.constant dense<2147483647> : vector<1024xi32>
    %reduce_min3A_523 = vector.multi_reduction <minsi>, %select_n3A_521, %reduce_min3A_522 [1] : vector<1024x128xi32> to vector<1024xi32>
    %broadcast_in_dim3A_524 = vector.shape_cast %reduce_min3A_523 : vector<1024xi32> to vector<1024x1xi32>
    %jit3A_525 = arith.constant 0x7F800000 : f32
    %broadcast_in_dim3A_526 = vector.broadcast %jit3A_525 : f32 to vector<1024x128xf32>
    %select_n3A_527 = arith.select %eq3A_518, %broadcast_in_dim3A_526, %select_n3A_505 : vector<1024x128xi1>, vector<1024x128xf32>
    %reduce_min3A_528 = arith.constant dense<0x7F800000> : vector<1024xf32>
    %reduce_min3A_529 = vector.multi_reduction <minimumf>, %select_n3A_527, %reduce_min3A_528 [1] : vector<1024x128xf32> to vector<1024xf32>
    %broadcast_in_dim3A_530 = vector.shape_cast %reduce_min3A_529 : vector<1024xf32> to vector<1024x1xf32>
    %eq3A_531 = vector.broadcast %broadcast_in_dim3A_530 : vector<1024x1xf32> to vector<1024x128xf32>
    %eq3A_532 = arith.cmpf oeq, %select_n3A_527, %eq3A_531 : vector<1024x128xf32>
    %jit3A_533 = arith.constant 1073741824 : i32
    %broadcast_in_dim3A_534 = vector.broadcast %jit3A_533 : i32 to vector<1024x128xi32>
    %select_n3A_535 = arith.select %eq3A_532, %iota3A, %broadcast_in_dim3A_534 : vector<1024x128xi1>, vector<1024x128xi32>
    %reduce_min3A_536 = arith.constant dense<2147483647> : vector<1024xi32>
    %reduce_min3A_537 = vector.multi_reduction <minsi>, %select_n3A_535, %reduce_min3A_536 [1] : vector<1024x128xi32> to vector<1024xi32>
    %broadcast_in_dim3A_538 = vector.shape_cast %reduce_min3A_537 : vector<1024xi32> to vector<1024x1xi32>
    %eq3A_539 = vector.broadcast %broadcast_in_dim3A_538 : vector<1024x1xi32> to vector<1024x128xi32>
    %eq3A_540 = arith.cmpi eq, %iota3A, %eq3A_539 : vector<1024x128xi32>
    %jit3A_541 = arith.constant 1073741824 : i32
    %broadcast_in_dim3A_542 = vector.broadcast %jit3A_541 : i32 to vector<1024x128xi32>
    %select_n3A_543 = arith.select %eq3A_540, %get3A_4, %broadcast_in_dim3A_542 : vector<1024x128xi1>, vector<1024x128xi32>
    %reduce_min3A_544 = arith.constant dense<2147483647> : vector<1024xi32>
    %reduce_min3A_545 = vector.multi_reduction <minsi>, %select_n3A_543, %reduce_min3A_544 [1] : vector<1024x128xi32> to vector<1024xi32>
    %broadcast_in_dim3A_546 = vector.shape_cast %reduce_min3A_545 : vector<1024xi32> to vector<1024x1xi32>
    %jit3A_547 = arith.constant 0x7F800000 : f32
    %broadcast_in_dim3A_548 = vector.broadcast %jit3A_547 : f32 to vector<1024x128xf32>
    %select_n3A_549 = arith.select %eq3A_540, %broadcast_in_dim3A_548, %select_n3A_527 : vector<1024x128xi1>, vector<1024x128xf32>
    %reduce_min3A_550 = arith.constant dense<0x7F800000> : vector<1024xf32>
    %reduce_min3A_551 = vector.multi_reduction <minimumf>, %select_n3A_549, %reduce_min3A_550 [1] : vector<1024x128xf32> to vector<1024xf32>
    %broadcast_in_dim3A_552 = vector.shape_cast %reduce_min3A_551 : vector<1024xf32> to vector<1024x1xf32>
    %eq3A_553 = vector.broadcast %broadcast_in_dim3A_552 : vector<1024x1xf32> to vector<1024x128xf32>
    %eq3A_554 = arith.cmpf oeq, %select_n3A_549, %eq3A_553 : vector<1024x128xf32>
    %jit3A_555 = arith.constant 1073741824 : i32
    %broadcast_in_dim3A_556 = vector.broadcast %jit3A_555 : i32 to vector<1024x128xi32>
    %select_n3A_557 = arith.select %eq3A_554, %iota3A, %broadcast_in_dim3A_556 : vector<1024x128xi1>, vector<1024x128xi32>
    %reduce_min3A_558 = arith.constant dense<2147483647> : vector<1024xi32>
    %reduce_min3A_559 = vector.multi_reduction <minsi>, %select_n3A_557, %reduce_min3A_558 [1] : vector<1024x128xi32> to vector<1024xi32>
    %broadcast_in_dim3A_560 = vector.shape_cast %reduce_min3A_559 : vector<1024xi32> to vector<1024x1xi32>
    %eq3A_561 = vector.broadcast %broadcast_in_dim3A_560 : vector<1024x1xi32> to vector<1024x128xi32>
    %eq3A_562 = arith.cmpi eq, %iota3A, %eq3A_561 : vector<1024x128xi32>
    %jit3A_563 = arith.constant 1073741824 : i32
    %broadcast_in_dim3A_564 = vector.broadcast %jit3A_563 : i32 to vector<1024x128xi32>
    %select_n3A_565 = arith.select %eq3A_562, %get3A_4, %broadcast_in_dim3A_564 : vector<1024x128xi1>, vector<1024x128xi32>
    %reduce_min3A_566 = arith.constant dense<2147483647> : vector<1024xi32>
    %reduce_min3A_567 = vector.multi_reduction <minsi>, %select_n3A_565, %reduce_min3A_566 [1] : vector<1024x128xi32> to vector<1024xi32>
    %broadcast_in_dim3A_568 = vector.shape_cast %reduce_min3A_567 : vector<1024xi32> to vector<1024x1xi32>
    %jit3A_569 = arith.constant 0x7F800000 : f32
    %broadcast_in_dim3A_570 = vector.broadcast %jit3A_569 : f32 to vector<1024x128xf32>
    %select_n3A_571 = arith.select %eq3A_562, %broadcast_in_dim3A_570, %select_n3A_549 : vector<1024x128xi1>, vector<1024x128xf32>
    %reduce_min3A_572 = arith.constant dense<0x7F800000> : vector<1024xf32>
    %reduce_min3A_573 = vector.multi_reduction <minimumf>, %select_n3A_571, %reduce_min3A_572 [1] : vector<1024x128xf32> to vector<1024xf32>
    %broadcast_in_dim3A_574 = vector.shape_cast %reduce_min3A_573 : vector<1024xf32> to vector<1024x1xf32>
    %eq3A_575 = vector.broadcast %broadcast_in_dim3A_574 : vector<1024x1xf32> to vector<1024x128xf32>
    %eq3A_576 = arith.cmpf oeq, %select_n3A_571, %eq3A_575 : vector<1024x128xf32>
    %jit3A_577 = arith.constant 1073741824 : i32
    %broadcast_in_dim3A_578 = vector.broadcast %jit3A_577 : i32 to vector<1024x128xi32>
    %select_n3A_579 = arith.select %eq3A_576, %iota3A, %broadcast_in_dim3A_578 : vector<1024x128xi1>, vector<1024x128xi32>
    %reduce_min3A_580 = arith.constant dense<2147483647> : vector<1024xi32>
    %reduce_min3A_581 = vector.multi_reduction <minsi>, %select_n3A_579, %reduce_min3A_580 [1] : vector<1024x128xi32> to vector<1024xi32>
    %broadcast_in_dim3A_582 = vector.shape_cast %reduce_min3A_581 : vector<1024xi32> to vector<1024x1xi32>
    %eq3A_583 = vector.broadcast %broadcast_in_dim3A_582 : vector<1024x1xi32> to vector<1024x128xi32>
    %eq3A_584 = arith.cmpi eq, %iota3A, %eq3A_583 : vector<1024x128xi32>
    %jit3A_585 = arith.constant 1073741824 : i32
    %broadcast_in_dim3A_586 = vector.broadcast %jit3A_585 : i32 to vector<1024x128xi32>
    %select_n3A_587 = arith.select %eq3A_584, %get3A_4, %broadcast_in_dim3A_586 : vector<1024x128xi1>, vector<1024x128xi32>
    %reduce_min3A_588 = arith.constant dense<2147483647> : vector<1024xi32>
    %reduce_min3A_589 = vector.multi_reduction <minsi>, %select_n3A_587, %reduce_min3A_588 [1] : vector<1024x128xi32> to vector<1024xi32>
    %broadcast_in_dim3A_590 = vector.shape_cast %reduce_min3A_589 : vector<1024xi32> to vector<1024x1xi32>
    %jit3A_591 = arith.constant 0x7F800000 : f32
    %broadcast_in_dim3A_592 = vector.broadcast %jit3A_591 : f32 to vector<1024x128xf32>
    %select_n3A_593 = arith.select %eq3A_584, %broadcast_in_dim3A_592, %select_n3A_571 : vector<1024x128xi1>, vector<1024x128xf32>
    %reduce_min3A_594 = arith.constant dense<0x7F800000> : vector<1024xf32>
    %reduce_min3A_595 = vector.multi_reduction <minimumf>, %select_n3A_593, %reduce_min3A_594 [1] : vector<1024x128xf32> to vector<1024xf32>
    %broadcast_in_dim3A_596 = vector.shape_cast %reduce_min3A_595 : vector<1024xf32> to vector<1024x1xf32>
    %eq3A_597 = vector.broadcast %broadcast_in_dim3A_596 : vector<1024x1xf32> to vector<1024x128xf32>
    %eq3A_598 = arith.cmpf oeq, %select_n3A_593, %eq3A_597 : vector<1024x128xf32>
    %jit3A_599 = arith.constant 1073741824 : i32
    %broadcast_in_dim3A_600 = vector.broadcast %jit3A_599 : i32 to vector<1024x128xi32>
    %select_n3A_601 = arith.select %eq3A_598, %iota3A, %broadcast_in_dim3A_600 : vector<1024x128xi1>, vector<1024x128xi32>
    %reduce_min3A_602 = arith.constant dense<2147483647> : vector<1024xi32>
    %reduce_min3A_603 = vector.multi_reduction <minsi>, %select_n3A_601, %reduce_min3A_602 [1] : vector<1024x128xi32> to vector<1024xi32>
    %broadcast_in_dim3A_604 = vector.shape_cast %reduce_min3A_603 : vector<1024xi32> to vector<1024x1xi32>
    %eq3A_605 = vector.broadcast %broadcast_in_dim3A_604 : vector<1024x1xi32> to vector<1024x128xi32>
    %eq3A_606 = arith.cmpi eq, %iota3A, %eq3A_605 : vector<1024x128xi32>
    %jit3A_607 = arith.constant 1073741824 : i32
    %broadcast_in_dim3A_608 = vector.broadcast %jit3A_607 : i32 to vector<1024x128xi32>
    %select_n3A_609 = arith.select %eq3A_606, %get3A_4, %broadcast_in_dim3A_608 : vector<1024x128xi1>, vector<1024x128xi32>
    %reduce_min3A_610 = arith.constant dense<2147483647> : vector<1024xi32>
    %reduce_min3A_611 = vector.multi_reduction <minsi>, %select_n3A_609, %reduce_min3A_610 [1] : vector<1024x128xi32> to vector<1024xi32>
    %broadcast_in_dim3A_612 = vector.shape_cast %reduce_min3A_611 : vector<1024xi32> to vector<1024x1xi32>
    %jit3A_613 = arith.constant 0x7F800000 : f32
    %broadcast_in_dim3A_614 = vector.broadcast %jit3A_613 : f32 to vector<1024x128xf32>
    %select_n3A_615 = arith.select %eq3A_606, %broadcast_in_dim3A_614, %select_n3A_593 : vector<1024x128xi1>, vector<1024x128xf32>
    %reduce_min3A_616 = arith.constant dense<0x7F800000> : vector<1024xf32>
    %reduce_min3A_617 = vector.multi_reduction <minimumf>, %select_n3A_615, %reduce_min3A_616 [1] : vector<1024x128xf32> to vector<1024xf32>
    %broadcast_in_dim3A_618 = vector.shape_cast %reduce_min3A_617 : vector<1024xf32> to vector<1024x1xf32>
    %eq3A_619 = vector.broadcast %broadcast_in_dim3A_618 : vector<1024x1xf32> to vector<1024x128xf32>
    %eq3A_620 = arith.cmpf oeq, %select_n3A_615, %eq3A_619 : vector<1024x128xf32>
    %jit3A_621 = arith.constant 1073741824 : i32
    %broadcast_in_dim3A_622 = vector.broadcast %jit3A_621 : i32 to vector<1024x128xi32>
    %select_n3A_623 = arith.select %eq3A_620, %iota3A, %broadcast_in_dim3A_622 : vector<1024x128xi1>, vector<1024x128xi32>
    %reduce_min3A_624 = arith.constant dense<2147483647> : vector<1024xi32>
    %reduce_min3A_625 = vector.multi_reduction <minsi>, %select_n3A_623, %reduce_min3A_624 [1] : vector<1024x128xi32> to vector<1024xi32>
    %broadcast_in_dim3A_626 = vector.shape_cast %reduce_min3A_625 : vector<1024xi32> to vector<1024x1xi32>
    %eq3A_627 = vector.broadcast %broadcast_in_dim3A_626 : vector<1024x1xi32> to vector<1024x128xi32>
    %eq3A_628 = arith.cmpi eq, %iota3A, %eq3A_627 : vector<1024x128xi32>
    %jit3A_629 = arith.constant 1073741824 : i32
    %broadcast_in_dim3A_630 = vector.broadcast %jit3A_629 : i32 to vector<1024x128xi32>
    %select_n3A_631 = arith.select %eq3A_628, %get3A_4, %broadcast_in_dim3A_630 : vector<1024x128xi1>, vector<1024x128xi32>
    %reduce_min3A_632 = arith.constant dense<2147483647> : vector<1024xi32>
    %reduce_min3A_633 = vector.multi_reduction <minsi>, %select_n3A_631, %reduce_min3A_632 [1] : vector<1024x128xi32> to vector<1024xi32>
    %broadcast_in_dim3A_634 = vector.shape_cast %reduce_min3A_633 : vector<1024xi32> to vector<1024x1xi32>
    %jit3A_635 = arith.constant 0x7F800000 : f32
    %broadcast_in_dim3A_636 = vector.broadcast %jit3A_635 : f32 to vector<1024x128xf32>
    %select_n3A_637 = arith.select %eq3A_628, %broadcast_in_dim3A_636, %select_n3A_615 : vector<1024x128xi1>, vector<1024x128xf32>
    %reduce_min3A_638 = arith.constant dense<0x7F800000> : vector<1024xf32>
    %reduce_min3A_639 = vector.multi_reduction <minimumf>, %select_n3A_637, %reduce_min3A_638 [1] : vector<1024x128xf32> to vector<1024xf32>
    %broadcast_in_dim3A_640 = vector.shape_cast %reduce_min3A_639 : vector<1024xf32> to vector<1024x1xf32>
    %eq3A_641 = vector.broadcast %broadcast_in_dim3A_640 : vector<1024x1xf32> to vector<1024x128xf32>
    %eq3A_642 = arith.cmpf oeq, %select_n3A_637, %eq3A_641 : vector<1024x128xf32>
    %jit3A_643 = arith.constant 1073741824 : i32
    %broadcast_in_dim3A_644 = vector.broadcast %jit3A_643 : i32 to vector<1024x128xi32>
    %select_n3A_645 = arith.select %eq3A_642, %iota3A, %broadcast_in_dim3A_644 : vector<1024x128xi1>, vector<1024x128xi32>
    %reduce_min3A_646 = arith.constant dense<2147483647> : vector<1024xi32>
    %reduce_min3A_647 = vector.multi_reduction <minsi>, %select_n3A_645, %reduce_min3A_646 [1] : vector<1024x128xi32> to vector<1024xi32>
    %broadcast_in_dim3A_648 = vector.shape_cast %reduce_min3A_647 : vector<1024xi32> to vector<1024x1xi32>
    %eq3A_649 = vector.broadcast %broadcast_in_dim3A_648 : vector<1024x1xi32> to vector<1024x128xi32>
    %eq3A_650 = arith.cmpi eq, %iota3A, %eq3A_649 : vector<1024x128xi32>
    %jit3A_651 = arith.constant 1073741824 : i32
    %broadcast_in_dim3A_652 = vector.broadcast %jit3A_651 : i32 to vector<1024x128xi32>
    %select_n3A_653 = arith.select %eq3A_650, %get3A_4, %broadcast_in_dim3A_652 : vector<1024x128xi1>, vector<1024x128xi32>
    %reduce_min3A_654 = arith.constant dense<2147483647> : vector<1024xi32>
    %reduce_min3A_655 = vector.multi_reduction <minsi>, %select_n3A_653, %reduce_min3A_654 [1] : vector<1024x128xi32> to vector<1024xi32>
    %broadcast_in_dim3A_656 = vector.shape_cast %reduce_min3A_655 : vector<1024xi32> to vector<1024x1xi32>
    %jit3A_657 = arith.constant 0x7F800000 : f32
    %broadcast_in_dim3A_658 = vector.broadcast %jit3A_657 : f32 to vector<1024x128xf32>
    %select_n3A_659 = arith.select %eq3A_650, %broadcast_in_dim3A_658, %select_n3A_637 : vector<1024x128xi1>, vector<1024x128xf32>
    %reduce_min3A_660 = arith.constant dense<0x7F800000> : vector<1024xf32>
    %reduce_min3A_661 = vector.multi_reduction <minimumf>, %select_n3A_659, %reduce_min3A_660 [1] : vector<1024x128xf32> to vector<1024xf32>
    %broadcast_in_dim3A_662 = vector.shape_cast %reduce_min3A_661 : vector<1024xf32> to vector<1024x1xf32>
    %eq3A_663 = vector.broadcast %broadcast_in_dim3A_662 : vector<1024x1xf32> to vector<1024x128xf32>
    %eq3A_664 = arith.cmpf oeq, %select_n3A_659, %eq3A_663 : vector<1024x128xf32>
    %jit3A_665 = arith.constant 1073741824 : i32
    %broadcast_in_dim3A_666 = vector.broadcast %jit3A_665 : i32 to vector<1024x128xi32>
    %select_n3A_667 = arith.select %eq3A_664, %iota3A, %broadcast_in_dim3A_666 : vector<1024x128xi1>, vector<1024x128xi32>
    %reduce_min3A_668 = arith.constant dense<2147483647> : vector<1024xi32>
    %reduce_min3A_669 = vector.multi_reduction <minsi>, %select_n3A_667, %reduce_min3A_668 [1] : vector<1024x128xi32> to vector<1024xi32>
    %broadcast_in_dim3A_670 = vector.shape_cast %reduce_min3A_669 : vector<1024xi32> to vector<1024x1xi32>
    %eq3A_671 = vector.broadcast %broadcast_in_dim3A_670 : vector<1024x1xi32> to vector<1024x128xi32>
    %eq3A_672 = arith.cmpi eq, %iota3A, %eq3A_671 : vector<1024x128xi32>
    %jit3A_673 = arith.constant 1073741824 : i32
    %broadcast_in_dim3A_674 = vector.broadcast %jit3A_673 : i32 to vector<1024x128xi32>
    %select_n3A_675 = arith.select %eq3A_672, %get3A_4, %broadcast_in_dim3A_674 : vector<1024x128xi1>, vector<1024x128xi32>
    %reduce_min3A_676 = arith.constant dense<2147483647> : vector<1024xi32>
    %reduce_min3A_677 = vector.multi_reduction <minsi>, %select_n3A_675, %reduce_min3A_676 [1] : vector<1024x128xi32> to vector<1024xi32>
    %broadcast_in_dim3A_678 = vector.shape_cast %reduce_min3A_677 : vector<1024xi32> to vector<1024x1xi32>
    %jit3A_679 = arith.constant 0x7F800000 : f32
    %broadcast_in_dim3A_680 = vector.broadcast %jit3A_679 : f32 to vector<1024x128xf32>
    %select_n3A_681 = arith.select %eq3A_672, %broadcast_in_dim3A_680, %select_n3A_659 : vector<1024x128xi1>, vector<1024x128xf32>
    %reduce_min3A_682 = arith.constant dense<0x7F800000> : vector<1024xf32>
    %reduce_min3A_683 = vector.multi_reduction <minimumf>, %select_n3A_681, %reduce_min3A_682 [1] : vector<1024x128xf32> to vector<1024xf32>
    %broadcast_in_dim3A_684 = vector.shape_cast %reduce_min3A_683 : vector<1024xf32> to vector<1024x1xf32>
    %eq3A_685 = vector.broadcast %broadcast_in_dim3A_684 : vector<1024x1xf32> to vector<1024x128xf32>
    %eq3A_686 = arith.cmpf oeq, %select_n3A_681, %eq3A_685 : vector<1024x128xf32>
    %jit3A_687 = arith.constant 1073741824 : i32
    %broadcast_in_dim3A_688 = vector.broadcast %jit3A_687 : i32 to vector<1024x128xi32>
    %select_n3A_689 = arith.select %eq3A_686, %iota3A, %broadcast_in_dim3A_688 : vector<1024x128xi1>, vector<1024x128xi32>
    %reduce_min3A_690 = arith.constant dense<2147483647> : vector<1024xi32>
    %reduce_min3A_691 = vector.multi_reduction <minsi>, %select_n3A_689, %reduce_min3A_690 [1] : vector<1024x128xi32> to vector<1024xi32>
    %broadcast_in_dim3A_692 = vector.shape_cast %reduce_min3A_691 : vector<1024xi32> to vector<1024x1xi32>
    %eq3A_693 = vector.broadcast %broadcast_in_dim3A_692 : vector<1024x1xi32> to vector<1024x128xi32>
    %eq3A_694 = arith.cmpi eq, %iota3A, %eq3A_693 : vector<1024x128xi32>
    %jit3A_695 = arith.constant 1073741824 : i32
    %broadcast_in_dim3A_696 = vector.broadcast %jit3A_695 : i32 to vector<1024x128xi32>
    %select_n3A_697 = arith.select %eq3A_694, %get3A_4, %broadcast_in_dim3A_696 : vector<1024x128xi1>, vector<1024x128xi32>
    %reduce_min3A_698 = arith.constant dense<2147483647> : vector<1024xi32>
    %reduce_min3A_699 = vector.multi_reduction <minsi>, %select_n3A_697, %reduce_min3A_698 [1] : vector<1024x128xi32> to vector<1024xi32>
    %broadcast_in_dim3A_700 = vector.shape_cast %reduce_min3A_699 : vector<1024xi32> to vector<1024x1xi32>
    %concatenate3A = tpu.concatenate %broadcast_in_dim3A_18, %broadcast_in_dim3A_40, %broadcast_in_dim3A_62, %broadcast_in_dim3A_84, %broadcast_in_dim3A_106, %broadcast_in_dim3A_128, %broadcast_in_dim3A_150, %broadcast_in_dim3A_172, %broadcast_in_dim3A_194, %broadcast_in_dim3A_216, %broadcast_in_dim3A_238, %broadcast_in_dim3A_260, %broadcast_in_dim3A_282, %broadcast_in_dim3A_304, %broadcast_in_dim3A_326, %broadcast_in_dim3A_348, %broadcast_in_dim3A_370, %broadcast_in_dim3A_392, %broadcast_in_dim3A_414, %broadcast_in_dim3A_436, %broadcast_in_dim3A_458, %broadcast_in_dim3A_480, %broadcast_in_dim3A_502, %broadcast_in_dim3A_524, %broadcast_in_dim3A_546, %broadcast_in_dim3A_568, %broadcast_in_dim3A_590, %broadcast_in_dim3A_612, %broadcast_in_dim3A_634, %broadcast_in_dim3A_656, %broadcast_in_dim3A_678, %broadcast_in_dim3A_700 in 1 : vector<1024x1xi32>, vector<1024x1xi32>, vector<1024x1xi32>, vector<1024x1xi32>, vector<1024x1xi32>, vector<1024x1xi32>, vector<1024x1xi32>, vector<1024x1xi32>, vector<1024x1xi32>, vector<1024x1xi32>, vector<1024x1xi32>, vector<1024x1xi32>, vector<1024x1xi32>, vector<1024x1xi32>, vector<1024x1xi32>, vector<1024x1xi32>, vector<1024x1xi32>, vector<1024x1xi32>, vector<1024x1xi32>, vector<1024x1xi32>, vector<1024x1xi32>, vector<1024x1xi32>, vector<1024x1xi32>, vector<1024x1xi32>, vector<1024x1xi32>, vector<1024x1xi32>, vector<1024x1xi32>, vector<1024x1xi32>, vector<1024x1xi32>, vector<1024x1xi32>, vector<1024x1xi32>, vector<1024x1xi32> -> vector<1024x32xi32>
    %swap3A = arith.constant 0 : index
    %swap3A_701 = arith.constant 0 : index
    %swap3A_702 = vector.load %arg3[%swap3A, %swap3A_701] : memref<1024x32xi32, #tpu.memory_space<vmem>>, vector<1024x32xi32>
    tpu.vector_store %arg3[%swap3A, %swap3A_701], %concatenate3A {strides = array<i32>} : memref<1024x32xi32, #tpu.memory_space<vmem>>, vector<1024x32xi32>,
    return
  }
  func.func @transform_0(%arg0: i32) -> (i32, i32) {
    %c0_i32 = arith.constant 0 : i32
    %c0_i32_0 = arith.constant 0 : i32
    return %arg0, %c0_i32 : i32, i32
  }
  func.func @transform_1(%arg0: i32) -> (i32, i32) {
    %c0_i32 = arith.constant 0 : i32
    %c0_i32_0 = arith.constant 0 : i32
    return %arg0, %c0_i32 : i32, i32
  }
  func.func @transform_2(%arg0: i32) -> (i32, i32) {
    %c0_i32 = arith.constant 0 : i32
    %c0_i32_0 = arith.constant 0 : i32
    return %arg0, %c0_i32 : i32, i32
  }
}

module attributes {stable_mosaic.version = 14 : i64} {
  func.func @_mlp_kernel(%arg0: i32, %arg1: i32, %arg2: i32, %arg3: memref<1x40x1024xf32, #tpu.memory_space<vmem>>, %arg4: memref<32x40xf32, #tpu.memory_space<vmem>>, %arg5: memref<32x1xf32, #tpu.memory_space<vmem>>, %arg6: memref<32x1xf32, #tpu.memory_space<vmem>>, %arg7: memref<64x32xf32, #tpu.memory_space<vmem>>, %arg8: memref<64x1024xf32, #tpu.memory_space<vmem>>, %arg9: memref<64x128xf32, #tpu.memory_space<vmem>>, %arg10: memref<64x128xf32, #tpu.memory_space<vmem>>, %arg11: memref<32x128xf32, #tpu.memory_space<vmem>>, %arg12: memref<32x128xf32, #tpu.memory_space<vmem>>, %arg13: memref<64x128xf32, #tpu.memory_space<vmem>>, %arg14: memref<64x128xf32, #tpu.memory_space<vmem>>) attributes {dimension_semantics = [#tpu.dimension_semantics<arbitrary>, #tpu.dimension_semantics<arbitrary>, #tpu.dimension_semantics<arbitrary>], iteration_bounds = array<i64: 2, 8, 32>, scalar_prefetch = 0 : i64, scratch_operands = 4 : i64, tpu.core_type = #tpu.core_type<tc>, window_params = [{transform_indices = @transform_0, window_bounds = array<i64: 1, 40, 1024>}, {pipeline_mode = #tpu.pipeline_mode<synchronous>, transform_indices = @transform_1, window_bounds = array<i64: 32, 40>}, {pipeline_mode = #tpu.pipeline_mode<synchronous>, transform_indices = @transform_2, window_bounds = array<i64: 32, 1>}, {pipeline_mode = #tpu.pipeline_mode<synchronous>, transform_indices = @transform_3, window_bounds = array<i64: 32, 1>}, {pipeline_mode = #tpu.pipeline_mode<synchronous>, transform_indices = @transform_4, window_bounds = array<i64: 64, 32>}, {transform_indices = @transform_5, window_bounds = array<i64: 64, 1024>}, {pipeline_mode = #tpu.pipeline_mode<synchronous>, transform_indices = @transform_6, window_bounds = array<i64: 64, 128>}, {pipeline_mode = #tpu.pipeline_mode<synchronous>, transform_indices = @transform_7, window_bounds = array<i64: 64, 128>}]} {
    %get3A = arith.constant 0 : index
    %get3A_0 = arith.constant 0 : index
    %get3A_1 = arith.constant 0 : index
    %get3A_2 = vector.load %arg3[%get3A, %get3A_0, %get3A_1] : memref<1x40x1024xf32, #tpu.memory_space<vmem>>, vector<1x40x1024xf32>
    %get3A_3 = vector.shape_cast %get3A_2 : vector<1x40x1024xf32> to vector<40x1024xf32>
    %get3A_4 = arith.constant 0 : index
    %get3A_5 = arith.constant 0 : index
    %get3A_6 = vector.load %arg4[%get3A_4, %get3A_5] : memref<32x40xf32, #tpu.memory_space<vmem>>, vector<32x40xf32>
    %dot_general3A = arith.constant dense<0.000000e+00> : vector<32x1024xf32>
    %dot_general3A_7 = tpu.matmul %get3A_6, %get3A_3, %dot_general3A {dimension_numbers = #tpu.dot_dimension_numbers<[1], [0], [0], [1], [0, 0, 1, 1], [], []>, transpose_lhs_hint = false} : vector<32x40xf32>, vector<40x1024xf32>, vector<32x1024xf32> -> vector<32x1024xf32>
    %eq3A = arith.constant 0 : i32
    %eq3A_8 = arith.cmpi eq, %arg0, %eq3A : i32
    %eq3A_9 = arith.constant 0 : i32
    %eq3A_10 = arith.cmpi eq, %arg1, %eq3A_9 : i32
    %eq3A_11 = arith.constant 0 : i32
    %eq3A_12 = arith.cmpi eq, %arg2, %eq3A_11 : i32
    %and3A = arith.andi %eq3A_10, %eq3A_12 : i1
    %and3A_13 = arith.andi %eq3A_8, %and3A : i1
    %convert_element_type3A = arith.extui %and3A_13 : i1 to i32
    %cond3A = arith.constant 0 : i32
    %cond3A_14 = arith.cmpi ne, %convert_element_type3A, %cond3A : i32
    scf.if %cond3A_14 {
      %broadcast_in_dim3A = arith.constant 0.000000e+00 : f32
      %broadcast_in_dim3A_25 = vector.broadcast %broadcast_in_dim3A : f32 to vector<32x128xf32>
      %swap3A = arith.constant 0 : index
      %swap3A_26 = arith.constant 0 : index
      %swap3A_27 = vector.load %arg11[%swap3A, %swap3A_26] : memref<32x128xf32, #tpu.memory_space<vmem>>, vector<32x128xf32>
      tpu.vector_store %arg11[%swap3A, %swap3A_26], %broadcast_in_dim3A_25 {strides = array<i32>} : memref<32x128xf32, #tpu.memory_space<vmem>>, vector<32x128xf32>,
      %broadcast_in_dim3A_28 = arith.constant 0.000000e+00 : f32
      %broadcast_in_dim3A_29 = vector.broadcast %broadcast_in_dim3A_28 : f32 to vector<32x128xf32>
      %swap3A_30 = arith.constant 0 : index
      %swap3A_31 = arith.constant 0 : index
      %swap3A_32 = vector.load %arg12[%swap3A_30, %swap3A_31] : memref<32x128xf32, #tpu.memory_space<vmem>>, vector<32x128xf32>
      tpu.vector_store %arg12[%swap3A_30, %swap3A_31], %broadcast_in_dim3A_29 {strides = array<i32>} : memref<32x128xf32, #tpu.memory_space<vmem>>, vector<32x128xf32>,
    } else {
    }
    %eq3A_15 = arith.constant 0 : i32
    %eq3A_16 = arith.cmpi eq, %arg0, %eq3A_15 : i32
    %convert_element_type3A_17 = arith.extui %eq3A_16 : i1 to i32
    %cond3A_18 = arith.constant 0 : i32
    %cond3A_19 = arith.cmpi ne, %convert_element_type3A_17, %cond3A_18 : i32
    scf.if %cond3A_19 {
      %reshape3A = vector.shape_cast %dot_general3A_7 : vector<32x1024xf32> to vector<32x8x128xf32>
      %get3A_25 = arith.constant 0 : index
      %get3A_26 = arith.constant 0 : index
      %get3A_27 = vector.load %arg11[%get3A_25, %get3A_26] : memref<32x128xf32, #tpu.memory_space<vmem>>, vector<32x128xf32>
      %reduce_sum3A = arith.constant dense<0.000000e+00> : vector<32x128xf32>
      %reduce_sum3A_28 = vector.multi_reduction <add>, %reshape3A, %reduce_sum3A [1] : vector<32x8x128xf32> to vector<32x128xf32>
      %add3A = arith.addf %get3A_27, %reduce_sum3A_28 : vector<32x128xf32>
      %swap3A = arith.constant 0 : index
      %swap3A_29 = arith.constant 0 : index
      %swap3A_30 = vector.load %arg11[%swap3A, %swap3A_29] : memref<32x128xf32, #tpu.memory_space<vmem>>, vector<32x128xf32>
      tpu.vector_store %arg11[%swap3A, %swap3A_29], %add3A {strides = array<i32>} : memref<32x128xf32, #tpu.memory_space<vmem>>, vector<32x128xf32>,
      %get3A_31 = arith.constant 0 : index
      %get3A_32 = arith.constant 0 : index
      %get3A_33 = vector.load %arg12[%get3A_31, %get3A_32] : memref<32x128xf32, #tpu.memory_space<vmem>>, vector<32x128xf32>
      %mul3A = arith.mulf %reshape3A, %reshape3A : vector<32x8x128xf32>
      %reduce_sum3A_34 = arith.constant dense<0.000000e+00> : vector<32x128xf32>
      %reduce_sum3A_35 = vector.multi_reduction <add>, %mul3A, %reduce_sum3A_34 [1] : vector<32x8x128xf32> to vector<32x128xf32>
      %add3A_36 = arith.addf %get3A_33, %reduce_sum3A_35 : vector<32x128xf32>
      %swap3A_37 = arith.constant 0 : index
      %swap3A_38 = arith.constant 0 : index
      %swap3A_39 = vector.load %arg12[%swap3A_37, %swap3A_38] : memref<32x128xf32, #tpu.memory_space<vmem>>, vector<32x128xf32>
      tpu.vector_store %arg12[%swap3A_37, %swap3A_38], %add3A_36 {strides = array<i32>} : memref<32x128xf32, #tpu.memory_space<vmem>>, vector<32x128xf32>,
    } else {
    }
    %eq3A_20 = arith.constant 1 : i32
    %eq3A_21 = arith.cmpi eq, %arg0, %eq3A_20 : i32
    %convert_element_type3A_22 = arith.extui %eq3A_21 : i1 to i32
    %cond3A_23 = arith.constant 0 : i32
    %cond3A_24 = arith.cmpi ne, %convert_element_type3A_22, %cond3A_23 : i32
    scf.if %cond3A_24 {
      %eq3A_25 = arith.constant 0 : i32
      %eq3A_26 = arith.cmpi eq, %arg1, %eq3A_25 : i32
      %eq3A_27 = arith.constant 0 : i32
      %eq3A_28 = arith.cmpi eq, %arg2, %eq3A_27 : i32
      %and3A_29 = arith.andi %eq3A_26, %eq3A_28 : i1
      %convert_element_type3A_30 = arith.extui %and3A_29 : i1 to i32
      %cond3A_31 = arith.constant 0 : i32
      %cond3A_32 = arith.cmpi ne, %convert_element_type3A_30, %cond3A_31 : i32
      scf.if %cond3A_32 {
        %broadcast_in_dim3A_110 = arith.constant 0.000000e+00 : f32
        %broadcast_in_dim3A_111 = vector.broadcast %broadcast_in_dim3A_110 : f32 to vector<64x128xf32>
        %swap3A_112 = arith.constant 0 : index
        %swap3A_113 = arith.constant 0 : index
        %swap3A_114 = vector.load %arg13[%swap3A_112, %swap3A_113] : memref<64x128xf32, #tpu.memory_space<vmem>>, vector<64x128xf32>
        tpu.vector_store %arg13[%swap3A_112, %swap3A_113], %broadcast_in_dim3A_111 {strides = array<i32>} : memref<64x128xf32, #tpu.memory_space<vmem>>, vector<64x128xf32>,
        %broadcast_in_dim3A_115 = arith.constant 0.000000e+00 : f32
        %broadcast_in_dim3A_116 = vector.broadcast %broadcast_in_dim3A_115 : f32 to vector<64x128xf32>
        %swap3A_117 = arith.constant 0 : index
        %swap3A_118 = arith.constant 0 : index
        %swap3A_119 = vector.load %arg14[%swap3A_117, %swap3A_118] : memref<64x128xf32, #tpu.memory_space<vmem>>, vector<64x128xf32>
        tpu.vector_store %arg14[%swap3A_117, %swap3A_118], %broadcast_in_dim3A_116 {strides = array<i32>} : memref<64x128xf32, #tpu.memory_space<vmem>>, vector<64x128xf32>,
      } else {
      }
      %get3A_33 = arith.constant 0 : index
      %get3A_34 = arith.constant 0 : index
      %get3A_35 = vector.load %arg11[%get3A_33, %get3A_34] : memref<32x128xf32, #tpu.memory_space<vmem>>, vector<32x128xf32>
      %reduce_sum3A = arith.constant dense<0.000000e+00> : vector<32xf32>
      %reduce_sum3A_36 = vector.multi_reduction <add>, %get3A_35, %reduce_sum3A [1] : vector<32x128xf32> to vector<32xf32>
      %broadcast_in_dim3A = vector.shape_cast %reduce_sum3A_36 : vector<32xf32> to vector<32x1xf32>
      %get3A_37 = arith.constant 0 : index
      %get3A_38 = arith.constant 0 : index
      %get3A_39 = vector.load %arg12[%get3A_37, %get3A_38] : memref<32x128xf32, #tpu.memory_space<vmem>>, vector<32x128xf32>
      %reduce_sum3A_40 = arith.constant dense<0.000000e+00> : vector<32xf32>
      %reduce_sum3A_41 = vector.multi_reduction <add>, %get3A_39, %reduce_sum3A_40 [1] : vector<32x128xf32> to vector<32xf32>
      %broadcast_in_dim3A_42 = vector.shape_cast %reduce_sum3A_41 : vector<32xf32> to vector<32x1xf32>
      %mul3A = arith.constant 3.81469727E-6 : f32
      %mul3A_43 = vector.broadcast %mul3A : f32 to vector<32x1xf32>
      %mul3A_44 = arith.mulf %broadcast_in_dim3A, %mul3A_43 : vector<32x1xf32>
      %mul3A_45 = arith.constant 3.81469727E-6 : f32
      %mul3A_46 = vector.broadcast %mul3A_45 : f32 to vector<32x1xf32>
      %mul3A_47 = arith.mulf %broadcast_in_dim3A_42, %mul3A_46 : vector<32x1xf32>
      %mul3A_48 = arith.mulf %mul3A_44, %mul3A_44 : vector<32x1xf32>
      %sub3A = arith.subf %mul3A_47, %mul3A_48 : vector<32x1xf32>
      %add3A = arith.constant 9.99999974E-6 : f32
      %add3A_49 = vector.broadcast %add3A : f32 to vector<32x1xf32>
      %add3A_50 = arith.addf %sub3A, %add3A_49 : vector<32x1xf32>
      %rsqrt3A = math.rsqrt %add3A_50 : vector<32x1xf32>
      %get3A_51 = arith.constant 0 : index
      %get3A_52 = arith.constant 0 : index
      %get3A_53 = vector.load %arg5[%get3A_51, %get3A_52] : memref<32x1xf32, #tpu.memory_space<vmem>>, vector<32x1xf32>
      %mul3A_54 = arith.mulf %rsqrt3A, %get3A_53 : vector<32x1xf32>
      %sub3A_55 = vector.broadcast %mul3A_44 : vector<32x1xf32> to vector<32x1024xf32>
      %sub3A_56 = arith.subf %dot_general3A_7, %sub3A_55 : vector<32x1024xf32>
      %mul3A_57 = vector.broadcast %mul3A_54 : vector<32x1xf32> to vector<32x1024xf32>
      %mul3A_58 = arith.mulf %sub3A_56, %mul3A_57 : vector<32x1024xf32>
      %get3A_59 = arith.constant 0 : index
      %get3A_60 = arith.constant 0 : index
      %get3A_61 = vector.load %arg6[%get3A_59, %get3A_60] : memref<32x1xf32, #tpu.memory_space<vmem>>, vector<32x1xf32>
      %add3A_62 = vector.broadcast %get3A_61 : vector<32x1xf32> to vector<32x1024xf32>
      %add3A_63 = arith.addf %mul3A_58, %add3A_62 : vector<32x1024xf32>
      %max3A = arith.constant 0.000000e+00 : f32
      %max3A_64 = vector.broadcast %max3A : f32 to vector<32x1024xf32>
      %max3A_65 = arith.maximumf %add3A_63, %max3A_64 : vector<32x1024xf32>
      %get3A_66 = arith.constant 0 : index
      %get3A_67 = arith.constant 0 : index
      %get3A_68 = vector.load %arg7[%get3A_66, %get3A_67] : memref<64x32xf32, #tpu.memory_space<vmem>>, vector<64x32xf32>
      %dot_general3A_69 = arith.constant dense<0.000000e+00> : vector<64x1024xf32>
      %dot_general3A_70 = tpu.matmul %get3A_68, %max3A_65, %dot_general3A_69 {dimension_numbers = #tpu.dot_dimension_numbers<[1], [0], [0], [1], [0, 0, 1, 1], [], []>, transpose_lhs_hint = false} : vector<64x32xf32>, vector<32x1024xf32>, vector<64x1024xf32> -> vector<64x1024xf32>
      %reshape3A = vector.shape_cast %dot_general3A_70 : vector<64x1024xf32> to vector<64x8x128xf32>
      %get3A_71 = arith.constant 0 : index
      %get3A_72 = arith.constant 0 : index
      %get3A_73 = vector.load %arg13[%get3A_71, %get3A_72] : memref<64x128xf32, #tpu.memory_space<vmem>>, vector<64x128xf32>
      %reduce_sum3A_74 = arith.constant dense<0.000000e+00> : vector<64x128xf32>
      %reduce_sum3A_75 = vector.multi_reduction <add>, %reshape3A, %reduce_sum3A_74 [1] : vector<64x8x128xf32> to vector<64x128xf32>
      %add3A_76 = arith.addf %get3A_73, %reduce_sum3A_75 : vector<64x128xf32>
      %swap3A = arith.constant 0 : index
      %swap3A_77 = arith.constant 0 : index
      %swap3A_78 = vector.load %arg13[%swap3A, %swap3A_77] : memref<64x128xf32, #tpu.memory_space<vmem>>, vector<64x128xf32>
      tpu.vector_store %arg13[%swap3A, %swap3A_77], %add3A_76 {strides = array<i32>} : memref<64x128xf32, #tpu.memory_space<vmem>>, vector<64x128xf32>,
      %get3A_79 = arith.constant 0 : index
      %get3A_80 = arith.constant 0 : index
      %get3A_81 = vector.load %arg14[%get3A_79, %get3A_80] : memref<64x128xf32, #tpu.memory_space<vmem>>, vector<64x128xf32>
      %mul3A_82 = arith.mulf %reshape3A, %reshape3A : vector<64x8x128xf32>
      %reduce_sum3A_83 = arith.constant dense<0.000000e+00> : vector<64x128xf32>
      %reduce_sum3A_84 = vector.multi_reduction <add>, %mul3A_82, %reduce_sum3A_83 [1] : vector<64x8x128xf32> to vector<64x128xf32>
      %add3A_85 = arith.addf %get3A_81, %reduce_sum3A_84 : vector<64x128xf32>
      %swap3A_86 = arith.constant 0 : index
      %swap3A_87 = arith.constant 0 : index
      %swap3A_88 = vector.load %arg14[%swap3A_86, %swap3A_87] : memref<64x128xf32, #tpu.memory_space<vmem>>, vector<64x128xf32>
      tpu.vector_store %arg14[%swap3A_86, %swap3A_87], %add3A_85 {strides = array<i32>} : memref<64x128xf32, #tpu.memory_space<vmem>>, vector<64x128xf32>,
      %eq3A_89 = arith.constant 0 : i32
      %eq3A_90 = arith.cmpi eq, %arg2, %eq3A_89 : i32
      %convert_element_type3A_91 = arith.extui %eq3A_90 : i1 to i32
      %cond3A_92 = arith.constant 0 : i32
      %cond3A_93 = arith.cmpi ne, %convert_element_type3A_91, %cond3A_92 : i32
      scf.if %cond3A_93 {
        %swap3A_110 = arith.constant 0 : index
        %swap3A_111 = arith.constant 0 : index
        %swap3A_112 = vector.load %arg8[%swap3A_110, %swap3A_111] : memref<64x1024xf32, #tpu.memory_space<vmem>>, vector<64x1024xf32>
        tpu.vector_store %arg8[%swap3A_110, %swap3A_111], %dot_general3A_70 {strides = array<i32>} : memref<64x1024xf32, #tpu.memory_space<vmem>>, vector<64x1024xf32>,
      } else {
      }
      %gt3A = arith.constant 0 : i32
      %gt3A_94 = arith.cmpi sgt, %arg2, %gt3A : i32
      %convert_element_type3A_95 = arith.extui %gt3A_94 : i1 to i32
      %cond3A_96 = arith.constant 0 : i32
      %cond3A_97 = arith.cmpi ne, %convert_element_type3A_95, %cond3A_96 : i32
      scf.if %cond3A_97 {
        %get3A_110 = arith.constant 0 : index
        %get3A_111 = arith.constant 0 : index
        %get3A_112 = vector.load %arg8[%get3A_110, %get3A_111] : memref<64x1024xf32, #tpu.memory_space<vmem>>, vector<64x1024xf32>
        %max3A_113 = arith.maximumf %get3A_112, %dot_general3A_70 : vector<64x1024xf32>
        %swap3A_114 = arith.constant 0 : index
        %swap3A_115 = arith.constant 0 : index
        %swap3A_116 = vector.load %arg8[%swap3A_114, %swap3A_115] : memref<64x1024xf32, #tpu.memory_space<vmem>>, vector<64x1024xf32>
        tpu.vector_store %arg8[%swap3A_114, %swap3A_115], %max3A_113 {strides = array<i32>} : memref<64x1024xf32, #tpu.memory_space<vmem>>, vector<64x1024xf32>,
      } else {
      }
      %get3A_98 = arith.constant 0 : index
      %get3A_99 = arith.constant 0 : index
      %get3A_100 = vector.load %arg13[%get3A_98, %get3A_99] : memref<64x128xf32, #tpu.memory_space<vmem>>, vector<64x128xf32>
      %swap3A_101 = arith.constant 0 : index
      %swap3A_102 = arith.constant 0 : index
      %swap3A_103 = vector.load %arg9[%swap3A_101, %swap3A_102] : memref<64x128xf32, #tpu.memory_space<vmem>>, vector<64x128xf32>
      tpu.vector_store %arg9[%swap3A_101, %swap3A_102], %get3A_100 {strides = array<i32>} : memref<64x128xf32, #tpu.memory_space<vmem>>, vector<64x128xf32>,
      %get3A_104 = arith.constant 0 : index
      %get3A_105 = arith.constant 0 : index
      %get3A_106 = vector.load %arg14[%get3A_104, %get3A_105] : memref<64x128xf32, #tpu.memory_space<vmem>>, vector<64x128xf32>
      %swap3A_107 = arith.constant 0 : index
      %swap3A_108 = arith.constant 0 : index
      %swap3A_109 = vector.load %arg10[%swap3A_107, %swap3A_108] : memref<64x128xf32, #tpu.memory_space<vmem>>, vector<64x128xf32>
      tpu.vector_store %arg10[%swap3A_107, %swap3A_108], %get3A_106 {strides = array<i32>} : memref<64x128xf32, #tpu.memory_space<vmem>>, vector<64x128xf32>,
    } else {
    }
    return
  }
  func.func @transform_0(%arg0: i32, %arg1: i32, %arg2: i32) -> (i32, i32, i32) {
    %c0_i32 = arith.constant 0 : i32
    %c0_i32_0 = arith.constant 0 : i32
    return %arg2, %c0_i32, %arg1 : i32, i32, i32
  }
  func.func @transform_1(%arg0: i32, %arg1: i32, %arg2: i32) -> (i32, i32) {
    %c0_i32 = arith.constant 0 : i32
    %c0_i32_0 = arith.constant 0 : i32
    %c0_i32_1 = arith.constant 0 : i32
    return %c0_i32, %c0_i32_0 : i32, i32
  }
  func.func @transform_2(%arg0: i32, %arg1: i32, %arg2: i32) -> (i32, i32) {
    %c0_i32 = arith.constant 0 : i32
    %c0_i32_0 = arith.constant 0 : i32
    %c0_i32_1 = arith.constant 0 : i32
    return %c0_i32, %c0_i32_0 : i32, i32
  }
  func.func @transform_3(%arg0: i32, %arg1: i32, %arg2: i32) -> (i32, i32) {
    %c0_i32 = arith.constant 0 : i32
    %c0_i32_0 = arith.constant 0 : i32
    %c0_i32_1 = arith.constant 0 : i32
    return %c0_i32, %c0_i32_0 : i32, i32
  }
  func.func @transform_4(%arg0: i32, %arg1: i32, %arg2: i32) -> (i32, i32) {
    %c0_i32 = arith.constant 0 : i32
    %c0_i32_0 = arith.constant 0 : i32
    %c0_i32_1 = arith.constant 0 : i32
    return %c0_i32, %c0_i32_0 : i32, i32
  }
  func.func @transform_5(%arg0: i32, %arg1: i32, %arg2: i32) -> (i32, i32) {
    %c0_i32 = arith.constant 0 : i32
    %c0_i32_0 = arith.constant 0 : i32
    return %c0_i32, %arg1 : i32, i32
  }
  func.func @transform_6(%arg0: i32, %arg1: i32, %arg2: i32) -> (i32, i32) {
    %c0_i32 = arith.constant 0 : i32
    %c0_i32_0 = arith.constant 0 : i32
    %c0_i32_1 = arith.constant 0 : i32
    return %c0_i32, %c0_i32_0 : i32, i32
  }
  func.func @transform_7(%arg0: i32, %arg1: i32, %arg2: i32) -> (i32, i32) {
    %c0_i32 = arith.constant 0 : i32
    %c0_i32_0 = arith.constant 0 : i32
    %c0_i32_1 = arith.constant 0 : i32
    return %c0_i32, %c0_i32_0 : i32, i32
  }
}

module attributes {stable_mosaic.version = 14 : i64} {
  func.func @_finalize_kernel(%arg0: i32, %arg1: memref<64x8192xf32, #tpu.memory_space<vmem>>, %arg2: memref<64x128xf32, #tpu.memory_space<vmem>>, %arg3: memref<64x128xf32, #tpu.memory_space<vmem>>, %arg4: memref<64x1xf32, #tpu.memory_space<vmem>>, %arg5: memref<64x1xf32, #tpu.memory_space<vmem>>, %arg6: memref<64x8192xf32, #tpu.memory_space<vmem>>) attributes {dimension_semantics = [#tpu.dimension_semantics<arbitrary>], iteration_bounds = array<i64: 1>, scalar_prefetch = 0 : i64, scratch_operands = 0 : i64, tpu.core_type = #tpu.core_type<tc>, window_params = [{pipeline_mode = #tpu.pipeline_mode<synchronous>, transform_indices = @transform_0, window_bounds = array<i64: 64, 8192>}, {pipeline_mode = #tpu.pipeline_mode<synchronous>, transform_indices = @transform_1, window_bounds = array<i64: 64, 128>}, {pipeline_mode = #tpu.pipeline_mode<synchronous>, transform_indices = @transform_2, window_bounds = array<i64: 64, 128>}, {pipeline_mode = #tpu.pipeline_mode<synchronous>, transform_indices = @transform_3, window_bounds = array<i64: 64, 1>}, {pipeline_mode = #tpu.pipeline_mode<synchronous>, transform_indices = @transform_4, window_bounds = array<i64: 64, 1>}, {pipeline_mode = #tpu.pipeline_mode<synchronous>, transform_indices = @transform_5, window_bounds = array<i64: 64, 8192>}]} {
    %get3A = arith.constant 0 : index
    %get3A_0 = arith.constant 0 : index
    %get3A_1 = vector.load %arg2[%get3A, %get3A_0] : memref<64x128xf32, #tpu.memory_space<vmem>>, vector<64x128xf32>
    %reduce_sum3A = arith.constant dense<0.000000e+00> : vector<64xf32>
    %reduce_sum3A_2 = vector.multi_reduction <add>, %get3A_1, %reduce_sum3A [1] : vector<64x128xf32> to vector<64xf32>
    %broadcast_in_dim3A = vector.shape_cast %reduce_sum3A_2 : vector<64xf32> to vector<64x1xf32>
    %get3A_3 = arith.constant 0 : index
    %get3A_4 = arith.constant 0 : index
    %get3A_5 = vector.load %arg3[%get3A_3, %get3A_4] : memref<64x128xf32, #tpu.memory_space<vmem>>, vector<64x128xf32>
    %reduce_sum3A_6 = arith.constant dense<0.000000e+00> : vector<64xf32>
    %reduce_sum3A_7 = vector.multi_reduction <add>, %get3A_5, %reduce_sum3A_6 [1] : vector<64x128xf32> to vector<64xf32>
    %broadcast_in_dim3A_8 = vector.shape_cast %reduce_sum3A_7 : vector<64xf32> to vector<64x1xf32>
    %mul3A = arith.constant 3.81469727E-6 : f32
    %mul3A_9 = vector.broadcast %mul3A : f32 to vector<64x1xf32>
    %mul3A_10 = arith.mulf %broadcast_in_dim3A, %mul3A_9 : vector<64x1xf32>
    %mul3A_11 = arith.constant 3.81469727E-6 : f32
    %mul3A_12 = vector.broadcast %mul3A_11 : f32 to vector<64x1xf32>
    %mul3A_13 = arith.mulf %broadcast_in_dim3A_8, %mul3A_12 : vector<64x1xf32>
    %mul3A_14 = arith.mulf %mul3A_10, %mul3A_10 : vector<64x1xf32>
    %sub3A = arith.subf %mul3A_13, %mul3A_14 : vector<64x1xf32>
    %add3A = arith.constant 9.99999974E-6 : f32
    %add3A_15 = vector.broadcast %add3A : f32 to vector<64x1xf32>
    %add3A_16 = arith.addf %sub3A, %add3A_15 : vector<64x1xf32>
    %rsqrt3A = math.rsqrt %add3A_16 : vector<64x1xf32>
    %get3A_17 = arith.constant 0 : index
    %get3A_18 = arith.constant 0 : index
    %get3A_19 = vector.load %arg4[%get3A_17, %get3A_18] : memref<64x1xf32, #tpu.memory_space<vmem>>, vector<64x1xf32>
    %mul3A_20 = arith.mulf %rsqrt3A, %get3A_19 : vector<64x1xf32>
    %get3A_21 = arith.constant 0 : index
    %get3A_22 = arith.constant 0 : index
    %get3A_23 = vector.load %arg1[%get3A_21, %get3A_22] : memref<64x8192xf32, #tpu.memory_space<vmem>>, vector<64x8192xf32>
    %sub3A_24 = vector.broadcast %mul3A_10 : vector<64x1xf32> to vector<64x8192xf32>
    %sub3A_25 = arith.subf %get3A_23, %sub3A_24 : vector<64x8192xf32>
    %mul3A_26 = vector.broadcast %mul3A_20 : vector<64x1xf32> to vector<64x8192xf32>
    %mul3A_27 = arith.mulf %sub3A_25, %mul3A_26 : vector<64x8192xf32>
    %get3A_28 = arith.constant 0 : index
    %get3A_29 = arith.constant 0 : index
    %get3A_30 = vector.load %arg5[%get3A_28, %get3A_29] : memref<64x1xf32, #tpu.memory_space<vmem>>, vector<64x1xf32>
    %add3A_31 = vector.broadcast %get3A_30 : vector<64x1xf32> to vector<64x8192xf32>
    %add3A_32 = arith.addf %mul3A_27, %add3A_31 : vector<64x8192xf32>
    %max3A = arith.constant 0.000000e+00 : f32
    %max3A_33 = vector.broadcast %max3A : f32 to vector<64x8192xf32>
    %max3A_34 = arith.maximumf %add3A_32, %max3A_33 : vector<64x8192xf32>
    %swap3A = arith.constant 0 : index
    %swap3A_35 = arith.constant 0 : index
    %swap3A_36 = vector.load %arg6[%swap3A, %swap3A_35] : memref<64x8192xf32, #tpu.memory_space<vmem>>, vector<64x8192xf32>
    tpu.vector_store %arg6[%swap3A, %swap3A_35], %max3A_34 {strides = array<i32>} : memref<64x8192xf32, #tpu.memory_space<vmem>>, vector<64x8192xf32>,
    return
  }
  func.func @transform_0(%arg0: i32) -> (i32, i32) {
    %c0_i32 = arith.constant 0 : i32
    %c0_i32_0 = arith.constant 0 : i32
    %c0_i32_1 = arith.constant 0 : i32
    return %c0_i32, %c0_i32_0 : i32, i32
  }
  func.func @transform_1(%arg0: i32) -> (i32, i32) {
    %c0_i32 = arith.constant 0 : i32
    %c0_i32_0 = arith.constant 0 : i32
    %c0_i32_1 = arith.constant 0 : i32
    return %c0_i32, %c0_i32_0 : i32, i32
  }
  func.func @transform_2(%arg0: i32) -> (i32, i32) {
    %c0_i32 = arith.constant 0 : i32
    %c0_i32_0 = arith.constant 0 : i32
    %c0_i32_1 = arith.constant 0 : i32
    return %c0_i32, %c0_i32_0 : i32, i32
  }
  func.func @transform_3(%arg0: i32) -> (i32, i32) {
    %c0_i32 = arith.constant 0 : i32
    %c0_i32_0 = arith.constant 0 : i32
    %c0_i32_1 = arith.constant 0 : i32
    return %c0_i32, %c0_i32_0 : i32, i32
  }
  func.func @transform_4(%arg0: i32) -> (i32, i32) {
    %c0_i32 = arith.constant 0 : i32
    %c0_i32_0 = arith.constant 0 : i32
    %c0_i32_1 = arith.constant 0 : i32
    return %c0_i32, %c0_i32_0 : i32, i32
  }
  func.func @transform_5(%arg0: i32) -> (i32, i32) {
    %c0_i32 = arith.constant 0 : i32
    %c0_i32_0 = arith.constant 0 : i32
    %c0_i32_1 = arith.constant 0 : i32
    return %c0_i32, %c0_i32_0 : i32, i32
  }
}

</mosaic_0001>

<sc_bundles>
// kernel: gather_offload_async_start
scs
__scs_entry_jumppad:
0x0: {  	(pc) =	sbr.rel $0x88, $3  }
0x1: {  	(tag) =	ssettag $0x0;
	lr =	simm.s32 $0x1  }
0x2: {  	[smem:$0x3F99] =	sst lr;
	_ =	strace $0xD0000000  }
0x3: {  	_ = 	snop  }
0x4: {  	_ = 	snop  }
0x5: {  	_ = 	snop  }
0x6: {  	_ = 	snop  }
0x7: {  	_ = 	snop  }
__scs_overlays_trampoline_lowered:
0x8: {  	[smem:$0x3FA8] =	sst s0  }
0x9: {  	[smem:$0x3FA9] =	sst s1  }
0xa: {  	[smem:$0x3FAA] =	sst s2  }
0xb: {  	[smem:$0x3FAB] =	sst s3  }
0xc: {  	[smem:$0x3FAC] =	sst s4  }
0xd: {  	[smem:$0x3FAD] =	sst s5  }
0xe: {  	[smem:$0x3FAE] =	sst s6  }
0xf: {  	[smem:$0x3FAF] =	sst s7  }
0x10: {  	[smem:$0x3FB0] =	sst s8  }
0x11: {  	[smem:$0x3FB1] =	sst s9;
	s0 =	simm.s32 @!p0 $0x0  }
0x12: {  	s1 =	sld [smem:$0x3F97];
	s0 =	simm.s32 @p0 $0x1  }
0x13: {  	[smem:$0x3FB2] =	sst s0;
	s0 =	simm.s32 @!p1 $0x0  }
0x14: {  	s2 =	sld [smem:$0x3F96];
	s0 =	simm.s32 @p1 $0x1  }
0x15: {  	[smem:$0x3FB3] =	sst s0;
	s0 =	simm.s32 @!p2 $0x0  }
0x16: {  	s3 =	sld [smem:$0x3FDB];
	s0 =	simm.s32 @p2 $0x1  }
0x17: {  	s4 =	simm.s32 $0x1BF5;
	[smem:$0x3FB5] =	sst s0  }
0x18: {  	s0 =	sld [smem:$0x3F98];
	_ =	swait.ge [sflag:s4], $0x0  }
0x19: {  	s7 =	sld [smem:$0x3F99]  }
0x1a: {  	s8 =	sadd.s32 $0xFFFFE003, lr  }
0x1b: {  	s9 =	sadd.s32 $0xFFFFFEF7, lr;
	s5 =	simm.s32 $0xFFFFFFFF;
	p2 =	slt.u32 s8, $0xFFFFF086  }
0x1c: {  	p1 =	slt.u32 s9, $0xF7A;
	s5 =	simm.s32 @!p2 $0x0  }
0x1d: {  	s5 =	simm.s32 @p1 $0x1;
	p0 =	seq.s32 s7, s2  }
0x1e: {  	s7 =	smul.u32 @!p0 $0xF7A, s2;
	p2 =	seq.s32 @!p0 s5, $0x0  }
0x1f: {  	s9 =	smul.u32 $0xF7A, s1;
	s8 =	simm.s32 @!p0 $0x1BF5;
	p2 =	por !p2, p0  }
0x20: {  	[sflag:s8] =	ssyncset.s32 @!p0 $0xFFFFF086;
	s6 =	sadd.s32 @!p0 s3, s7;
	s7 =	simm.s32 @!p0 $0x108  }
0x21: {  	s3 =	sadd.s32 s3, s9;
	s6 =	sadd.s32 @!p0 $0x88, s6;
	s7 =	simm.s32 @p2 $0x1082  }
0x22: {  	[simem:s7], [sflag:s8] =	dma.local @!p0 [hbm:s6], $0xF7A  }
0x23: {  	s9 =	sor.u32 $0xD0000000, s2;
	s6 =	simm.s32 $0x108;
	_ =	swait.ge @!p0 [sflag:s8], $0x0  }
0x24: {  	s3 =	sadd.s32 $0x88, s3;
	s6 =	simm.s32 @!p1 $0x1082;
	[sflag:s4] =	ssyncset.s32 $0xFFFFF086  }
0x25: {  	[simem:s6], [sflag:s4] =	dma.local [hbm:s3], $0xF7A  }
0x26: {  	[smem:$0x3F99] =	sst s1;
	(tag) =	ssettag s2;
	_ =	strace s9  }
0x27: {  	s1 =	sld [smem:$0x3FA9]  }
0x28: {  	s2 =	sld [smem:$0x3FAA]  }
0x29: {  	s4 =	sld [smem:$0x3FAC]  }
0x2a: {  	p0 =	seq.s32 s5, $0x0;
	s5 =	sld [smem:$0x3FAD]  }
0x2b: {  	s6 =	sld [smem:$0x3FAE]  }
0x2c: {  	s7 =	sld [smem:$0x3FAF]  }
0x2d: {  	s3 =	simm.s32 $0x108;
	s8 =	sld [smem:$0x3FB0]  }
0x2e: {  	s3 =	simm.s32 @!p0 $0x1082;
	s9 =	sld [smem:$0x3FB1]  }
0x2f: {  	lr =	sadd.s32 s0, s3;
	s0 =	sld [smem:$0x3FA8]  }
0x30: {  	s3 =	sld [smem:$0x3FAB]  }
0x31: {  	[smem:$0x3FB4] =	sst s10  }
0x32: {  	s10 =	sld [smem:$0x3FB2];
	_ =	sdelay $0x3  }
0x33: {  	p0 =	seq.s32 s10, $0x1;
	s10 =	sld [smem:$0x3FB4];
	_ =	sdelay $0x3  }
0x34: {  	[smem:$0x3FB4] =	sst s10  }
0x35: {  	s10 =	sld [smem:$0x3FB3];
	_ =	sdelay $0x3  }
0x36: {  	p1 =	seq.s32 s10, $0x1;
	s10 =	sld [smem:$0x3FB4];
	_ =	sdelay $0x3  }
0x37: {  	[smem:$0x3FB4] =	sst s10  }
0x38: {  	s10 =	sld [smem:$0x3FB5]  }
0x39: {  	_ = 	snop;
	(pc) =	sbr.ind lr, $3  }
0x3a: {  	_ = 	snop  }
0x3b: {  	_ = 	snop  }
0x3c: {  	p2 =	seq.s32 s10, $0x1;
	s10 =	sld [smem:$0x3FB4]  }
0x3d: {  	_ =	shalt  }
0x3e: {  	_ =	shalt  }
0x3f: {  	_ =	shalt  }
0x40: {  	_ =	shalt  }
0x41: {  	_ =	shalt  }
0x42: {  	_ =	shalt  }
0x43: {  	_ =	shalt  }
0x44: {  	_ =	shalt  }
0x45: {  	_ =	shalt  }
0x46: {  	_ =	shalt  }
0x47: {  	_ =	shalt  }
0x48: {  	_ =	shalt  }
0x49: {  	_ =	shalt  }
0x4a: {  	_ =	shalt  }
0x4b: {  	_ =	shalt  }
0x4c: {  	_ =	shalt  }
0x4d: {  	_ =	shalt  }
0x4e: {  	_ =	shalt  }
0x4f: {  	_ =	shalt  }
0x50: {  	_ =	shalt  }
0x51: {  	_ =	shalt  }
0x52: {  	_ =	shalt  }
0x53: {  	_ =	shalt  }
0x54: {  	_ =	shalt  }
0x55: {  	_ =	shalt  }
0x56: {  	_ =	shalt  }
0x57: {  	_ =	shalt  }
0x58: {  	_ =	shalt  }
0x59: {  	_ =	shalt  }
0x5a: {  	_ =	shalt  }
0x5b: {  	_ =	shalt  }
0x5c: {  	_ =	shalt  }
0x5d: {  	_ =	shalt  }
0x5e: {  	_ =	shalt  }
0x5f: {  	_ =	shalt  }
0x60: {  	_ =	shalt  }
0x61: {  	_ =	shalt  }
0x62: {  	_ =	shalt  }
0x63: {  	_ =	shalt  }
0x64: {  	_ =	shalt  }
0x65: {  	_ =	shalt  }
0x66: {  	_ =	shalt  }
0x67: {  	_ =	shalt  }
0x68: {  	_ =	shalt  }
0x69: {  	_ =	shalt  }
0x6a: {  	_ =	shalt  }
0x6b: {  	_ =	shalt  }
0x6c: {  	_ =	shalt  }
0x6d: {  	_ =	shalt  }
0x6e: {  	_ =	shalt  }
0x6f: {  	_ =	shalt  }
0x70: {  	_ =	shalt  }
0x71: {  	_ =	shalt  }
0x72: {  	_ =	shalt  }
0x73: {  	_ =	shalt  }
0x74: {  	_ =	shalt  }
0x75: {  	_ =	shalt  }
0x76: {  	_ =	shalt  }
0x77: {  	_ =	shalt  }
0x78: {  	_ =	shalt  }
0x79: {  	_ =	shalt  }
0x7a: {  	_ =	shalt  }
0x7b: {  	_ =	shalt  }
0x7c: {  	_ =	shalt  }
0x7d: {  	_ =	shalt  }
0x7e: {  	_ =	shalt  }
0x7f: {  	_ =	shalt  }
0x80: {  	_ =	shalt  }
0x81: {  	_ =	shalt  }
0x82: {  	_ =	shalt  }
0x83: {  	_ =	shalt  }
0x84: {  	_ =	shalt  }
0x85: {  	_ =	shalt  }
0x86: {  	_ =	shalt  }
0x87: {  	_ =	shalt  }
.Lfunc_end0:
.L_simem_size_0:
called_computation.2_lowered:
.L_overlay_start_0:
0x88: {  	s2 =	sld [smem:$0x3FD9]  }
0x89: {  	s3 =	sld [smem:$0x3FFE];
	_ =	sdelay $0x1  }
0x8a: {  	s1 =	srdreg.scid  }
0x8b: {  	s0 =	sand.u32 $0x1, s1  }
0x8c: {  	s14 =	sshll.u32 s0, $0xA;
	s2 =	sadd.s32 s3, s2  }
0x8d: {  	s2 =	sadd.s32 s2, s14  }
0x8e: {  	[smem:$0x3FC0] =	sst s2  }
0x8f: {  	_ = 	snop  }
0x90: {  	s2 =	sld [smem:$0x3FD0];
	_ =	sdelay $0x2  }
0x91: {  	s15 =	simm.s32 $0xA;
	s4 =	simm.s32 $0x10  }
0x92: {  	[smem:s4], [sflag:s15] =	dma.local [hbm:s2], $0x1  }
0x93: {  	_ =	swait.eq [sflag:s15], $0x1  }
0x94: {  	[sflag:s15] =	ssyncset.done $0x0  }
0x95: {  	[sflag:s15] =	ssyncadd.s32 $0xFFFFFFFF  }
0x96: {  	s16 =	sld [smem:$0x10];
	(tm) =	ssettm $0x1  }
0x97: {  	s17 =	sld [smem:$0x3FFB];
	_ =	sdelay $0x3  }
0x98: {  	_ =	strace s17  }
0x99: {  	s3 =	sld [smem:$0x3FFC];
	_ =	sdelay $0x3  }
0x9a: {  	_ =	strace s3  }
0x9b: {  	s3 =	sld [smem:$0x3FFD];
	_ =	sdelay $0x3  }
0x9c: {  	_ =	strace s3  }
0x9d: {  	_ =	strace $0x8FFFFFFF  }
0x9e: {  	s18 =	sld [smem:$0x3FDB];
	_ =	sdelay $0x1  }
0x9f: {  	s19 =	simm.s32 $_scs_section_size  }
0xa0: {  	s5 =	simm.s32 $_size__tile_overlayer_lowered;
	s6 =	simm.s32 $_tile_overlayer_lowered  }
0xa1: {  	s22 =	simm.s32 $0x1BFF;
	s21 =	sshll.u32 s6, $0x1;
	s3 =	sadd.s32 s19, s18  }
0xa2: {  	s7 =	simm.s32 $0x0;
	s20 =	sshll.u32 s5, $0x1;
	s5 =	sadd.s32 s21, s3  }
0xa3: {  	[timem:s7], [sflag:s22] =	dma.local [hbm:s5], s20  }
0xa4: {  	_ =	swait.ge [sflag:s22], s20  }
0xa5: {  	s4 =	ssub.s32 $0x0, s20;
	[sflag:s22] =	ssyncset.done $0x0  }
0xa6: {  	[sflag:s22] =	ssyncadd.s32 s4;
	_ =	sdelay $0x1  }
0xa7: {  	s23 =	simm.s32 $0x1B8B  }
0xa8: {  	_ =	swait.ge [sflag:s23], $0x1  }
0xa9: {  	[sflag:s23] =	ssyncset.done $0x0  }
0xaa: {  	s25 =	simm.s32 $0x1B8E;
	s24 =	sld [smem:$0x3FFE];
	[sflag:s23] =	ssyncadd.s32 $0xFFFFFFFF  }
0xab: {  	s26 =	simm.s32 $execute0_lowered;
	[smem:$0x3FD2] =	sst s25  }
0xac: {  	s5 =	sshll.u32 s26, $0x1;
	_ =	strace $0x80000046;
	[dreg:$0x1] =	wrdreg $0xFFFFFFFF  }
0xad: {  	s28 =	simm.s32 $_size_execute0_lowered;
	s3 =	sadd.s32 s3, s5;
	[dreg:$0x0] =	wrdreg $0x0  }
0xae: {  	s5 =	sshll.u32 s28, $0x1;
	[dreg:$0x2] =	wrdreg s3  }
0xaf: {  	[dreg:$0x3] =	wrdreg s5  }
0xb0: {  	[dreg:$0x4] =	wrdreg $0xC0  }
0xb1: {  	_ =	task [dreg:s7], $0x5FFFF  }
0xb2: {  	[dreg:$0x1] =	wrdreg $0xFFFFFFFF  }
0xb3: {  	[dreg:$0x0] =	wrdreg $0x60  }
0xb4: {  	[dreg:$0x2] =	wrdreg s24  }
0xb5: {  	[dreg:$0x3] =	wrdreg s16  }
0xb6: {  	[dreg:$0x4] =	wrdreg $0x9  }
0xb7: {  	_ =	task.clear_ibuf [dreg:s7], $0x5FFFF;
	_ =	strace $0x90000046  }
0xb8: {  	s29 =	simm.s32 $0x9;
	_ =	strace $0x80000048  }
0xb9: {  	_ =	swait.ge [sflag:s29], $0x1  }
0xba: {  	[sflag:s29] =	ssyncadd.s32 $0xFFFFFFFF  }
0xbb: {  	_ =	strace $0x90000048  }
0xbc: {  	_ =	sfence  }
0xbd: {  	s30 =	sld [smem:$0x0];
	_ =	sdelay $0x2  }
0xbe: {  	s31 =	sshll.u32 s1, $0xD;
	s1 =	sshrl.u32 s1, $0x2  }
0xbf: {  	s3 =	sand.u32 $0x4000, s31;
	s1 =	sadd.s32 s1, s30  }
0xc0: {  	s0 =	sor.u32 s3, s0;
	s1 =	sshll.u32 s1, $0x11  }
0xc1: {  	s0 =	sor.u32 s1, s0  }
0xc2: {  	s0 =	sadd.s32 $0x8F2B, s0  }
0xc3: {  	[sflag:s0] =	ssyncadd.remote.s32 $0x1  }
0xc4: {  	_ =	sfence.sel $0xFFFF  }
0xc5: {  	[dreg:$0x0] =	wrdreg $0xFFFFFFFF;
	(pc) =	sbr.abs _section_cstart, $3  }
0xc6: {  	[dreg:$0x1] =	wrdreg $0xFFFFFFFF  }
0xc7: {  	_ =	task.clear_ibuf [dreg:s7], $0x2FFFF;
	_ =	strace $0x9FFFFFFF  }
0xc8: {  	(tm) =	ssettm $0x7FFFFFFF  }
0xc9: {  	_ =	shalt  }
tec
execute0_lowered:
.L_overlay_start_1:
0x0: {  	(tag) =	ssettag $0x1  }
0x1: {  	s7 =	rddreg [dreg:$0x0]  }
0x2: {  	s2 =	rddreg [dreg:$0x1]  }
0x3: {  	s0 =	rddreg [dreg:$0x2]  }
0x4: {  	s1 =	srdreg.scid;
	_ =	strace $0x80000047;
	s4 =	simm.s32 $0x1  }
0x5: {  	s9 =	simm.s32 $0x3;
	s12 =	simm.s32 $0x0;
	s5 =	sshll.u32 s1, $0x4  }
.Ltmp0:
0x6: {  	s1 =	stileid.u32;
	s5 =	sand.u32 $0x10, s5;
	(pc) =	sbr.rel .LBB2_1-.Ltmp0, $4  }
0x7: {  	s10 =	simm.s32 $0x0;
	s3 =	sadd.s32 $0x4400, s7;
	s6 =	sor.u32 s1, s5  }
0x8: {  	[sflag:s4] =	ssyncpa.u1 $0x0;
	s5 =	simm.s32 $0x2;
	s6 =	sshll.u32 s6, $0x8  }
0x9: {  	s7 =	sadd.s32 $0x84400, s7;
	[sflag:s5] =	ssyncpa.u1 $0x0;
	s8 =	sadd.s32 $0x100, s6  }
0xa: {  	vm0 =	vmmov $0xff;
	vm1 =	vcmask $0x3F20;
	[sflag:s9] =	ssyncpa.u1 $0x0;
	s9 =	simm.s32 $0x100;
	s11 =	smov.u32 s6  }
.LBB2_9:
0xb: {  	p0 =	seq.s32 s10, $0x2  }
.Ltmp1:
0xc: {  	_ = 	snop;
	(pc) =	sbr.rel @p0 .LBB2_11-.Ltmp1, $1  }
0xd: {  	_ =	sdelay $0x3  }
.LBB2_10:
0xe: {  	s12 =	sadd.s32 $0x100, s11  }
0xf: {  	s13 =	smov.u32 s6;
	p0 =	slt.s32 s12, s8  }
0x10: {  	s13 =	smov.u32 @p0 s12  }
0x11: {  	s10 =	sadd.s32 $0x1, s10;
	s12 =	smov.u32 s11;
	s11 =	smov.u32 s13  }
.LBB2_1:
0x12: {  	p0 =	sne.s32 s10, $0x0  }
.Ltmp2:
0x13: {  	_ = 	snop;
	(pc) =	sbr.rel @!p0 .LBB2_2-.Ltmp2, $1  }
0x14: {  	_ =	sdelay $0x3  }
0x15: {  	s13 =	sand.u32 $0x1, s10  }
0x16: {  	p0 =	seq.s32 s13, $0x0  }
.Ltmp3:
0x17: {  	_ = 	snop;
	(pc) =	sbr.rel @p0 .LBB2_9-.Ltmp3, $1  }
0x18: {  	_ =	sdelay $0x3  }
0x19: {  	_ =	swait.ge [sflag:s5], $0x100  }
0x1a: {  	[sflag:s5] =	ssyncset.done $0x0  }
0x1b: {  	s13 =	simm.s32 $0x0;
	[sflag:s5] =	ssyncadd.s32 $0xFFFFFF00  }
0x1c: {  	v0 =	vld.msk [tilespmem:s13+$0x100 ss:$0x1], $0xffff;
	_ =	sdelay $0x4  }
0x1d: {  	v1 =	vshll.u32 v0, $0x5  }
0x1e: {  	vm2 =	veq.s32 v0, $0x80000000;
	v0 =	vshll.u32 v0, $0x14;
	v1 =	vand.u32 $0xFFF80, v1  }
0x1f: {  	v0 =	vand.u32 $0x300000, v0;
	v1 =	vsel vm2, $0xFFFFFF80, v1  }
0x20: {  	v0 =	vsel vm2, $0xFFF00000, v0;
	v2 =	vand.u32 $0xFFFFFC00, v1  }
0x21: {  	v1 =	vand.u32 $0x380, v1;
	v0 =	vadd.s32 v0, v2  }
0x22: {  	v0 =	vor.u32 v1, v0  }
0x23: {  	v0 =	vshrl.u32 v0, $0x3;
	_ =	sdelay $0x3  }
0x24: {  	s13 =	simm.s32 $0x8200  }
0x25: {  	[tilespmem:s13], [sflag:$0x1] =	stream.indirect_vreg.gather [hbm:s3], $0x80, v0, vm0, $0x38;
	[tilespmem:$0x10200] =	vst v63  }
0x26: {  	s14 =	simm.s32 $0x8600;
	s31 =	simm.s32 $0x10  }
0x27: {  	[tilespmem:s14], [sflag:$0x1] =	stream.indirect_vreg.gather [hbm:s3], $0x80, v0, vm1, $0x38;
	[tilespmem:$0x10200] =	vst v63  }
0x28: {  	s14 =	simm.s32 $0x80;
	v0 =	vld.msk [tilespmem:s31+$0x100 ss:$0x1], $0xffff  }
.LBB2_5:
0x29: {  	p0 =	sne.s32 s14, $0x3C0;
	_ =	sdelay $0x4  }
0x2a: {  	v1 =	vshll.u32 v0, $0x5  }
0x2b: {  	vm2 =	veq.s32 v0, $0x80000000;
	v0 =	vshll.u32 v0, $0x14;
	v1 =	vand.u32 $0xFFF80, v1  }
0x2c: {  	v0 =	vand.u32 $0x300000, v0;
	v1 =	vsel vm2, $0xFFFFFF80, v1  }
0x2d: {  	v0 =	vsel vm2, $0xFFF00000, v0;
	v2 =	vand.u32 $0xFFFFFC00, v1  }
0x2e: {  	v1 =	vand.u32 $0x380, v1;
	v0 =	vadd.s32 v0, v2  }
0x2f: {  	v0 =	vor.u32 v1, v0  }
0x30: {  	v0 =	vshrl.u32 v0, $0x3;
	_ =	sdelay $0x3  }
.Ltmp4:
0x31: {  	s13 =	sadd.s32 $0x800, s13;
	(pc) =	sbr.rel @p0 .LBB2_5-.Ltmp4, $4  }
0x32: {  	[tilespmem:s13], [sflag:$0x1] =	stream.indirect_vreg.gather [hbm:s3], $0x80, v0, vm0, $0x38;
	[tilespmem:$0x10200] =	vst v63  }
0x33: {  	s15 =	sshra.s32 s14, $0x2;
	s16 =	sadd.s32 $0x400, s13  }
0x34: {  	[tilespmem:s16], [sflag:$0x1] =	stream.indirect_vreg.gather [hbm:s3], $0x80, v0, vm1, $0x38;
	[tilespmem:$0x10200] =	vst v63  }
0x35: {  	s14 =	sadd.s32 $0x40, s14;
	v0 =	vld.msk [tilespmem:s15+$0x100 ss:$0x1], $0xffff  }
0x36: {  	_ =	sdelay $0x3  }
0x37: {  	v1 =	vshll.u32 v0, $0x5  }
0x38: {  	vm2 =	veq.s32 v0, $0x80000000;
	v63 =	vshll.u32 v0, $0x14;
	v1 =	vand.u32 $0xFFF80, v1  }
0x39: {  	v0 =	vand.u32 $0x300000, v63;
	v1 =	vsel vm2, $0xFFFFFF80, v1  }
0x3a: {  	v0 =	vsel vm2, $0xFFF00000, v0;
	v2 =	vand.u32 $0xFFFFFC00, v1  }
0x3b: {  	v1 =	vand.u32 $0x380, v1;
	v0 =	vadd.s32 v0, v2  }
0x3c: {  	v0 =	vor.u32 v1, v0  }
0x3d: {  	v0 =	vshrl.u32 v0, $0x3;
	_ =	sdelay $0x3  }
0x3e: {  	s13 =	sadd.s32 $0x800, s13  }
0x3f: {  	[tilespmem:s13], [sflag:$0x1] =	stream.indirect_vreg.gather [hbm:s3], $0x80, v0, vm0, $0x38;
	[tilespmem:$0x10200] =	vst v63  }
0x40: {  	s13 =	sadd.s32 $0x400, s13  }
0x41: {  	[tilespmem:s13], [sflag:$0x1] =	stream.indirect_vreg.gather [hbm:s3], $0x80, v0, vm1, $0x38;
	[tilespmem:$0x10200] =	vst v63  }
0x42: {  	s12 =	sshll.u32 s12, $0x4;
	s14 =	simm.s32 $0x80;
	_ =	swait.ge [sflag:s4], $0x8000  }
0x43: {  	s15 =	simm.s32 $0x8600;
	s12 =	sadd.s32 s12, s7;
	[sflag:s4] =	ssyncset.done $0x0  }
0x44: {  	s16 =	sadd.s32 $0x0, s12;
	s13 =	simm.s32 $0x8200;
	[sflag:s4] =	ssyncadd.s32 $0xFFFF8000  }
.LBB2_7:
0x45: {  	[hbm:s16] =	stream.linear.scatter [tilespmem:s13], [sflag:$0x3], $0x400, $0x38;
	[tilespmem:$0x10200] =	vst v63  }
0x46: {  	s16 =	smov.u32 s14;
	s13 =	smov.u32 s15;
	p0 =	sne.s32 s14, $0xF80  }
.Ltmp5:
0x47: {  	s14 =	sadd.s32 $0x80, s14;
	(pc) =	sbr.rel @p0 .LBB2_7-.Ltmp5, $2  }
0x48: {  	_ =	sdelay $0x2  }
0x49: {  	s15 =	sadd.s32 $0x400, s15;
	s16 =	sadd.s32 s16, s12  }
.Ltmp6:
0x4a: {  	(pc) =	sbr.rel .LBB2_9-.Ltmp6, $2  }
0x4b: {  	_ =	sdelay $0x2  }
0x4c: {  	[hbm:s16] =	stream.linear.scatter [tilespmem:s13], [sflag:$0x3], $0x400, $0x38;
	[tilespmem:$0x10200] =	vst v63  }
.LBB2_2:
.Ltmp7:
0x4d: {  	(pc) =	sbr.rel .LBB2_10-.Ltmp7, $4  }
0x4e: {  	_ = 	snop  }
0x4f: {  	s12 =	sshrl.u32 s11, $0x3  }
0x50: {  	s13 =	sand.u32 $0x7, s11;
	s12 =	sadd.s32 s2, s12  }
0x51: {  	[tilespmem:s9], [sflag:$0x2] =	stream.linear.gather [hbm4b:s12+s13], $0x100, $0x38;
	[tilespmem:$0x10200] =	vst v63  }
.LBB2_11:
0x52: {  	s2 =	simm.s32 $0x3  }
0x53: {  	_ =	swait.ge [sflag:s2], $0x8000  }
0x54: {  	[sflag:s2] =	ssyncset.done $0x0  }
0x55: {  	[sflag:s2] =	ssyncadd.s32 $0xFFFF8000  }
0x56: {  	_ =	sfence.sel $0x180000  }
0x57: {  	s3 =	simm.s32 $0x2;
	[bflag:$0x0] =	sbarrier.arrive $0xFFFF  }
0x58: {  	[sflag:s3] =	ssyncpa.u1 $0x1  }
0x59: {  	s31 =	simm.s32 $0x1;
	[sflag:s2] =	ssyncpa.u1 $0x1  }
0x5a: {  	[sflag:s31] =	ssyncpa.u1 $0x1  }
0x5b: {  	p0 =	sne.s32 s1, $0x0;
	_ =	strace $0x90000047  }
0x5c: {  	s0 =	sadd.s32 @!p0 $0x100000, s0;
	[bflag:$0x2] =	sbarrier.arrive $0xFFFF  }
0x5d: {  	[sflag:s0] =	ssyncadd.tile.s32 @!p0 $0x1;
	_ =	shalt  }
.Lfunc_end2:
_tile_overlayer_lowered:
.L_overlay_start_2:
0x5e: {  	(tag) =	ssettag $0x2  }
0x5f: {  	s0 =	rddreg [dreg:$0x0];
	s2 =	stileid.u32  }
0x60: {  	s1 =	rddreg [dreg:$0x1];
	p0 =	sne.s32 s2, $0x0  }
0x61: {  	s3 =	rddreg [dreg:$0x2];
	[bflag:$0x3] =	sbarrier.arrive $0xFFFF;
	s2 =	simm.s32 @!p0 $0x1C01  }
0x62: {  	[timem:s3], [sflag:s2] =	dma.local @!p0 [hbm:s0], s1  }
0x63: {  	s0 =	simm.s32 @!p0 $0x1  }
0x64: {  	_ =	swait.ge @!p0 [sflag:s0], s1  }
0x65: {  	s1 =	ssub.s32 @!p0 $0x0, s1;
	[sflag:s0] =	ssyncset.done @!p0 $0x0  }
0x66: {  	[sflag:s0] =	ssyncadd.s32 @!p0 s1  }
0x67: {  	[bflag:$0x3] =	sbarrier.arrive $0xFFFF  }
0x68: {  	_ =	shalt  }

// kernel: kernel.9.cloned.1.call-start
scs
__scs_entry_jumppad:
0x0: {  	(pc) =	sbr.rel $0x88, $3  }
0x1: {  	(tag) =	ssettag $0x0;
	lr =	simm.s32 $0x1  }
0x2: {  	[smem:$0x3F99] =	sst lr;
	_ =	strace $0xD0000000  }
0x3: {  	_ = 	snop  }
0x4: {  	_ = 	snop  }
0x5: {  	_ = 	snop  }
0x6: {  	_ = 	snop  }
0x7: {  	_ = 	snop  }
__scs_overlays_trampoline_lowered:
0x8: {  	[smem:$0x3FA8] =	sst s0  }
0x9: {  	[smem:$0x3FA9] =	sst s1  }
0xa: {  	[smem:$0x3FAA] =	sst s2  }
0xb: {  	[smem:$0x3FAB] =	sst s3  }
0xc: {  	[smem:$0x3FAC] =	sst s4  }
0xd: {  	[smem:$0x3FAD] =	sst s5  }
0xe: {  	[smem:$0x3FAE] =	sst s6  }
0xf: {  	[smem:$0x3FAF] =	sst s7  }
0x10: {  	[smem:$0x3FB0] =	sst s8  }
0x11: {  	[smem:$0x3FB1] =	sst s9;
	s0 =	simm.s32 @!p0 $0x0  }
0x12: {  	s1 =	sld [smem:$0x3F97];
	s0 =	simm.s32 @p0 $0x1  }
0x13: {  	[smem:$0x3FB2] =	sst s0;
	s0 =	simm.s32 @!p1 $0x0  }
0x14: {  	s2 =	sld [smem:$0x3F96];
	s0 =	simm.s32 @p1 $0x1  }
0x15: {  	[smem:$0x3FB3] =	sst s0;
	s0 =	simm.s32 @!p2 $0x0  }
0x16: {  	s3 =	sld [smem:$0x3FDB];
	s0 =	simm.s32 @p2 $0x1  }
0x17: {  	s4 =	simm.s32 $0x1BF5;
	[smem:$0x3FB5] =	sst s0  }
0x18: {  	s0 =	sld [smem:$0x3F98];
	_ =	swait.ge [sflag:s4], $0x0  }
0x19: {  	s7 =	sld [smem:$0x3F99]  }
0x1a: {  	s8 =	sadd.s32 $0xFFFFE003, lr  }
0x1b: {  	s9 =	sadd.s32 $0xFFFFFEF7, lr;
	s5 =	simm.s32 $0xFFFFFFFF;
	p2 =	slt.u32 s8, $0xFFFFF086  }
0x1c: {  	p1 =	slt.u32 s9, $0xF7A;
	s5 =	simm.s32 @!p2 $0x0  }
0x1d: {  	s5 =	simm.s32 @p1 $0x1;
	p0 =	seq.s32 s7, s2  }
0x1e: {  	s7 =	smul.u32 @!p0 $0xF7A, s2;
	p2 =	seq.s32 @!p0 s5, $0x0  }
0x1f: {  	s9 =	smul.u32 $0xF7A, s1;
	s8 =	simm.s32 @!p0 $0x1BF5;
	p2 =	por !p2, p0  }
0x20: {  	[sflag:s8] =	ssyncset.s32 @!p0 $0xFFFFF086;
	s6 =	sadd.s32 @!p0 s3, s7;
	s7 =	simm.s32 @!p0 $0x108  }
0x21: {  	s3 =	sadd.s32 s3, s9;
	s6 =	sadd.s32 @!p0 $0x88, s6;
	s7 =	simm.s32 @p2 $0x1082  }
0x22: {  	[simem:s7], [sflag:s8] =	dma.local @!p0 [hbm:s6], $0xF7A  }
0x23: {  	s9 =	sor.u32 $0xD0000000, s2;
	s6 =	simm.s32 $0x108;
	_ =	swait.ge @!p0 [sflag:s8], $0x0  }
0x24: {  	s3 =	sadd.s32 $0x88, s3;
	s6 =	simm.s32 @!p1 $0x1082;
	[sflag:s4] =	ssyncset.s32 $0xFFFFF086  }
0x25: {  	[simem:s6], [sflag:s4] =	dma.local [hbm:s3], $0xF7A  }
0x26: {  	[smem:$0x3F99] =	sst s1;
	(tag) =	ssettag s2;
	_ =	strace s9  }
0x27: {  	s1 =	sld [smem:$0x3FA9]  }
0x28: {  	s2 =	sld [smem:$0x3FAA]  }
0x29: {  	s4 =	sld [smem:$0x3FAC]  }
0x2a: {  	p0 =	seq.s32 s5, $0x0;
	s5 =	sld [smem:$0x3FAD]  }
0x2b: {  	s6 =	sld [smem:$0x3FAE]  }
0x2c: {  	s7 =	sld [smem:$0x3FAF]  }
0x2d: {  	s3 =	simm.s32 $0x108;
	s8 =	sld [smem:$0x3FB0]  }
0x2e: {  	s3 =	simm.s32 @!p0 $0x1082;
	s9 =	sld [smem:$0x3FB1]  }
0x2f: {  	lr =	sadd.s32 s0, s3;
	s0 =	sld [smem:$0x3FA8]  }
0x30: {  	s3 =	sld [smem:$0x3FAB]  }
0x31: {  	[smem:$0x3FB4] =	sst s10  }
0x32: {  	s10 =	sld [smem:$0x3FB2];
	_ =	sdelay $0x3  }
0x33: {  	p0 =	seq.s32 s10, $0x1;
	s10 =	sld [smem:$0x3FB4];
	_ =	sdelay $0x3  }
0x34: {  	[smem:$0x3FB4] =	sst s10  }
0x35: {  	s10 =	sld [smem:$0x3FB3];
	_ =	sdelay $0x3  }
0x36: {  	p1 =	seq.s32 s10, $0x1;
	s10 =	sld [smem:$0x3FB4];
	_ =	sdelay $0x3  }
0x37: {  	[smem:$0x3FB4] =	sst s10  }
0x38: {  	s10 =	sld [smem:$0x3FB5]  }
0x39: {  	_ = 	snop;
	(pc) =	sbr.ind lr, $3  }
0x3a: {  	_ = 	snop  }
0x3b: {  	_ = 	snop  }
0x3c: {  	p2 =	seq.s32 s10, $0x1;
	s10 =	sld [smem:$0x3FB4]  }
0x3d: {  	_ =	shalt  }
0x3e: {  	_ =	shalt  }
0x3f: {  	_ =	shalt  }
0x40: {  	_ =	shalt  }
0x41: {  	_ =	shalt  }
0x42: {  	_ =	shalt  }
0x43: {  	_ =	shalt  }
0x44: {  	_ =	shalt  }
0x45: {  	_ =	shalt  }
0x46: {  	_ =	shalt  }
0x47: {  	_ =	shalt  }
0x48: {  	_ =	shalt  }
0x49: {  	_ =	shalt  }
0x4a: {  	_ =	shalt  }
0x4b: {  	_ =	shalt  }
0x4c: {  	_ =	shalt  }
0x4d: {  	_ =	shalt  }
0x4e: {  	_ =	shalt  }
0x4f: {  	_ =	shalt  }
0x50: {  	_ =	shalt  }
0x51: {  	_ =	shalt  }
0x52: {  	_ =	shalt  }
0x53: {  	_ =	shalt  }
0x54: {  	_ =	shalt  }
0x55: {  	_ =	shalt  }
0x56: {  	_ =	shalt  }
0x57: {  	_ =	shalt  }
0x58: {  	_ =	shalt  }
0x59: {  	_ =	shalt  }
0x5a: {  	_ =	shalt  }
0x5b: {  	_ =	shalt  }
0x5c: {  	_ =	shalt  }
0x5d: {  	_ =	shalt  }
0x5e: {  	_ =	shalt  }
0x5f: {  	_ =	shalt  }
0x60: {  	_ =	shalt  }
0x61: {  	_ =	shalt  }
0x62: {  	_ =	shalt  }
0x63: {  	_ =	shalt  }
0x64: {  	_ =	shalt  }
0x65: {  	_ =	shalt  }
0x66: {  	_ =	shalt  }
0x67: {  	_ =	shalt  }
0x68: {  	_ =	shalt  }
0x69: {  	_ =	shalt  }
0x6a: {  	_ =	shalt  }
0x6b: {  	_ =	shalt  }
0x6c: {  	_ =	shalt  }
0x6d: {  	_ =	shalt  }
0x6e: {  	_ =	shalt  }
0x6f: {  	_ =	shalt  }
0x70: {  	_ =	shalt  }
0x71: {  	_ =	shalt  }
0x72: {  	_ =	shalt  }
0x73: {  	_ =	shalt  }
0x74: {  	_ =	shalt  }
0x75: {  	_ =	shalt  }
0x76: {  	_ =	shalt  }
0x77: {  	_ =	shalt  }
0x78: {  	_ =	shalt  }
0x79: {  	_ =	shalt  }
0x7a: {  	_ =	shalt  }
0x7b: {  	_ =	shalt  }
0x7c: {  	_ =	shalt  }
0x7d: {  	_ =	shalt  }
0x7e: {  	_ =	shalt  }
0x7f: {  	_ =	shalt  }
0x80: {  	_ =	shalt  }
0x81: {  	_ =	shalt  }
0x82: {  	_ =	shalt  }
0x83: {  	_ =	shalt  }
0x84: {  	_ =	shalt  }
0x85: {  	_ =	shalt  }
0x86: {  	_ =	shalt  }
0x87: {  	_ =	shalt  }
.Lfunc_end0:
.L_simem_size_0:
called_computation.3_lowered:
.L_overlay_start_0:
0x88: {  	s2 =	sld [smem:$0x3FD9]  }
0x89: {  	s3 =	sld [smem:$0x3FFE];
	_ =	sdelay $0x1  }
0x8a: {  	s1 =	srdreg.scid  }
0x8b: {  	s0 =	sand.u32 $0x1, s1  }
0x8c: {  	s14 =	sshll.u32 s0, $0xA;
	s2 =	sadd.s32 s3, s2  }
0x8d: {  	s2 =	sadd.s32 s2, s14  }
0x8e: {  	[smem:$0x3FC0] =	sst s2  }
0x8f: {  	_ = 	snop  }
0x90: {  	s2 =	sld [smem:$0x3FD0];
	_ =	sdelay $0x2  }
0x91: {  	s15 =	simm.s32 $0xA;
	s4 =	simm.s32 $0x10  }
0x92: {  	[smem:s4], [sflag:s15] =	dma.local [hbm:s2], $0x1  }
0x93: {  	_ =	swait.eq [sflag:s15], $0x1  }
0x94: {  	[sflag:s15] =	ssyncset.done $0x0  }
0x95: {  	s16 =	sld [smem:$0x10];
	[sflag:s15] =	ssyncadd.s32 $0xFFFFFFFF  }
0x96: {  	s17 =	sld [smem:$0x11];
	(tm) =	ssettm $0x1  }
0x97: {  	s18 =	sld [smem:$0x3FFB];
	_ =	sdelay $0x3  }
0x98: {  	_ =	strace s18  }
0x99: {  	s4 =	sld [smem:$0x3FFC];
	_ =	sdelay $0x3  }
0x9a: {  	_ =	strace s4  }
0x9b: {  	s4 =	sld [smem:$0x3FFD];
	_ =	sdelay $0x3  }
0x9c: {  	_ =	strace s4  }
0x9d: {  	_ =	strace $0x8FFFFFFF  }
0x9e: {  	s19 =	sld [smem:$0x3FDB];
	_ =	sdelay $0x1  }
0x9f: {  	s5 =	simm.s32 $_scs_section_size  }
0xa0: {  	s6 =	simm.s32 $_size__tile_overlayer_lowered;
	s7 =	simm.s32 $_tile_overlayer_lowered  }
0xa1: {  	s22 =	simm.s32 $0x1BFF;
	s21 =	sshll.u32 s7, $0x1;
	s4 =	sadd.s32 s5, s19  }
0xa2: {  	s8 =	simm.s32 $0x0;
	s20 =	sshll.u32 s6, $0x1;
	s6 =	sadd.s32 s21, s4  }
0xa3: {  	[timem:s8], [sflag:s22] =	dma.local [hbm:s6], s20  }
0xa4: {  	_ =	swait.ge [sflag:s22], s20  }
0xa5: {  	s5 =	ssub.s32 $0x0, s20;
	[sflag:s22] =	ssyncset.done $0x0  }
0xa6: {  	[sflag:s22] =	ssyncadd.s32 s5;
	_ =	sdelay $0x1  }
0xa7: {  	s23 =	simm.s32 $0x1B8B  }
0xa8: {  	_ =	swait.ge [sflag:s23], $0x1  }
0xa9: {  	[sflag:s23] =	ssyncset.done $0x0  }
0xaa: {  	s25 =	simm.s32 $0x1B8E;
	s24 =	sld [smem:$0x3FFE];
	[sflag:s23] =	ssyncadd.s32 $0xFFFFFFFF  }
0xab: {  	s26 =	simm.s32 $execute0_lowered;
	[smem:$0x3FD2] =	sst s25  }
0xac: {  	s6 =	sshll.u32 s26, $0x1;
	_ =	strace $0x8000004C;
	[dreg:$0x1] =	wrdreg $0xFFFFFFFF  }
0xad: {  	s28 =	simm.s32 $_size_execute0_lowered;
	s4 =	sadd.s32 s4, s6;
	[dreg:$0x0] =	wrdreg $0x0  }
0xae: {  	s6 =	sshll.u32 s28, $0x1;
	[dreg:$0x2] =	wrdreg s4  }
0xaf: {  	[dreg:$0x3] =	wrdreg s6  }
0xb0: {  	[dreg:$0x4] =	wrdreg $0xC0  }
0xb1: {  	_ =	task [dreg:s8], $0x5FFFF  }
0xb2: {  	[dreg:$0x1] =	wrdreg $0xFFFFFFFF  }
0xb3: {  	[dreg:$0x0] =	wrdreg $0x60  }
0xb4: {  	[dreg:$0x2] =	wrdreg s24  }
0xb5: {  	[dreg:$0x3] =	wrdreg s17  }
0xb6: {  	[dreg:$0x4] =	wrdreg s16  }
0xb7: {  	[dreg:$0x5] =	wrdreg $0x9  }
0xb8: {  	_ =	task.clear_ibuf [dreg:s8], $0x6FFFF;
	_ =	strace $0x9000004C  }
0xb9: {  	s29 =	simm.s32 $0x9;
	_ =	strace $0x8000004E  }
0xba: {  	_ =	swait.ge [sflag:s29], $0x1  }
0xbb: {  	[sflag:s29] =	ssyncadd.s32 $0xFFFFFFFF  }
0xbc: {  	_ =	strace $0x9000004E  }
0xbd: {  	_ =	sfence  }
0xbe: {  	s30 =	sld [smem:$0x0];
	_ =	sdelay $0x2  }
0xbf: {  	s31 =	sshll.u32 s1, $0xD;
	s1 =	sshrl.u32 s1, $0x2  }
0xc0: {  	s3 =	sand.u32 $0x4000, s31;
	s1 =	sadd.s32 s1, s30  }
0xc1: {  	s0 =	sor.u32 s3, s0;
	s1 =	sshll.u32 s1, $0x11  }
0xc2: {  	s0 =	sor.u32 s1, s0  }
0xc3: {  	s0 =	sadd.s32 $0x8F2B, s0  }
0xc4: {  	[sflag:s0] =	ssyncadd.remote.s32 $0x1  }
0xc5: {  	_ =	sfence.sel $0xFFFF  }
0xc6: {  	[dreg:$0x0] =	wrdreg $0xFFFFFFFF;
	(pc) =	sbr.abs _section_cstart, $3  }
0xc7: {  	[dreg:$0x1] =	wrdreg $0xFFFFFFFF  }
0xc8: {  	_ =	task.clear_ibuf [dreg:s8], $0x2FFFF;
	_ =	strace $0x9FFFFFFF  }
0xc9: {  	(tm) =	ssettm $0x7FFFFFFF  }
tec
execute0_lowered:
.L_overlay_start_1:
0x0: {  	(tag) =	ssettag $0x1  }
0x1: {  	s4 =	rddreg [dreg:$0x0]  }
0x2: {  	s1 =	rddreg [dreg:$0x1]  }
0x3: {  	s2 =	rddreg [dreg:$0x2]  }
0x4: {  	s0 =	rddreg [dreg:$0x3]  }
0x5: {  	s3 =	simm.s32 $0x0;
	s5 =	srdreg.scid;
	s11 =	simm.s32 $0x10A80  }
0x6: {  	s12 =	simm.s32 $0xA80;
	s13 =	simm.s32 $0xA00;
	s14 =	simm.s32 $0x200  }
0x7: {  	s15 =	simm.s32 $0x600;
	s16 =	simm.s32 $0x0;
	[smem:$0x7FF] =	sst s3  }
.Ltmp0:
0x8: {  	s8 =	sand.u32 $0x1, s5;
	s5 =	sadd.s32 $0x8A4400, s4;
	(pc) =	sbr.rel .LBB2_1-.Ltmp0, $4  }
0x9: {  	v0 =	vlaneseq.u32;
	s6 =	sadd.s32 $0xA4400, s4;
	s7 =	sadd.s32 $0xC4400, s4;
	s9 =	ssub.s32 $0x2, s8  }
0xa: {  	v1 =	vimm.f32 $+Inf;
	v2 =	vimm.s32 $0x0;
	s4 =	stileid.u32;
	v3 =	vor.u32 $0x10, v0;
	_ =	strace $0x8000004D;
	s10 =	sshrl.u32 s9, $0x1  }
0xb: {  	v4 =	vor.u32 $0x20, v0;
	v5 =	vor.u32 $0x30, v0;
	v6 =	vor.u32 $0x40, v0;
	s31 =	sshll.u32 s4, $0x9;
	s8 =	sshll.u32 s8, $0x8;
	s9 =	ssub.s32 s9, s10  }
0xc: {  	v7 =	vor.u32 $0x50, v0;
	v8 =	vor.u32 $0x60, v0;
	v9 =	vor.u32 $0x70, v0;
	s8 =	sor.u32 s8, s31;
	s10 =	simm.s32 $0x1;
	s9 =	smax.u32 s9, $0x1  }
.LBB2_11:
0xd: {  	s16 =	sadd.s32 $0x1, s16  }
0xe: {  	p0 =	sne.s32 s16, s9  }
.Ltmp1:
0xf: {  	_ = 	snop;
	(pc) =	sbr.rel @!p0 .LBB2_12-.Ltmp1, $1  }
0x10: {  	_ =	sdelay $0x3  }
.LBB2_1:
.Ltmp2:
0x11: {  	(pc) =	sbr.rel .LBB2_2-.Ltmp2, $2  }
0x12: {  	_ =	sdelay $0x2  }
0x13: {  	s17 =	simm.s32 $0x0  }
.LBB2_10:
0x14: {  	s18 =	sshll.u32 s18, $0x4  }
0x15: {  	s19 =	sadd.s32 s6, s18  }
0x16: {  	[hbm4b:s19+s3] =	stream.linear.scatter [tilespmem:s14], [sflag:$0x1], $0x400, $0x38;
	[tilespmem:$0x10B00] =	vst v63  }
0x17: {  	s17 =	sadd.s32 $0x1, s17;
	_ =	swait.ge [sflag:s10], $0x400  }
0x18: {  	p0 =	sne.s32 s17, $0x20;
	[sflag:s10] =	ssyncset.done $0x0  }
.Ltmp3:
0x19: {  	s18 =	sadd.s32 s7, s18;
	[sflag:s10] =	ssyncadd.s32 $0xFFFFFC00;
	(pc) =	sbr.rel @!p0 .LBB2_11-.Ltmp3, $4  }
0x1a: {  	[hbm4b:s18+s3] =	stream.linear.scatter [tilespmem:s15], [sflag:$0x1], $0x400, $0x38;
	[tilespmem:$0x10B00] =	vst v63  }
0x1b: {  	_ =	swait.ge [sflag:s10], $0x400  }
0x1c: {  	[sflag:s10] =	ssyncset.done $0x0  }
0x1d: {  	[sflag:s10] =	ssyncadd.s32 $0xFFFFFC00  }
.LBB2_2:
0x1e: {  	s18 =	sshll.u32 s17, $0x3  }
0x1f: {  	s18 =	sadd.s32 s8, s18  }
0x20: {  	s19 =	sshll.u32 s18, $0x3  }
0x21: {  	s20 =	sadd.s32 s1, s19;
	s19 =	simm.s32 $0x0  }
0x22: {  	[tilespmem:s19], [sflag:$0x1] =	stream.linear.gather [hbm4b:s20+s19], $0x200, $0x38;
	[tilespmem:$0x10B00] =	vst v63  }
0x23: {  	_ =	swait.ge [sflag:s10], $0x200  }
0x24: {  	s30 =	sshrl.u32 s18, $0x3;
	[sflag:s10] =	ssyncset.done $0x0  }
0x25: {  	s20 =	sadd.s32 s2, s30;
	[sflag:s10] =	ssyncadd.s32 $0xFFFFFE00  }
0x26: {  	[tilespmem:s11], [sflag:$0x1] =	stream.linear.gather [hbm4b:s20+s19], $0x8, $0x38;
	[tilespmem:$0x10B00] =	vst v63  }
0x27: {  	_ =	swait.ge [sflag:s10], $0x8  }
0x28: {  	s31 =	sshll.u32 s18, $0xA;
	[sflag:s10] =	ssyncset.done $0x0  }
.Ltmp4:
0x29: {  	s20 =	sadd.s32 s5, s31;
	[sflag:s10] =	ssyncadd.s32 $0xFFFFFFF8;
	(pc) =	sbr.rel .LBB2_3-.Ltmp4, $4  }
0x2a: {  	[tilespmem:s12], [sflag:$0x1] =	stream.linear.gather [hbm4b:s20+s19], $0x10000, $0x38;
	[tilespmem:$0x10B00] =	vst v63  }
0x2b: {  	_ =	swait.ge [sflag:s10], $0x10000  }
0x2c: {  	[sflag:s10] =	ssyncset.done $0x0  }
0x2d: {  	[sflag:s10] =	ssyncadd.s32 $0xFFFF0000  }
.LBB2_5:
0x2e: {  	_ = 	snop  }
.LBB2_8:
0x2f: {  	_ =	sdelay $0x3  }
0x30: {  	s21 =	spop (v2sf)  }
0x31: {  	s21 =	sshll.u32 s21, $0x7  }
0x32: {  	v13 =	vld.idx.msk [tilespmem:v12+s21+$0x0 ss:$0x1], $0xffff;
	_ =	sdelay $0x4  }
0x33: {  	vm0 =	vle.f32 v13, v11  }
0x34: {  	v14 =	vsel vm0, $0x1, v2  }
0x35: {  	(xrf0) =	vadd.scan.msk.s32 $0xffff, v14  }
0x36: {  	p1 =	por !p2, !p0  }
0x37: {  	s24 =	simm.s32 @p1 $0x70  }
0x38: {  	s20 =	smov.u32 @p0 s24  }
0x39: {  	v47 =	vor.u32 s21, v0;
	[tilespmem:v10+s20+$0x200 ss:$0x1] =	vst.idx.msk vm0, v13  }
0x3a: {  	[tilespmem:v10+s20+$0x600 ss:$0x1] =	vst.idx.msk vm0, v47  }
0x3b: {  	v13 =	vld.idx.msk [tilespmem:v12+s21+$0x10 ss:$0x1], $0xffff;
	v48, _, _ =	vpop (xrf0)  }
0x3c: {  	(v2sf) =	vpush v48, $0xF;
	_ =	sdelay $0x3  }
0x3d: {  	vm9 =	vle.f32 v13, v11  }
0x3e: {  	v49 =	vsel vm9, $0x1, v2  }
0x3f: {  	(xrf0) =	vadd.scan.msk.s32 $0xffff, v49;
	_ =	sdelay $0x5  }
0x40: {  	v14, _, _ =	vpop (xrf0)  }
0x41: {  	(v2sf) =	vpush v14, $0xF;
	_ =	sdelay $0x1  }
0x42: {  	s22 =	spop (v2sf)  }
0x43: {  	s20 =	sadd.s32 s20, s22  }
0x44: {  	p0 =	slt.s32 s20, $0x70  }
0x45: {  	s20 =	simm.s32 @!p0 $0x70  }
0x46: {  	v50 =	vor.u32 s21, v3;
	[tilespmem:v10+s20+$0x200 ss:$0x1] =	vst.idx.msk vm9, v13  }
0x47: {  	[tilespmem:v10+s20+$0x600 ss:$0x1] =	vst.idx.msk vm9, v50  }
0x48: {  	v13 =	vld.idx.msk [tilespmem:v12+s21+$0x20 ss:$0x1], $0xffff;
	_ =	sdelay $0x4  }
0x49: {  	vm10 =	vle.f32 v13, v11  }
0x4a: {  	v51 =	vsel vm10, $0x1, v2  }
0x4b: {  	s24 =	spop (v2sf);
	(xrf0) =	vadd.scan.msk.s32 $0xffff, v51  }
0x4c: {  	s20 =	sadd.s32 s20, s24  }
0x4d: {  	p0 =	slt.s32 s20, $0x70  }
0x4e: {  	s20 =	simm.s32 @!p0 $0x70  }
0x4f: {  	v52 =	vor.u32 s21, v4;
	[tilespmem:v10+s20+$0x200 ss:$0x1] =	vst.idx.msk vm10, v13  }
0x50: {  	[tilespmem:v10+s20+$0x600 ss:$0x1] =	vst.idx.msk vm10, v52  }
0x51: {  	v13 =	vld.idx.msk [tilespmem:v12+s21+$0x30 ss:$0x1], $0xffff;
	v53, _, _ =	vpop (xrf0)  }
0x52: {  	(v2sf) =	vpush v53, $0xF;
	_ =	sdelay $0x3  }
0x53: {  	vm11 =	vle.f32 v13, v11  }
0x54: {  	v54 =	vsel vm11, $0x1, v2  }
0x55: {  	(xrf0) =	vadd.scan.msk.s32 $0xffff, v54;
	_ =	sdelay $0x5  }
0x56: {  	v14, _, _ =	vpop (xrf0)  }
0x57: {  	(v2sf) =	vpush v14, $0xF;
	_ =	sdelay $0x1  }
0x58: {  	s25 =	spop (v2sf)  }
0x59: {  	s20 =	sadd.s32 s20, s25  }
0x5a: {  	p0 =	slt.s32 s20, $0x70  }
0x5b: {  	s20 =	simm.s32 @!p0 $0x70  }
0x5c: {  	v55 =	vor.u32 s21, v5;
	[tilespmem:v10+s20+$0x200 ss:$0x1] =	vst.idx.msk vm11, v13  }
0x5d: {  	[tilespmem:v10+s20+$0x600 ss:$0x1] =	vst.idx.msk vm11, v55  }
0x5e: {  	v13 =	vld.idx.msk [tilespmem:v12+s21+$0x40 ss:$0x1], $0xffff;
	_ =	sdelay $0x4  }
0x5f: {  	vm12 =	vle.f32 v13, v11  }
0x60: {  	v56 =	vsel vm12, $0x1, v2  }
0x61: {  	s26 =	spop (v2sf);
	(xrf0) =	vadd.scan.msk.s32 $0xffff, v56  }
0x62: {  	s20 =	sadd.s32 s20, s26  }
0x63: {  	p0 =	slt.s32 s20, $0x70  }
0x64: {  	s20 =	simm.s32 @!p0 $0x70  }
0x65: {  	v57 =	vor.u32 s21, v6;
	[tilespmem:v10+s20+$0x200 ss:$0x1] =	vst.idx.msk vm12, v13  }
0x66: {  	[tilespmem:v10+s20+$0x600 ss:$0x1] =	vst.idx.msk vm12, v57  }
0x67: {  	v13 =	vld.idx.msk [tilespmem:v12+s21+$0x50 ss:$0x1], $0xffff;
	v58, _, _ =	vpop (xrf0)  }
0x68: {  	(v2sf) =	vpush v58, $0xF;
	_ =	sdelay $0x3  }
0x69: {  	vm13 =	vle.f32 v13, v11  }
0x6a: {  	v59 =	vsel vm13, $0x1, v2  }
0x6b: {  	(xrf0) =	vadd.scan.msk.s32 $0xffff, v59;
	_ =	sdelay $0x5  }
0x6c: {  	v14, _, _ =	vpop (xrf0)  }
0x6d: {  	(v2sf) =	vpush v14, $0xF;
	_ =	sdelay $0x1  }
0x6e: {  	s28 =	spop (v2sf)  }
0x6f: {  	s20 =	sadd.s32 s20, s28  }
0x70: {  	p0 =	slt.s32 s20, $0x70  }
0x71: {  	s20 =	simm.s32 @!p0 $0x70  }
0x72: {  	v60 =	vor.u32 s21, v7;
	[tilespmem:v10+s20+$0x200 ss:$0x1] =	vst.idx.msk vm13, v13  }
0x73: {  	[tilespmem:v10+s20+$0x600 ss:$0x1] =	vst.idx.msk vm13, v60  }
0x74: {  	v13 =	vld.idx.msk [tilespmem:v12+s21+$0x60 ss:$0x1], $0xffff;
	_ =	sdelay $0x4  }
0x75: {  	vm14 =	vle.f32 v13, v11;
	_ =	sdelay $0x1  }
0x76: {  	s29 =	spop (v2sf)  }
0x77: {  	s20 =	sadd.s32 s20, s29  }
0x78: {  	p0 =	slt.s32 s20, $0x70  }
0x79: {  	s20 =	simm.s32 @!p0 $0x70  }
0x7a: {  	v61 =	vor.u32 s21, v8;
	[tilespmem:v10+s20+$0x200 ss:$0x1] =	vst.idx.msk vm14, v13  }
0x7b: {  	[tilespmem:v10+s20+$0x600 ss:$0x1] =	vst.idx.msk vm14, v61  }
0x7c: {  	v62 =	vld.idx.msk [tilespmem:v12+s21+$0x70 ss:$0x1], $0xffff;
	_ =	sdelay $0x1  }
0x7d: {  	v63 =	vsel vm14, $0x1, v2  }
0x7e: {  	(xrf0) =	vadd.scan.msk.s32 $0xffff, v63;
	_ =	sdelay $0x1  }
0x7f: {  	vm15 =	vle.f32 v62, v11  }
0x80: {  	v11 =	vsel vm15, $0x1, v2;
	_ =	sdelay $0x1  }
0x81: {  	(xrf0) =	vadd.scan.msk.s32 $0xffff, v11  }
0x82: {  	v11, _, _ =	vpop (xrf0)  }
0x83: {  	(v2sf) =	vpush v11, $0xF;
	_ =	sdelay $0x3  }
0x84: {  	v11, _, _ =	vpop (xrf0)  }
0x85: {  	(v2sf) =	vpush v11, $0xF;
	_ =	sdelay $0x9  }
0x86: {  	s30 =	spop (v2sf)  }
0x87: {  	s20 =	sadd.s32 s20, s30  }
0x88: {  	p0 =	slt.s32 s20, $0x70  }
0x89: {  	s20 =	simm.s32 @!p0 $0x70  }
0x8a: {  	v11 =	vor.u32 s21, v9;
	[tilespmem:v10+s20+$0x200 ss:$0x1] =	vst.idx.msk vm15, v62  }
0x8b: {  	s31 =	spop (v2sf);
	[tilespmem:v10+s20+$0x600 ss:$0x1] =	vst.idx.msk vm15, v11  }
.LBB2_9:
0x8c: {  	s19 =	sadd.s32 $0x1, s19  }
0x8d: {  	p0 =	sne.s32 s19, $0x8  }
.Ltmp5:
0x8e: {  	_ = 	snop;
	(pc) =	sbr.rel @!p0 .LBB2_10-.Ltmp5, $1  }
0x8f: {  	_ =	sdelay $0x3  }
.LBB2_3:
0x90: {  	s21 =	sshll.u32 s19, $0x7  }
0x91: {  	[tilespmem:s21+$0x200] =	vst v1  }
0x92: {  	[tilespmem:s21+$0x600] =	vst v2  }
0x93: {  	[tilespmem:s21+$0x210] =	vst v1  }
0x94: {  	[tilespmem:s21+$0x610] =	vst v2  }
0x95: {  	[tilespmem:s21+$0x220] =	vst v1  }
0x96: {  	[tilespmem:s21+$0x620] =	vst v2  }
0x97: {  	[tilespmem:s21+$0x230] =	vst v1  }
0x98: {  	[tilespmem:s21+$0x630] =	vst v2  }
0x99: {  	[tilespmem:s21+$0x240] =	vst v1  }
0x9a: {  	[tilespmem:s21+$0x640] =	vst v2  }
0x9b: {  	[tilespmem:s21+$0x250] =	vst v1  }
0x9c: {  	[tilespmem:s21+$0x650] =	vst v2  }
0x9d: {  	[tilespmem:s21+$0x260] =	vst v1  }
0x9e: {  	[tilespmem:s21+$0x660] =	vst v2  }
0x9f: {  	[tilespmem:s21+$0x270] =	vst v1  }
0xa0: {  	[tilespmem:s21+$0x670] =	vst v2  }
0xa1: {  	v10 =	vld [tilespmem:s19+$0x10A80];
	_ =	sdelay $0x4  }
0xa2: {  	(v2sf) =	vpush v10, $0x0;
	_ =	sdelay $0xe  }
0xa3: {  	s20 =	spop (v2sf)  }
0xa4: {  	s23 =	sshll.u32 s19, $0x6;
	s22 =	sand.u32 $0x7FFFFFFF, s20  }
0xa5: {  	s23 =	sand.u32 $0x3FFFFFC0, s23;
	s22 =	smul.f32 $9.999999740e-06, s22  }
0xa6: {  	v10 =	vld [tilespmem:s23+$0x0]  }
0xa7: {  	s22 =	sadd.f32 $2.999999920e-05, s22;
	_ =	sdelay $0x1  }
0xa8: {  	s20 =	sadd.f32 s22, s20;
	_ =	sdelay $0x1  }
0xa9: {  	vm0 =	vle.f32 v10, s20  }
0xaa: {  	[tilespmem:s13+$0x0] =	vst.msk vm0, v0  }
0xab: {  	v11 =	vld [tilespmem:s23+$0x10];
	_ =	sdelay $0x1  }
0xac: {  	v10 =	vsel vm0, $0x1, v2  }
0xad: {  	(xrf0) =	vadd.scan.msk.s32 $0xffff, v10;
	_ =	sdelay $0x1  }
0xae: {  	vm13 =	vle.f32 v11, s20  }
0xaf: {  	v10 =	vsel vm13, $0x1, v2;
	_ =	sdelay $0x2  }
0xb0: {  	(xrf0) =	vadd.scan.msk.s32 $0xffff, v10;
	v10, _, _ =	vpop (xrf0)  }
0xb1: {  	(v2sf) =	vpush v10, $0xF;
	_ =	sdelay $0x4  }
0xb2: {  	v10, _, _ =	vpop (xrf0)  }
0xb3: {  	(v2sf) =	vpush v10, $0xF;
	_ =	sdelay $0x8  }
0xb4: {  	s29 =	spop (v2sf)  }
0xb5: {  	[tilespmem:s29+$0xA00] =	vst.msk vm13, v3  }
0xb6: {  	v10 =	vld [tilespmem:s23+$0x20];
	_ =	sdelay $0x3  }
0xb7: {  	s24 =	spop (v2sf)  }
0xb8: {  	s22 =	sadd.s32 s29, s24;
	vm14 =	vle.f32 v10, s20  }
0xb9: {  	[tilespmem:s22+$0xA00] =	vst.msk vm14, v4  }
0xba: {  	v10 =	vld [tilespmem:s23+$0x30];
	_ =	sdelay $0x4  }
0xbb: {  	v11 =	vsel vm14, $0x1, v2;
	vm15 =	vle.f32 v10, s20  }
0xbc: {  	(xrf0) =	vadd.scan.msk.s32 $0xffff, v11;
	v10 =	vsel vm15, $0x1, v2  }
0xbd: {  	(xrf0) =	vadd.scan.msk.s32 $0xffff, v10;
	_ =	sdelay $0x4  }
0xbe: {  	v10, _, _ =	vpop (xrf0)  }
0xbf: {  	(v2sf) =	vpush v10, $0xF;
	v10, _, _ =	vpop (xrf0)  }
0xc0: {  	(v2sf) =	vpush v10, $0xF;
	_ =	sdelay $0xd  }
0xc1: {  	s30 =	spop (v2sf)  }
0xc2: {  	s23 =	sadd.s32 s22, s30;
	s31 =	spop (v2sf)  }
0xc3: {  	s22 =	sadd.s32 s23, s31  }
0xc4: {  	p0 =	slt.s32 s22, $0x1  }
.Ltmp6:
0xc5: {  	_ = 	snop;
	(pc) =	sbr.rel @p0 .LBB2_9-.Ltmp6, $2  }
0xc6: {  	_ =	sdelay $0x2  }
0xc7: {  	[tilespmem:s23+$0xA00] =	vst.msk vm15, v5  }
0xc8: {  	s23 =	simm.s32 $0xA00  }
0xc9: {  	v13 =	vld [tilespmem:s23+$0x0];
	_ =	sdelay $0x4  }
0xca: {  	(v2sf) =	vpush v13, $0x0;
	_ =	sdelay $0x4  }
0xcb: {  	p1 =	sne.s32 s22, $0x1  }
.Ltmp7:
0xcc: {  	_ = 	snop;
	(pc) =	sbr.rel @!p1 .LBB2_5-.Ltmp7, $4  }
0xcd: {  	s31 =	sshll.u32 s19, $0xD  }
0xce: {  	s23 =	sand.u32 $0x3FFFE000, s31  }
0xcf: {  	s23 =	sor.u32 $0xA80, s23  }
0xd0: {  	v11 =	vmov s20;
	s20 =	simm.s32 $0x0;
	v10 =	vmov s21;
	s22 =	sadd.s32 $0xFFFFFFFF, s22;
	p0 =	por $0x0, $0x0;
	v12 =	vmov s23  }
0xd1: {  	_ =	sdelay $0x3  }
0xd2: {  	s21 =	spop (v2sf)  }
0xd3: {  	s21 =	sshll.u32 s21, $0x7  }
0xd4: {  	v13 =	vld.idx.msk [tilespmem:v12+s21+$0x0 ss:$0x1], $0xffff;
	_ =	sdelay $0x4  }
0xd5: {  	vm0 =	vle.f32 v13, v11  }
0xd6: {  	v14 =	vsel vm0, $0x1, v2  }
0xd7: {  	(xrf0) =	vadd.scan.msk.s32 $0xffff, v14;
	_ =	sdelay $0x2  }
0xd8: {  	v14 =	vor.u32 s21, v0;
	_ =	sdelay $0x1  }
0xd9: {  	[tilespmem:v10+s20+$0x200 ss:$0x1] =	vst.idx.msk vm0, v13  }
0xda: {  	[tilespmem:v10+s20+$0x600 ss:$0x1] =	vst.idx.msk vm0, v14;
	v14, _, _ =	vpop (xrf0)  }
0xdb: {  	v13 =	vld.idx.msk [tilespmem:v12+s21+$0x10 ss:$0x1], $0xffff;
	(v2sf) =	vpush v14, $0xF;
	_ =	sdelay $0x4  }
0xdc: {  	vm9 =	vle.f32 v13, v11  }
0xdd: {  	v14 =	vsel vm9, $0x1, v2  }
0xde: {  	(xrf0) =	vadd.scan.msk.s32 $0xffff, v14;
	_ =	sdelay $0x5  }
0xdf: {  	v14, _, _ =	vpop (xrf0)  }
0xe0: {  	(v2sf) =	vpush v14, $0xF  }
0xe1: {  	s23 =	spop (v2sf)  }
0xe2: {  	s23 =	sadd.s32 $0x0, s23  }
0xe3: {  	p0 =	slt.s32 s23, $0x70  }
0xe4: {  	s23 =	simm.s32 @!p0 $0x70  }
0xe5: {  	v14 =	vor.u32 s21, v3;
	[tilespmem:v10+s23+$0x200 ss:$0x1] =	vst.idx.msk vm9, v13  }
0xe6: {  	[tilespmem:v10+s23+$0x600 ss:$0x1] =	vst.idx.msk vm9, v14  }
0xe7: {  	v13 =	vld.idx.msk [tilespmem:v12+s21+$0x20 ss:$0x1], $0xffff;
	_ =	sdelay $0x4  }
0xe8: {  	vm10 =	vle.f32 v13, v11  }
0xe9: {  	v14 =	vsel vm10, $0x1, v2  }
0xea: {  	(xrf0) =	vadd.scan.msk.s32 $0xffff, v14  }
0xeb: {  	s24 =	spop (v2sf)  }
0xec: {  	s23 =	sadd.s32 s23, s24  }
0xed: {  	v14 =	vor.u32 s21, v4;
	p0 =	slt.s32 s23, $0x70  }
0xee: {  	s23 =	simm.s32 @!p0 $0x70  }
0xef: {  	[tilespmem:v10+s23+$0x200 ss:$0x1] =	vst.idx.msk vm10, v13  }
0xf0: {  	[tilespmem:v10+s23+$0x600 ss:$0x1] =	vst.idx.msk vm10, v14;
	v14, _, _ =	vpop (xrf0)  }
0xf1: {  	v13 =	vld.idx.msk [tilespmem:v12+s21+$0x30 ss:$0x1], $0xffff;
	(v2sf) =	vpush v14, $0xF;
	_ =	sdelay $0x4  }
0xf2: {  	vm11 =	vle.f32 v13, v11  }
0xf3: {  	v14 =	vsel vm11, $0x1, v2  }
0xf4: {  	(xrf0) =	vadd.scan.msk.s32 $0xffff, v14;
	_ =	sdelay $0x5  }
0xf5: {  	v14, _, _ =	vpop (xrf0)  }
0xf6: {  	(v2sf) =	vpush v14, $0xF  }
0xf7: {  	s25 =	spop (v2sf)  }
0xf8: {  	s23 =	sadd.s32 s23, s25  }
0xf9: {  	p0 =	slt.s32 s23, $0x70  }
0xfa: {  	s23 =	simm.s32 @!p0 $0x70  }
0xfb: {  	v14 =	vor.u32 s21, v5;
	[tilespmem:v10+s23+$0x200 ss:$0x1] =	vst.idx.msk vm11, v13  }
0xfc: {  	[tilespmem:v10+s23+$0x600 ss:$0x1] =	vst.idx.msk vm11, v14  }
0xfd: {  	v13 =	vld.idx.msk [tilespmem:v12+s21+$0x40 ss:$0x1], $0xffff;
	_ =	sdelay $0x4  }
0xfe: {  	vm12 =	vle.f32 v13, v11  }
0xff: {  	v14 =	vsel vm12, $0x1, v2  }
0x100: {  	(xrf0) =	vadd.scan.msk.s32 $0xffff, v14  }
0x101: {  	s26 =	spop (v2sf)  }
0x102: {  	s23 =	sadd.s32 s23, s26  }
0x103: {  	v14 =	vor.u32 s21, v6;
	p0 =	slt.s32 s23, $0x70  }
0x104: {  	s23 =	simm.s32 @!p0 $0x70  }
0x105: {  	[tilespmem:v10+s23+$0x200 ss:$0x1] =	vst.idx.msk vm12, v13  }
0x106: {  	[tilespmem:v10+s23+$0x600 ss:$0x1] =	vst.idx.msk vm12, v14;
	v14, _, _ =	vpop (xrf0)  }
0x107: {  	v13 =	vld.idx.msk [tilespmem:v12+s21+$0x50 ss:$0x1], $0xffff;
	(v2sf) =	vpush v14, $0xF;
	_ =	sdelay $0x4  }
0x108: {  	vm13 =	vle.f32 v13, v11  }
0x109: {  	v14 =	vsel vm13, $0x1, v2  }
0x10a: {  	(xrf0) =	vadd.scan.msk.s32 $0xffff, v14;
	_ =	sdelay $0x5  }
0x10b: {  	v14, _, _ =	vpop (xrf0)  }
0x10c: {  	(v2sf) =	vpush v14, $0xF  }
0x10d: {  	s28 =	spop (v2sf)  }
0x10e: {  	s23 =	sadd.s32 s23, s28  }
0x10f: {  	p0 =	slt.s32 s23, $0x70  }
0x110: {  	s23 =	simm.s32 @!p0 $0x70  }
0x111: {  	v14 =	vor.u32 s21, v7;
	[tilespmem:v10+s23+$0x200 ss:$0x1] =	vst.idx.msk vm13, v13  }
0x112: {  	[tilespmem:v10+s23+$0x600 ss:$0x1] =	vst.idx.msk vm13, v14  }
0x113: {  	v13 =	vld.idx.msk [tilespmem:v12+s21+$0x60 ss:$0x1], $0xffff;
	_ =	sdelay $0x4  }
0x114: {  	vm14 =	vle.f32 v13, v11  }
0x115: {  	v14 =	vsel vm14, $0x1, v2  }
0x116: {  	(xrf0) =	vadd.scan.msk.s32 $0xffff, v14  }
0x117: {  	s29 =	spop (v2sf)  }
0x118: {  	s23 =	sadd.s32 s23, s29  }
0x119: {  	v14 =	vor.u32 s21, v8;
	p0 =	slt.s32 s23, $0x70  }
0x11a: {  	s23 =	simm.s32 @!p0 $0x70  }
0x11b: {  	[tilespmem:v10+s23+$0x200 ss:$0x1] =	vst.idx.msk vm14, v13  }
0x11c: {  	[tilespmem:v10+s23+$0x600 ss:$0x1] =	vst.idx.msk vm14, v14;
	v14, _, _ =	vpop (xrf0)  }
0x11d: {  	(v2sf) =	vpush v14, $0xF;
	_ =	sdelay $0x4  }
0x11e: {  	v13 =	vld.idx.msk [tilespmem:v12+s21+$0x70 ss:$0x1], $0xffff;
	_ =	sdelay $0x4  }
0x11f: {  	vm15 =	vle.f32 v13, v11  }
0x120: {  	v14 =	vsel vm15, $0x1, v2  }
0x121: {  	(xrf0) =	vadd.scan.msk.s32 $0xffff, v14;
	_ =	sdelay $0x2  }
0x122: {  	s30 =	spop (v2sf)  }
0x123: {  	s23 =	sadd.s32 s23, s30  }
0x124: {  	p0 =	slt.s32 s23, $0x70  }
0x125: {  	v14, _, _ =	vpop (xrf0);
	s23 =	simm.s32 @!p0 $0x70  }
0x126: {  	(v2sf) =	vpush v14, $0xF;
	v14 =	vor.u32 s21, v9;
	[tilespmem:v10+s23+$0x200 ss:$0x1] =	vst.idx.msk vm15, v13  }
0x127: {  	s21 =	simm.s32 $0xA01;
	[tilespmem:v10+s23+$0x600 ss:$0x1] =	vst.idx.msk vm15, v14  }
0x128: {  	v13 =	vld [tilespmem:s21+$0x0];
	_ =	sdelay $0x4  }
0x129: {  	(v2sf) =	vpush v13, $0x0;
	_ =	sdelay $0x4  }
0x12a: {  	p1 =	sne.s32 s22, $0x1  }
.Ltmp8:
0x12b: {  	_ = 	snop;
	(pc) =	sbr.rel @!p1 .LBB2_8-.Ltmp8, $4  }
0x12c: {  	_ = 	snop  }
0x12d: {  	s31 =	spop (v2sf)  }
0x12e: {  	s24 =	sadd.s32 s23, s31  }
0x12f: {  	s22 =	sadd.s32 $0xFFFFFFFF, s22;
	p0 =	por $0x1, $0x1;
	p2 =	slt.s32 s24, $0x70  }
.LBB2_7:
0x130: {  	p1 =	sne.s32 s22, $0x1;
	s22 =	sadd.s32 $0xFFFFFFFF, s22;
	s24 =	simm.s32 @!p2 $0x70  }
0x131: {  	_ =	sdelay $0x7  }
0x132: {  	s23 =	spop (v2sf)  }
0x133: {  	s23 =	sshll.u32 s23, $0x7  }
0x134: {  	v13 =	vld.idx.msk [tilespmem:v12+s23+$0x0 ss:$0x1], $0xffff;
	_ =	sdelay $0x5  }
0x135: {  	vm0 =	vle.f32 v13, v11  }
0x136: {  	v14 =	vsel vm0, $0x1, v2  }
0x137: {  	(xrf0) =	vadd.scan.msk.s32 $0xffff, v14;
	_ =	sdelay $0x3  }
0x138: {  	v15 =	vor.u32 s23, v0;
	[tilespmem:v10+s24+$0x200 ss:$0x1] =	vst.idx.msk vm0, v13  }
0x139: {  	[tilespmem:v10+s24+$0x600 ss:$0x1] =	vst.idx.msk vm0, v15  }
0x13a: {  	v13 =	vld.idx.msk [tilespmem:v12+s23+$0x10 ss:$0x1], $0xffff;
	v14, _, _ =	vpop (xrf0)  }
0x13b: {  	(v2sf) =	vpush v14, $0xF;
	_ =	sdelay $0x4  }
0x13c: {  	vm0 =	vle.f32 v13, v11  }
0x13d: {  	v14 =	vsel vm0, $0x1, v2  }
0x13e: {  	(xrf0) =	vadd.scan.msk.s32 $0xffff, v14;
	_ =	sdelay $0x5  }
0x13f: {  	v14, _, _ =	vpop (xrf0)  }
0x140: {  	(v2sf) =	vpush v14, $0xF  }
0x141: {  	s25 =	spop (v2sf)  }
0x142: {  	s24 =	sadd.s32 s24, s25  }
0x143: {  	p2 =	slt.s32 s24, $0x70  }
0x144: {  	s24 =	simm.s32 @!p2 $0x70  }
0x145: {  	v14 =	vor.u32 s23, v3;
	[tilespmem:v10+s24+$0x200 ss:$0x1] =	vst.idx.msk vm0, v13  }
0x146: {  	[tilespmem:v10+s24+$0x600 ss:$0x1] =	vst.idx.msk vm0, v14  }
0x147: {  	v13 =	vld.idx.msk [tilespmem:v12+s23+$0x20 ss:$0x1], $0xffff;
	_ =	sdelay $0x5  }
0x148: {  	vm0 =	vle.f32 v13, v11  }
0x149: {  	v14 =	vsel vm0, $0x1, v2  }
0x14a: {  	s25 =	spop (v2sf);
	(xrf0) =	vadd.scan.msk.s32 $0xffff, v14  }
0x14b: {  	s24 =	sadd.s32 s24, s25  }
0x14c: {  	p2 =	slt.s32 s24, $0x70  }
0x14d: {  	s24 =	simm.s32 @!p2 $0x70  }
0x14e: {  	v15 =	vor.u32 s23, v4;
	[tilespmem:v10+s24+$0x200 ss:$0x1] =	vst.idx.msk vm0, v13  }
0x14f: {  	[tilespmem:v10+s24+$0x600 ss:$0x1] =	vst.idx.msk vm0, v15  }
0x150: {  	v13 =	vld.idx.msk [tilespmem:v12+s23+$0x30 ss:$0x1], $0xffff;
	v14, _, _ =	vpop (xrf0)  }
0x151: {  	(v2sf) =	vpush v14, $0xF;
	_ =	sdelay $0x4  }
0x152: {  	vm0 =	vle.f32 v13, v11  }
0x153: {  	v14 =	vsel vm0, $0x1, v2  }
0x154: {  	(xrf0) =	vadd.scan.msk.s32 $0xffff, v14;
	_ =	sdelay $0x5  }
0x155: {  	v14, _, _ =	vpop (xrf0)  }
0x156: {  	(v2sf) =	vpush v14, $0xF  }
0x157: {  	s25 =	spop (v2sf)  }
0x158: {  	s24 =	sadd.s32 s24, s25  }
0x159: {  	p2 =	slt.s32 s24, $0x70  }
0x15a: {  	s24 =	simm.s32 @!p2 $0x70  }
0x15b: {  	v14 =	vor.u32 s23, v5;
	[tilespmem:v10+s24+$0x200 ss:$0x1] =	vst.idx.msk vm0, v13  }
0x15c: {  	[tilespmem:v10+s24+$0x600 ss:$0x1] =	vst.idx.msk vm0, v14  }
0x15d: {  	v13 =	vld.idx.msk [tilespmem:v12+s23+$0x40 ss:$0x1], $0xffff;
	_ =	sdelay $0x5  }
0x15e: {  	vm0 =	vle.f32 v13, v11  }
0x15f: {  	v14 =	vsel vm0, $0x1, v2  }
0x160: {  	s25 =	spop (v2sf);
	(xrf0) =	vadd.scan.msk.s32 $0xffff, v14  }
0x161: {  	s24 =	sadd.s32 s24, s25  }
0x162: {  	p2 =	slt.s32 s24, $0x70  }
0x163: {  	s24 =	simm.s32 @!p2 $0x70  }
0x164: {  	v15 =	vor.u32 s23, v6;
	[tilespmem:v10+s24+$0x200 ss:$0x1] =	vst.idx.msk vm0, v13  }
0x165: {  	[tilespmem:v10+s24+$0x600 ss:$0x1] =	vst.idx.msk vm0, v15  }
0x166: {  	v13 =	vld.idx.msk [tilespmem:v12+s23+$0x50 ss:$0x1], $0xffff;
	v14, _, _ =	vpop (xrf0)  }
0x167: {  	(v2sf) =	vpush v14, $0xF;
	_ =	sdelay $0x4  }
0x168: {  	vm0 =	vle.f32 v13, v11  }
0x169: {  	v14 =	vsel vm0, $0x1, v2  }
0x16a: {  	(xrf0) =	vadd.scan.msk.s32 $0xffff, v14;
	_ =	sdelay $0x5  }
0x16b: {  	v14, _, _ =	vpop (xrf0)  }
0x16c: {  	(v2sf) =	vpush v14, $0xF  }
0x16d: {  	s25 =	spop (v2sf)  }
0x16e: {  	s24 =	sadd.s32 s24, s25  }
0x16f: {  	p2 =	slt.s32 s24, $0x70  }
0x170: {  	s24 =	simm.s32 @!p2 $0x70  }
0x171: {  	v14 =	vor.u32 s23, v7;
	[tilespmem:v10+s24+$0x200 ss:$0x1] =	vst.idx.msk vm0, v13  }
0x172: {  	[tilespmem:v10+s24+$0x600 ss:$0x1] =	vst.idx.msk vm0, v14  }
0x173: {  	v13 =	vld.idx.msk [tilespmem:v12+s23+$0x60 ss:$0x1], $0xffff;
	_ =	sdelay $0x5  }
0x174: {  	vm0 =	vle.f32 v13, v11  }
0x175: {  	v14 =	vsel vm0, $0x1, v2  }
0x176: {  	s25 =	spop (v2sf);
	(xrf0) =	vadd.scan.msk.s32 $0xffff, v14  }
0x177: {  	s24 =	sadd.s32 s24, s25  }
0x178: {  	p2 =	slt.s32 s24, $0x70  }
0x179: {  	s24 =	simm.s32 @!p2 $0x70  }
0x17a: {  	v15 =	vor.u32 s23, v8;
	[tilespmem:v10+s24+$0x200 ss:$0x1] =	vst.idx.msk vm0, v13  }
0x17b: {  	[tilespmem:v10+s24+$0x600 ss:$0x1] =	vst.idx.msk vm0, v15  }
0x17c: {  	v13 =	vld.idx.msk [tilespmem:v12+s23+$0x70 ss:$0x1], $0xffff;
	v14, _, _ =	vpop (xrf0)  }
0x17d: {  	(v2sf) =	vpush v14, $0xF;
	_ =	sdelay $0x4  }
0x17e: {  	vm0 =	vle.f32 v13, v11  }
0x17f: {  	v14 =	vsel vm0, $0x1, v2  }
0x180: {  	(xrf0) =	vadd.scan.msk.s32 $0xffff, v14;
	_ =	sdelay $0x5  }
0x181: {  	v14, _, _ =	vpop (xrf0)  }
0x182: {  	(v2sf) =	vpush v14, $0xF  }
0x183: {  	s25 =	spop (v2sf)  }
0x184: {  	s24 =	sadd.s32 s24, s25  }
0x185: {  	p2 =	slt.s32 s24, $0x70  }
0x186: {  	s24 =	simm.s32 @!p2 $0x70  }
0x187: {  	v14 =	vor.u32 s23, v9;
	[tilespmem:v10+s24+$0x200 ss:$0x1] =	vst.idx.msk vm0, v13  }
0x188: {  	s21 =	sadd.s32 $0x1, s21;
	[tilespmem:v10+s24+$0x600 ss:$0x1] =	vst.idx.msk vm0, v14  }
0x189: {  	v13 =	vld [tilespmem:s21+$0x0];
	_ =	sdelay $0x4  }
0x18a: {  	(v2sf) =	vpush v13, $0x0  }
.Ltmp9:
0x18b: {  	(pc) =	sbr.rel @p1 .LBB2_7-.Ltmp9, $4  }
0x18c: {  	_ = 	snop  }
0x18d: {  	s23 =	spop (v2sf)  }
0x18e: {  	s24 =	sadd.s32 s24, s23  }
0x18f: {  	p2 =	slt.s32 s24, $0x70  }
.Ltmp10:
0x190: {  	_ = 	snop;
	(pc) =	sbr.rel .LBB2_8-.Ltmp10, $1  }
0x191: {  	_ =	sdelay $0x3  }
.LBB2_12:
0x192: {  	_ =	sfence.sel $0x180000  }
0x193: {  	[bflag:$0x0] =	sbarrier.arrive $0xFFFF  }
0x194: {  	p0 =	sne.s32 s4, $0x0;
	_ =	strace $0x9000004D  }
0x195: {  	s0 =	sadd.s32 @!p0 $0x100000, s0;
	[bflag:$0x2] =	sbarrier.arrive $0xFFFF  }
0x196: {  	[sflag:s0] =	ssyncadd.tile.s32 @!p0 $0x1;
	_ =	shalt  }
.Lfunc_end2:
_tile_overlayer_lowered:
.L_overlay_start_2:
0x197: {  	(tag) =	ssettag $0x2  }
0x198: {  	s0 =	rddreg [dreg:$0x0];
	s2 =	stileid.u32  }
0x199: {  	s1 =	rddreg [dreg:$0x1];
	p0 =	sne.s32 s2, $0x0  }
0x19a: {  	s3 =	rddreg [dreg:$0x2];
	[bflag:$0x3] =	sbarrier.arrive $0xFFFF;
	s2 =	simm.s32 @!p0 $0x1C01  }
0x19b: {  	[timem:s3], [sflag:s2] =	dma.local @!p0 [hbm:s0], s1  }
0x19c: {  	s0 =	simm.s32 @!p0 $0x1  }
0x19d: {  	_ =	swait.ge @!p0 [sflag:s0], s1  }
0x19e: {  	s1 =	ssub.s32 @!p0 $0x0, s1;
	[sflag:s0] =	ssyncset.done @!p0 $0x0  }
0x19f: {  	[sflag:s0] =	ssyncadd.s32 @!p0 s1  }
0x1a0: {  	[bflag:$0x3] =	sbarrier.arrive $0xFFFF  }
0x1a1: {  	_ =	shalt  }

// kernel: sparse-core-data-format-call.1.cloned.1.call-start
scs
called_computation.1_lowered:
.L_overlay_start_0:
0x0: {  	s1 =	sld [smem:$0x3FD9]  }
0x1: {  	s2 =	sld [smem:$0x3FFE];
	_ =	sdelay $0x1  }
0x2: {  	s3 =	srdreg.scid  }
0x3: {  	s0 =	sand.u32 $0x1, s3  }
0x4: {  	s17 =	sshll.u32 s0, $0xA;
	s1 =	sadd.s32 s2, s1  }
0x5: {  	s1 =	sadd.s32 s1, s17  }
0x6: {  	[smem:$0x3FC0] =	sst s1  }
0x7: {  	_ = 	snop  }
0x8: {  	(tm) =	ssettm $0x1  }
0x9: {  	s18 =	sld [smem:$0x3FFB];
	_ =	sdelay $0x3  }
0xa: {  	_ =	strace s18  }
0xb: {  	s1 =	sld [smem:$0x3FFC];
	_ =	sdelay $0x3  }
0xc: {  	_ =	strace s1  }
0xd: {  	s1 =	sld [smem:$0x3FFD];
	_ =	sdelay $0x3  }
0xe: {  	_ =	strace s1  }
0xf: {  	_ =	strace $0x8FFFFFFF  }
0x10: {  	s19 =	sld [smem:$0x3FDB];
	_ =	sdelay $0x1  }
0x11: {  	s20 =	simm.s32 $_scs_section_size  }
0x12: {  	s4 =	simm.s32 $_size__tile_overlayer_lowered;
	s5 =	simm.s32 $_tile_overlayer_lowered  }
0x13: {  	s23 =	simm.s32 $0x1BFF;
	s22 =	sshll.u32 s5, $0x1;
	s1 =	sadd.s32 s20, s19  }
0x14: {  	s6 =	simm.s32 $0x0;
	s21 =	sshll.u32 s4, $0x1;
	s4 =	sadd.s32 s22, s1  }
0x15: {  	[timem:s6], [sflag:s23] =	dma.local [hbm:s4], s21  }
0x16: {  	_ =	swait.ge [sflag:s23], s21  }
0x17: {  	s2 =	ssub.s32 $0x0, s21;
	[sflag:s23] =	ssyncset.done $0x0  }
0x18: {  	[sflag:s23] =	ssyncadd.s32 s2;
	_ =	sdelay $0x1  }
0x19: {  	s24 =	simm.s32 $0x1B8B  }
0x1a: {  	_ =	swait.ge [sflag:s24], $0x1  }
0x1b: {  	[sflag:s24] =	ssyncset.done $0x0  }
0x1c: {  	s26 =	simm.s32 $0x1B8E;
	s25 =	sld [smem:$0x3FFE];
	[sflag:s24] =	ssyncadd.s32 $0xFFFFFFFF  }
0x1d: {  	s27 =	simm.s32 $execute0_lowered;
	[smem:$0x3FD2] =	sst s26  }
0x1e: {  	s4 =	sshll.u32 s27, $0x1;
	_ =	strace $0x80000049;
	[dreg:$0x1] =	wrdreg $0xFFFFFFFF  }
0x1f: {  	s28 =	simm.s32 $_size_execute0_lowered;
	s1 =	sadd.s32 s1, s4;
	[dreg:$0x0] =	wrdreg $0x0  }
0x20: {  	s4 =	sshll.u32 s28, $0x1;
	[dreg:$0x2] =	wrdreg s1  }
0x21: {  	[dreg:$0x3] =	wrdreg s4  }
0x22: {  	[dreg:$0x4] =	wrdreg $0xC0  }
0x23: {  	_ =	task [dreg:s6], $0x5FFFF  }
0x24: {  	[dreg:$0x1] =	wrdreg $0xFFFFFFFF  }
0x25: {  	[dreg:$0x0] =	wrdreg $0x60  }
0x26: {  	[dreg:$0x2] =	wrdreg s25  }
0x27: {  	[dreg:$0x3] =	wrdreg $0x9  }
0x28: {  	_ =	task.clear_ibuf [dreg:s6], $0x4FFFF;
	_ =	strace $0x90000049  }
0x29: {  	s29 =	simm.s32 $0x9;
	_ =	strace $0x8000004B  }
0x2a: {  	_ =	swait.ge [sflag:s29], $0x1  }
0x2b: {  	[sflag:s29] =	ssyncadd.s32 $0xFFFFFFFF  }
0x2c: {  	_ =	strace $0x9000004B  }
0x2d: {  	_ =	sfence  }
0x2e: {  	s30 =	sld [smem:$0x0];
	_ =	sdelay $0x2  }
0x2f: {  	s31 =	sshll.u32 s3, $0xD;
	s3 =	sshrl.u32 s3, $0x2  }
0x30: {  	s2 =	sand.u32 $0x4000, s31;
	s1 =	sadd.s32 s3, s30  }
0x31: {  	s0 =	sor.u32 s2, s0;
	s1 =	sshll.u32 s1, $0x11  }
0x32: {  	s0 =	sor.u32 s1, s0  }
0x33: {  	s0 =	sadd.s32 $0x8F2B, s0  }
0x34: {  	[sflag:s0] =	ssyncadd.remote.s32 $0x1  }
0x35: {  	_ =	sfence.sel $0xFFFF  }
0x36: {  	[dreg:$0x0] =	wrdreg $0xFFFFFFFF;
	(pc) =	sbr.abs _section_cstart, $3  }
0x37: {  	[dreg:$0x1] =	wrdreg $0xFFFFFFFF  }
0x38: {  	_ =	task.clear_ibuf [dreg:s6], $0x2FFFF;
	_ =	strace $0x9FFFFFFF  }
0x39: {  	(tm) =	ssettm $0x7FFFFFFF  }
tec
execute0_lowered:
.L_overlay_start_1:
0x0: {  	(tag) =	ssettag $0x1  }
0x1: {  	s1 =	rddreg [dreg:$0x0]  }
0x2: {  	s0 =	rddreg [dreg:$0x1]  }
0x3: {  	_ =	strace $0x8000004A;
	s4 =	srdreg.scid;
	s6 =	simm.s32 $0x2  }
0x4: {  	s11 =	simm.s32 $0x0;
	p0 =	por $0x0, $0x0;
	s7 =	simm.s32 $0x2000  }
.Ltmp0:
0x5: {  	s12 =	simm.s32 $0x0;
	s9 =	simm.s32 $0x0;
	(pc) =	sbr.rel .LBB1_1-.Ltmp0, $4  }
0x6: {  	s2 =	sadd.s32 $0xA4400, s1;
	s3 =	sadd.s32 $0x8A4400, s1;
	s5 =	sshll.u32 s4, $0x4  }
0x7: {  	s1 =	stileid.u32;
	s4 =	simm.s32 $0x1;
	s5 =	sand.u32 $0x10, s5  }
0x8: {  	s8 =	simm.s32 $0x0;
	[sflag:s4] =	ssyncpa.u1 $0x0;
	s5 =	sor.u32 s1, s5  }
0x9: {  	[sflag:s6] =	ssyncpa.u1 $0x0;
	s6 =	simm.s32 $0x800;
	s10 =	smov.u32 s5  }
.LBB1_7:
0xa: {  	s13 =	sadd.s32 $0x10, s9  }
0xb: {  	s11 =	sadd.s32 $0x20, s10;
	s15 =	smov.u32 s10;
	p2 =	sgt.s32 s13, $0x3F  }
0xc: {  	p1 =	slt.u32 s8, $0x2;
	s15 =	smov.u32 @p2 s11  }
0xd: {  	s8 =	sadd.s32 $0x1, s8;
	s13 =	simm.s32 @p2 $0x0;
	p2 =	sgt.s32 s15, $0x3FF  }
0xe: {  	s15 =	smov.u32 @p2 s5;
	p2 =	sne.s32 s8, $0x82  }
.Ltmp1:
0xf: {  	_ = 	snop;
	(pc) =	sbr.rel @!p2 .LBB1_8-.Ltmp1, $4  }
0x10: {  	s14 =	simm.s32 @!p1 $0x2  }
0x11: {  	s12 =	smov.u32 s10;
	_ =	swait.ge @!p1 [sflag:s14], $0x4000  }
0x12: {  	p0 =	por !p0, !p0;
	s11 =	smov.u32 s9;
	[sflag:s14] =	ssyncset.done @!p1 $0x0  }
0x13: {  	s9 =	smov.u32 s13;
	[sflag:s14] =	ssyncadd.s32 @!p1 $0xFFFFC000;
	s10 =	smov.u32 s15  }
.LBB1_1:
0x14: {  	p1 =	sgt.u32 s8, $0x7F  }
0x15: {  	s13 =	sxor.u32 @!p1 $0xFFFFFFFF, s8;
	s14 =	sshll.u32 @!p1 s10, $0xD  }
0x16: {  	s15 =	sshll.u32 @!p1 s9, $0x7;
	s13 =	sshll.u32 @!p1 s13, $0xE;
	s14 =	sadd.s32 @!p1 s2, s14  }
0x17: {  	s13 =	sand.u32 @!p1 $0x4000, s13;
	s14 =	sadd.s32 @!p1 s15, s14;
	s15 =	simm.s32 @!p1 $0x0  }
0x18: {  	[tilespmem:s13], [sflag:$0x1] =	stream.linear.gather @!p1 [hbm4b:s14+s15], $0x4000, $0x38;
	[tilespmem:$0x10000] =	vst v63  }
0x19: {  	p1 =	seq.s32 s8, $0x0  }
0x1a: {  	p2 =	seq.s32 @!p1 s8, $0x81  }
0x1b: {  	p1 =	por p1, p2  }
.Ltmp2:
0x1c: {  	_ = 	snop;
	(pc) =	sbr.rel @p1 .LBB1_7-.Ltmp2, $1  }
0x1d: {  	_ =	sdelay $0x3  }
0x1e: {  	s13 =	simm.s32 $0x1;
	_ =	swait.ge [sflag:s4], $0x4000;
	s16 =	sshll.u32 s8, $0xE  }
0x1f: {  	s13 =	simm.s32 @!p0 $0x0;
	[sflag:s4] =	ssyncset.done $0x0;
	s31 =	sand.u32 $0x4000, s16  }
0x20: {  	s16 =	simm.s32 $0x0;
	s14 =	sshll.u32 s13, $0xE;
	[sflag:s4] =	ssyncadd.s32 $0xFFFFC000  }
0x21: {  	s13 =	sor.u32 $0x8040, s14;
	s15 =	sor.u32 $0x40, s14;
	s14 =	sor.u32 $0x8000, s31  }
.LBB1_3:
0x22: {  	v0 =	vmov s15;
	_ =	sdelay $0x3  }
0x23: {  	s18 =	simm.s32 $0x0  }
0x24: {  	v6 =	vld.idx.msk [tilespmem:v0+s18+$0x30 ss:$0x1], $0xffff  }
0x25: {  	v7 =	vld.idx.msk [tilespmem:v0+s18+$0xFFFFFFC0 ss:$0x1], $0xffff  }
0x26: {  	v5 =	vld.idx.msk [tilespmem:v0+s18+$0xFFFFFFD0 ss:$0x1], $0xffff  }
0x27: {  	v4 =	vld.idx.msk [tilespmem:v0+s18+$0xFFFFFFE0 ss:$0x1], $0xffff  }
0x28: {  	v3 =	vld.idx.msk [tilespmem:v0+s18+$0xFFFFFFF0 ss:$0x1], $0xffff  }
0x29: {  	v1 =	vld.idx.msk [tilespmem:v0+s18+$0x0 ss:$0x1], $0xffff  }
0x2a: {  	v2 =	vld.idx.msk [tilespmem:v0+s18+$0x10 ss:$0x1], $0xffff;
	[tilespmem:s13+$0x30] =	vst v6  }
0x2b: {  	s17 =	simm.s32 $0x80;
	s19 =	simm.s32 $0x400;
	[tilespmem:s13+$0xFFFFFFC0] =	vst v7;
	v6 =	vld.idx.msk [tilespmem:v0+s18+$0x20 ss:$0x1], $0xffff;
	s18 =	smov.u32 s13  }
.LBB1_4:
0x2c: {  	p1 =	sne.s32 s19, $0xE00;
	v7 =	vld.idx.msk [tilespmem:v0+s17+$0x30 ss:$0x1], $0xffff;
	[tilespmem:s18+$0xFFFFFFD0] =	vst v5  }
0x2d: {  	v8 =	vld.idx.msk [tilespmem:v0+s17+$0xFFFFFFC0 ss:$0x1], $0xffff;
	[tilespmem:s18+$0xFFFFFFE0] =	vst v4  }
0x2e: {  	v5 =	vld.idx.msk [tilespmem:v0+s17+$0xFFFFFFD0 ss:$0x1], $0xffff;
	[tilespmem:s18+$0xFFFFFFF0] =	vst v3  }
.Ltmp3:
0x2f: {  	v4 =	vld.idx.msk [tilespmem:v0+s17+$0xFFFFFFE0 ss:$0x1], $0xffff;
	[tilespmem:s18+$0x0] =	vst v1;
	(pc) =	sbr.rel @p1 .LBB1_4-.Ltmp3, $4  }
0x30: {  	v3 =	vld.idx.msk [tilespmem:v0+s17+$0xFFFFFFF0 ss:$0x1], $0xffff;
	[tilespmem:s18+$0x10] =	vst v2  }
0x31: {  	v1 =	vld.idx.msk [tilespmem:v0+s17+$0x0 ss:$0x1], $0xffff;
	[tilespmem:s18+$0x20] =	vst v6;
	s18 =	sadd.s32 $0x800, s18  }
0x32: {  	v2 =	vld.idx.msk [tilespmem:v0+s17+$0x10 ss:$0x1], $0xffff;
	[tilespmem:s18+$0x30] =	vst v7  }
0x33: {  	[tilespmem:s18+$0xFFFFFFC0] =	vst v8;
	v6 =	vld.idx.msk [tilespmem:v0+s17+$0x20 ss:$0x1], $0xffff;
	s17 =	sshra.s32 s19, $0x2;
	s19 =	sadd.s32 $0x200, s19  }
0x34: {  	_ =	sdelay $0x2  }
0x35: {  	[tilespmem:s18+$0xFFFFFFD0] =	vst v5  }
0x36: {  	v56 =	vld.idx.msk [tilespmem:v0+s17+$0x30 ss:$0x1], $0xffff;
	[tilespmem:s18+$0xFFFFFFE0] =	vst v4  }
0x37: {  	v57 =	vld.idx.msk [tilespmem:v0+s17+$0xFFFFFFC0 ss:$0x1], $0xffff;
	[tilespmem:s18+$0xFFFFFFF0] =	vst v3  }
0x38: {  	v58 =	vld.idx.msk [tilespmem:v0+s17+$0xFFFFFFD0 ss:$0x1], $0xffff;
	[tilespmem:s18+$0x0] =	vst v1  }
0x39: {  	v59 =	vld.idx.msk [tilespmem:v0+s17+$0xFFFFFFE0 ss:$0x1], $0xffff;
	[tilespmem:s18+$0x10] =	vst v2  }
0x3a: {  	v60 =	vld.idx.msk [tilespmem:v0+s17+$0xFFFFFFF0 ss:$0x1], $0xffff;
	s31 =	sadd.s32 $0x800, s18;
	[tilespmem:s18+$0x20] =	vst v6  }
0x3b: {  	v61 =	vld.idx.msk [tilespmem:v0+s17+$0x0 ss:$0x1], $0xffff;
	[tilespmem:s31+$0x30] =	vst v56  }
0x3c: {  	v62 =	vld.idx.msk [tilespmem:v0+s17+$0x10 ss:$0x1], $0xffff;
	s16 =	sadd.s32 $0x1, s16;
	[tilespmem:s31+$0xFFFFFFC0] =	vst v57  }
0x3d: {  	v63 =	vld.idx.msk [tilespmem:v0+s17+$0x20 ss:$0x1], $0xffff;
	p1 =	sne.s32 s16, $0x10;
	[tilespmem:s31+$0xFFFFFFD0] =	vst v58  }
.Ltmp4:
0x3e: {  	[tilespmem:s31+$0xFFFFFFE0] =	vst v59;
	(pc) =	sbr.rel @p1 .LBB1_3-.Ltmp4, $4  }
0x3f: {  	[tilespmem:s31+$0xFFFFFFF0] =	vst v60  }
0x40: {  	[tilespmem:s31+$0x0] =	vst v61  }
0x41: {  	[tilespmem:s31+$0x10] =	vst v62  }
0x42: {  	s13 =	sadd.s32 $0x80, s13;
	s15 =	sadd.s32 $0x400, s15;
	[tilespmem:s31+$0x20] =	vst v63  }
.Ltmp5:
0x43: {  	(pc) =	sbr.rel .LBB1_7-.Ltmp5, $4  }
0x44: {  	s12 =	sshll.u32 s12, $0xD;
	s11 =	sshll.u32 s11, $0x4  }
0x45: {  	s11 =	sand.u32 $0x3F0, s11;
	s12 =	sadd.s32 s3, s12  }
0x46: {  	s11 =	sadd.s32 s11, s12  }
0x47: {  	[hbm4b:s11+s6] =	stream.strided.scatter [tilespmem:s14], [sflag:$0x2], $0x4000, s7, s6, $0x38;
	[tilespmem:$0x10000] =	vst v63  }
.LBB1_8:
0x48: {  	_ =	sfence.sel $0x180000  }
0x49: {  	s2 =	simm.s32 $0x1;
	[bflag:$0x0] =	sbarrier.arrive $0xFFFF  }
0x4a: {  	s31 =	simm.s32 $0x2;
	[sflag:s2] =	ssyncpa.u1 $0x1  }
0x4b: {  	[sflag:s31] =	ssyncpa.u1 $0x1  }
0x4c: {  	p0 =	sne.s32 s1, $0x0;
	_ =	strace $0x9000004A  }
0x4d: {  	s0 =	sadd.s32 @!p0 $0x100000, s0;
	[bflag:$0x2] =	sbarrier.arrive $0xFFFF  }
0x4e: {  	[sflag:s0] =	ssyncadd.tile.s32 @!p0 $0x1;
	_ =	shalt  }
.Lfunc_end1:
_tile_overlayer_lowered:
.L_overlay_start_2:
0x4f: {  	(tag) =	ssettag $0x2  }
0x50: {  	s0 =	rddreg [dreg:$0x0];
	s2 =	stileid.u32  }
0x51: {  	s1 =	rddreg [dreg:$0x1];
	p0 =	sne.s32 s2, $0x0  }
0x52: {  	s3 =	rddreg [dreg:$0x2];
	[bflag:$0x3] =	sbarrier.arrive $0xFFFF;
	s2 =	simm.s32 @!p0 $0x1C01  }
0x53: {  	[timem:s3], [sflag:s2] =	dma.local @!p0 [hbm:s0], s1  }
0x54: {  	s0 =	simm.s32 @!p0 $0x1  }
0x55: {  	_ =	swait.ge @!p0 [sflag:s0], s1  }
0x56: {  	s1 =	ssub.s32 @!p0 $0x0, s1;
	[sflag:s0] =	ssyncset.done @!p0 $0x0  }
0x57: {  	[sflag:s0] =	ssyncadd.s32 @!p0 s1  }
0x58: {  	[bflag:$0x3] =	sbarrier.arrive $0xFFFF  }
0x59: {  	_ =	shalt  }

// kernel: sparse-core-data-format-call.cloned.1.call-start
scs
called_computation_lowered:
.L_overlay_start_0:
0x0: {  	s1 =	sld [smem:$0x3FD9]  }
0x1: {  	s2 =	sld [smem:$0x3FFE];
	_ =	sdelay $0x1  }
0x2: {  	s3 =	srdreg.scid  }
0x3: {  	s0 =	sand.u32 $0x1, s3  }
0x4: {  	s17 =	sshll.u32 s0, $0xA;
	s1 =	sadd.s32 s2, s1  }
0x5: {  	s1 =	sadd.s32 s1, s17  }
0x6: {  	[smem:$0x3FC0] =	sst s1  }
0x7: {  	_ = 	snop  }
0x8: {  	(tm) =	ssettm $0x1  }
0x9: {  	s18 =	sld [smem:$0x3FFB];
	_ =	sdelay $0x3  }
0xa: {  	_ =	strace s18  }
0xb: {  	s1 =	sld [smem:$0x3FFC];
	_ =	sdelay $0x3  }
0xc: {  	_ =	strace s1  }
0xd: {  	s1 =	sld [smem:$0x3FFD];
	_ =	sdelay $0x3  }
0xe: {  	_ =	strace s1  }
0xf: {  	_ =	strace $0x8FFFFFFF  }
0x10: {  	s19 =	sld [smem:$0x3FDB];
	_ =	sdelay $0x1  }
0x11: {  	s20 =	simm.s32 $_scs_section_size  }
0x12: {  	s4 =	simm.s32 $_size__tile_overlayer_lowered;
	s5 =	simm.s32 $_tile_overlayer_lowered  }
0x13: {  	s23 =	simm.s32 $0x1BFF;
	s22 =	sshll.u32 s5, $0x1;
	s1 =	sadd.s32 s20, s19  }
0x14: {  	s6 =	simm.s32 $0x0;
	s21 =	sshll.u32 s4, $0x1;
	s4 =	sadd.s32 s22, s1  }
0x15: {  	[timem:s6], [sflag:s23] =	dma.local [hbm:s4], s21  }
0x16: {  	_ =	swait.ge [sflag:s23], s21  }
0x17: {  	s2 =	ssub.s32 $0x0, s21;
	[sflag:s23] =	ssyncset.done $0x0  }
0x18: {  	[sflag:s23] =	ssyncadd.s32 s2;
	_ =	sdelay $0x1  }
0x19: {  	s24 =	simm.s32 $0x1B8B  }
0x1a: {  	_ =	swait.ge [sflag:s24], $0x1  }
0x1b: {  	[sflag:s24] =	ssyncset.done $0x0  }
0x1c: {  	s26 =	simm.s32 $0x1B8E;
	s25 =	sld [smem:$0x3FFE];
	[sflag:s24] =	ssyncadd.s32 $0xFFFFFFFF  }
0x1d: {  	s27 =	simm.s32 $execute0_lowered;
	[smem:$0x3FD2] =	sst s26  }
0x1e: {  	s4 =	sshll.u32 s27, $0x1;
	_ =	strace $0x8000004F;
	[dreg:$0x1] =	wrdreg $0xFFFFFFFF  }
0x1f: {  	s28 =	simm.s32 $_size_execute0_lowered;
	s1 =	sadd.s32 s1, s4;
	[dreg:$0x0] =	wrdreg $0x0  }
0x20: {  	s4 =	sshll.u32 s28, $0x1;
	[dreg:$0x2] =	wrdreg s1  }
0x21: {  	[dreg:$0x3] =	wrdreg s4  }
0x22: {  	[dreg:$0x4] =	wrdreg $0xC0  }
0x23: {  	_ =	task [dreg:s6], $0x5FFFF  }
0x24: {  	[dreg:$0x1] =	wrdreg $0xFFFFFFFF  }
0x25: {  	[dreg:$0x0] =	wrdreg $0x60  }
0x26: {  	[dreg:$0x2] =	wrdreg s25  }
0x27: {  	[dreg:$0x3] =	wrdreg $0x9  }
0x28: {  	_ =	task.clear_ibuf [dreg:s6], $0x4FFFF;
	_ =	strace $0x9000004F  }
0x29: {  	s29 =	simm.s32 $0x9;
	_ =	strace $0x80000051  }
0x2a: {  	_ =	swait.ge [sflag:s29], $0x1  }
0x2b: {  	[sflag:s29] =	ssyncadd.s32 $0xFFFFFFFF  }
0x2c: {  	_ =	strace $0x90000051  }
0x2d: {  	_ =	sfence  }
0x2e: {  	s30 =	sld [smem:$0x0];
	_ =	sdelay $0x2  }
0x2f: {  	s31 =	sshll.u32 s3, $0xD;
	s3 =	sshrl.u32 s3, $0x2  }
0x30: {  	s2 =	sand.u32 $0x4000, s31;
	s1 =	sadd.s32 s3, s30  }
0x31: {  	s0 =	sor.u32 s2, s0;
	s1 =	sshll.u32 s1, $0x11  }
0x32: {  	s0 =	sor.u32 s1, s0  }
0x33: {  	s0 =	sadd.s32 $0x8F2B, s0  }
0x34: {  	[sflag:s0] =	ssyncadd.remote.s32 $0x1  }
0x35: {  	_ =	sfence.sel $0xFFFF  }
0x36: {  	[dreg:$0x0] =	wrdreg $0xFFFFFFFF;
	(pc) =	sbr.abs _section_cstart, $3  }
0x37: {  	[dreg:$0x1] =	wrdreg $0xFFFFFFFF  }
0x38: {  	_ =	task.clear_ibuf [dreg:s6], $0x2FFFF;
	_ =	strace $0x9FFFFFFF  }
0x39: {  	(tm) =	ssettm $0x7FFFFFFF  }
tec
execute0_lowered:
.L_overlay_start_1:
0x0: {  	(tag) =	ssettag $0x1  }
0x1: {  	s10 =	rddreg [dreg:$0x0]  }
0x2: {  	s0 =	rddreg [dreg:$0x1]  }
0x3: {  	s1 =	stileid.u32;
	_ =	strace $0x80000050;
	s5 =	srdreg.scid  }
0x4: {  	s31 =	simm.s32 $0x2;
	s17 =	simm.s32 $0x0;
	s12 =	simm.s32 $0x2000  }
0x5: {  	s18 =	simm.s32 $0x0;
	s19 =	simm.s32 $0x0;
	s15 =	simm.s32 $0x0  }
0x6: {  	s16 =	simm.s32 $0x0;
	s2 =	sshll.u32 s1, $0x7;
	s3 =	sadd.s32 $0xA4400, s10  }
0x7: {  	s4 =	sadd.s32 $0x4A4400, s10;
	s5 =	sand.u32 $0x1, s5;
	s6 =	ssub.s32 $0x800, s2  }
0x8: {  	s8 =	ssub.s32 $0x20, s5;
	s13 =	smov.u32 s5;
	s7 =	sand.u32 $0x780, s6  }
0x9: {  	s9 =	sshrl.u32 s6, $0xB;
	p0 =	sne.s32 s7, $0x0;
	s7 =	simm.s32 $0x1  }
.Ltmp0:
0xa: {  	s11 =	sshrl.u32 s8, $0x1;
	s7 =	simm.s32 @!p0 $0x0;
	(pc) =	sbr.rel .LBB1_1-.Ltmp0, $4  }
0xb: {  	s6 =	simm.s32 $0x1;
	s8 =	ssub.s32 s8, s11;
	s7 =	sadd.s32 s7, s9  }
0xc: {  	s14 =	smov.u32 s2;
	[sflag:s6] =	ssyncpa.u1 $0x0;
	s7 =	smul.u32 s8, s7  }
0xd: {  	[sflag:s31] =	ssyncpa.u1 $0x0;
	p0 =	por $0x0, $0x0;
	s9 =	sadd.s32 $0x2A4400, s10  }
0xe: {  	s8 =	sadd.s32 $0x1A4400, s10;
	s10 =	sadd.s32 $0x3A4400, s10;
	s11 =	sadd.s32 $0x1, s7  }
.LBB1_7:
0xf: {  	s20 =	sadd.s32 $0x2, s13  }
0x10: {  	s17 =	sadd.s32 $0x800, s14;
	s21 =	smov.u32 s14;
	p2 =	sgt.s32 s20, $0x1F  }
0x11: {  	s21 =	smov.u32 @p2 s17  }
0x12: {  	s23 =	smov.u32 s15;
	s17 =	sadd.s32 $0x4, s15;
	p3 =	sgt.s32 s21, $0x7FF  }
0x13: {  	s23 =	smov.u32 @p3 s17  }
0x14: {  	s20 =	smov.u32 @p2 s5;
	p2 =	sgt.s32 s23, $0x3  }
0x15: {  	p1 =	slt.u32 s16, $0x2;
	s23 =	simm.s32 @p2 $0x0;
	p2 =	sne.s32 s16, s11  }
.Ltmp1:
0x16: {  	s22 =	simm.s32 @!p1 $0x2;
	(pc) =	sbr.rel @!p2 .LBB1_8-.Ltmp1, $4  }
0x17: {  	s18 =	smov.u32 s14;
	s19 =	smov.u32 s15;
	_ =	swait.ge @!p1 [sflag:s22], $0x4000  }
0x18: {  	p0 =	por !p0, !p0;
	[sflag:s22] =	ssyncset.done @!p1 $0x0;
	s21 =	smov.u32 @p3 s2  }
0x19: {  	s17 =	smov.u32 s13;
	[sflag:s22] =	ssyncadd.s32 @!p1 $0xFFFFC000;
	s13 =	smov.u32 s20  }
0x1a: {  	s14 =	smov.u32 s21;
	s16 =	sadd.s32 $0x1, s16;
	s15 =	smov.u32 s23  }
.LBB1_1:
0x1b: {  	p1 =	sge.u32 s16, s7  }
0x1c: {  	s20 =	sxor.u32 @!p1 $0xFFFFFFFF, s16;
	s21 =	sshll.u32 @!p1 s15, $0x14;
	s22 =	sshll.u32 @!p1 s14, $0x9  }
0x1d: {  	s24 =	sshll.u32 @!p1 s13, $0x4;
	s25 =	simm.s32 @!p1 $0x20;
	s23 =	sadd.s32 @!p1 s21, s22  }
0x1e: {  	s20 =	sshll.u32 @!p1 s20, $0xE;
	s24 =	sand.u32 @!p1 $0x1F0, s24;
	s23 =	sadd.s32 @!p1 s3, s23  }
0x1f: {  	s26 =	simm.s32 @!p1 $0x1000;
	s20 =	sand.u32 @!p1 $0x4000, s20;
	s23 =	sadd.s32 @!p1 s24, s23  }
0x20: {  	[tilespmem:s20], [sflag:$0x1] =	stream.strided.gather @!p1 [hbm4b:s23+s25], $0x1000, s26, s25, $0x38;
	[tilespmem:$0x10100] =	vst v63  }
0x21: {  	s23 =	sadd.s32 @!p1 s21, s8  }
0x22: {  	s23 =	sadd.s32 @!p1 s22, s23  }
0x23: {  	s27 =	sor.u32 @!p1 $0x1000, s20;
	s23 =	sadd.s32 @!p1 s24, s23  }
0x24: {  	[tilespmem:s27], [sflag:$0x1] =	stream.strided.gather @!p1 [hbm4b:s23+s25], $0x1000, s26, s25, $0x38;
	[tilespmem:$0x10100] =	vst v63  }
0x25: {  	s23 =	sadd.s32 @!p1 s21, s9  }
0x26: {  	s21 =	sadd.s32 @!p1 s21, s10;
	s23 =	sadd.s32 @!p1 s22, s23  }
0x27: {  	s27 =	sor.u32 @!p1 $0x2000, s20;
	s21 =	sadd.s32 @!p1 s22, s21;
	s23 =	sadd.s32 @!p1 s24, s23  }
0x28: {  	[tilespmem:s27], [sflag:$0x1] =	stream.strided.gather @!p1 [hbm4b:s23+s25], $0x1000, s26, s25, $0x38;
	[tilespmem:$0x10100] =	vst v63  }
0x29: {  	s31 =	sadd.s32 $0xFFFFFFFF, s16;
	s20 =	sor.u32 @!p1 $0x3000, s20;
	s21 =	sadd.s32 @!p1 s24, s21  }
0x2a: {  	[tilespmem:s20], [sflag:$0x1] =	stream.strided.gather @!p1 [hbm4b:s21+s25], $0x1000, s26, s25, $0x38;
	[tilespmem:$0x10100] =	vst v63  }
0x2b: {  	p1 =	sge.u32 s31, s7  }
.Ltmp2:
0x2c: {  	_ = 	snop;
	(pc) =	sbr.rel @p1 .LBB1_7-.Ltmp2, $1  }
0x2d: {  	_ =	sdelay $0x3  }
0x2e: {  	s20 =	simm.s32 $0x1;
	s22 =	sand.u32 $0x1, s16  }
0x2f: {  	_ =	swait.ge [sflag:s6], $0x4000;
	s20 =	simm.s32 @!p0 $0x0;
	s23 =	smul.u32 $0x10200, s22  }
0x30: {  	[sflag:s6] =	ssyncset.done $0x0;
	s21 =	smul.u32 $0x10200, s20  }
0x31: {  	s20 =	sshll.u32 s20, $0xE;
	[sflag:s6] =	ssyncadd.s32 $0xFFFFC000  }
0x32: {  	s22 =	sor.u32 $0x10, s20;
	s31 =	sshrl.u32 s23, $0x2;
	s21 =	sshrl.u32 s21, $0x2  }
0x33: {  	s23 =	simm.s32 $0x0;
	s20 =	sor.u32 $0x8000, s31;
	s21 =	sor.u32 $0x8000, s21  }
.LBB1_3:
0x34: {  	v1 =	vld [tilespmem:s22+$0x0]  }
0x35: {  	v0 =	vld [tilespmem:s22+$0xFFFFFFF0];
	_ =	sdelay $0x2  }
0x36: {  	s26 =	sadd.s32 $0x0, s21  }
0x37: {  	s24 =	simm.s32 $0x4;
	s25 =	sadd.s32 $0x20, s22;
	[tilespmem:s26+$0x2040 ss:$0x204] =	vst.msk $0xffff, v1  }
.LBB1_4:
0x38: {  	v1 =	vld [tilespmem:s25+$0x0];
	p1 =	sne.s32 s24, $0x1FC;
	[tilespmem:s26+$0x0 ss:$0x204] =	vst.msk $0xffff, v0;
	s26 =	smov.u32 s24;
	s24 =	sadd.s32 $0x4, s24  }
.Ltmp3:
0x39: {  	v0 =	vld [tilespmem:s25+$0xFFFFFFF0];
	(pc) =	sbr.rel @p1 .LBB1_4-.Ltmp3, $4  }
0x3a: {  	_ = 	snop  }
0x3b: {  	s26 =	sshra.s32 s26, $0x2  }
0x3c: {  	s26 =	sadd.s32 s26, s21  }
0x3d: {  	s25 =	sadd.s32 $0x20, s25;
	[tilespmem:s26+$0x2040 ss:$0x204] =	vst.msk $0xffff, v1  }
0x3e: {  	s23 =	sadd.s32 $0x1, s23  }
0x3f: {  	p1 =	sne.s32 s23, $0x4  }
.Ltmp4:
0x40: {  	_ = 	snop;
	(pc) =	sbr.rel @p1 .LBB1_3-.Ltmp4, $2  }
0x41: {  	_ =	sdelay $0x2  }
0x42: {  	[tilespmem:s26+$0x0 ss:$0x204] =	vst.msk $0xffff, v0;
	s21 =	sadd.s32 $0x81, s21;
	s22 =	sadd.s32 $0x1000, s22  }
0x43: {  	s19 =	sshll.u32 s19, $0x7  }
0x44: {  	s21 =	sand.u32 $0x78, s18;
	s22 =	sshll.u32 s18, $0x2;
	s17 =	sshll.u32 s17, $0xF  }
0x45: {  	s30 =	sshrl.u32 s18, $0x1;
	s31 =	sand.u32 $0x7, s18;
	s19 =	sand.u32 $0x180, s19  }
.Ltmp5:
0x46: {  	s22 =	sand.u32 $0x600, s22;
	s19 =	sor.u32 s19, s21;
	(pc) =	sbr.rel .LBB1_7-.Ltmp5, $4  }
0x47: {  	s17 =	sadd.s32 s4, s17;
	s21 =	sand.u32 $0x300, s30;
	s19 =	sor.u32 s22, s19  }
0x48: {  	s18 =	sshll.u32 s31, $0x12;
	s17 =	sadd.s32 s21, s17;
	s19 =	sshrl.u32 s19, $0x3  }
0x49: {  	s18 =	sor.u32 $0x200, s18;
	s17 =	sadd.s32 s19, s17  }
0x4a: {  	[hbm4b:s17+s18] =	stream.strided.scatter [tilespmem:s20], [sflag:$0x2], $0x4000, s12, s18, $0x20;
	[tilespmem:$0x10100] =	vst v63  }
.LBB1_8:
0x4b: {  	_ =	sfence.sel $0x180000  }
0x4c: {  	s2 =	simm.s32 $0x1;
	[bflag:$0x0] =	sbarrier.arrive $0xFFFF  }
0x4d: {  	s31 =	simm.s32 $0x2;
	[sflag:s2] =	ssyncpa.u1 $0x1  }
0x4e: {  	[sflag:s31] =	ssyncpa.u1 $0x1  }
0x4f: {  	p0 =	sne.s32 s1, $0x0;
	_ =	strace $0x90000050  }
0x50: {  	s0 =	sadd.s32 @!p0 $0x100000, s0;
	[bflag:$0x2] =	sbarrier.arrive $0xFFFF  }
0x51: {  	[sflag:s0] =	ssyncadd.tile.s32 @!p0 $0x1;
	_ =	shalt  }
.Lfunc_end1:
_tile_overlayer_lowered:
.L_overlay_start_2:
0x52: {  	(tag) =	ssettag $0x2  }
0x53: {  	s0 =	rddreg [dreg:$0x0];
	s2 =	stileid.u32  }
0x54: {  	s1 =	rddreg [dreg:$0x1];
	p0 =	sne.s32 s2, $0x0  }
0x55: {  	s3 =	rddreg [dreg:$0x2];
	[bflag:$0x3] =	sbarrier.arrive $0xFFFF;
	s2 =	simm.s32 @!p0 $0x1C01  }
0x56: {  	[timem:s3], [sflag:s2] =	dma.local @!p0 [hbm:s0], s1  }
0x57: {  	s0 =	simm.s32 @!p0 $0x1  }
0x58: {  	_ =	swait.ge @!p0 [sflag:s0], s1  }
0x59: {  	s1 =	ssub.s32 @!p0 $0x0, s1;
	[sflag:s0] =	ssyncset.done @!p0 $0x0  }
0x5a: {  	[sflag:s0] =	ssyncadd.s32 @!p0 s1  }
0x5b: {  	[bflag:$0x3] =	sbarrier.arrive $0xFFFF  }
0x5c: {  	_ =	shalt  }

</sc_bundles>
